<compile_context>
chip_gen: v7x
topology: tpu7x:2x2x1
jax: 0.10.2.dev20260603
libtpu: 0.0.44.dev20260713+nightly
codegen_flags: <defaults>
</compile_context>

<pallas_src>
import functools

import jax
import jax.numpy as jnp
from jax import lax
from jax.experimental import pallas as pl
from jax.experimental.pallas import tpu as pltpu
from jax.experimental.pallas import tpu_sc as plsc

NUM_TASKS = 100000
NUM_EXPERTS = 128
BATCH = 16384

_NC = 2
_NS = 16
_NW = _NC * _NS
_B_PER_W = BATCH // _NW
_CHUNK = 128
_NCHUNK = _B_PER_W // _CHUNK
_L = 16


def _transpose_chunk(rows_c, trans_v, c, iota, rots):
    c_splat = jnp.full((_L,), c, jnp.int32)
    n_tiles = (NUM_EXPERTS // _L) * (_CHUNK // _L)

    @plsc.parallel_loop(0, n_tiles, unroll=2)
    def t_body(t):
        e0 = (t // (_CHUNK // _L)) * _L
        b0 = (t % (_CHUNK // _L)) * _L
        row = iota + b0
        for j in range(_L):
            col = rots[j] + e0
            v = plsc.load_gather(rows_c, [row, col])
            plsc.store_scatter(trans_v, [col, c_splat, row], v)


def _sc_gather_transpose(table, idx3):
    mesh = plsc.VectorSubcoreMesh(core_axis_name="c", subcore_axis_name="s")

    @functools.partial(
        pl.kernel,
        out_type=jax.ShapeDtypeStruct(
            (NUM_EXPERTS, BATCH // _CHUNK, _CHUNK), jnp.float32
        ),
        mesh=mesh,
        compiler_params=pltpu.CompilerParams(needs_layout_passes=False),
        scratch_types=[
            pltpu.VMEM((_NCHUNK, _CHUNK), jnp.int32),
            pltpu.VMEM((_CHUNK, NUM_EXPERTS), jnp.float32),
            pltpu.VMEM((_CHUNK, NUM_EXPERTS), jnp.float32),
            pltpu.VMEM((NUM_EXPERTS, _NCHUNK, _CHUNK), jnp.float32),
            pltpu.SemaphoreType.DMA,
            pltpu.SemaphoreType.DMA,
            pltpu.SemaphoreType.DMA,
        ],
    )
    def k(table_hbm, idx_hbm, out_hbm, idx_v, r0, r1, trans_v, g0, g1, wsem):
        rows = [r0, r1]
        gsems = [g0, g1]
        wid = lax.axis_index("s") * _NC + lax.axis_index("c")
        pltpu.sync_copy(idx_hbm.at[wid], idx_v)
        gathers = [
            pltpu.async_copy(table_hbm.at[idx_v.at[c]], rows[c], gsems[c])
            for c in range(2)
        ]
        iota = lax.iota(jnp.int32, _L)
        rots = [(iota + j) & (_L - 1) for j in range(_L)]
        half = _NCHUNK // 2
        w0 = None
        for c in range(_NCHUNK):
            gathers[c].wait()
            _transpose_chunk(rows[c % 2], trans_v, c, iota, rots)
            if c + 2 < _NCHUNK:
                gathers.append(
                    pltpu.async_copy(
                        table_hbm.at[idx_v.at[c + 2]], rows[c % 2], gsems[c % 2]
                    )
                )
            if c == half - 1:
                w0 = pltpu.async_copy(
                    trans_v.at[:, pl.ds(0, half), :],
                    out_hbm.at[:, pl.ds(wid * _NCHUNK, half), :],
                    wsem,
                )
        w1 = pltpu.async_copy(
            trans_v.at[:, pl.ds(half, half), :],
            out_hbm.at[:, pl.ds(wid * _NCHUNK + half, half), :],
            wsem,
        )
        w0.wait()
        w1.wait()

    return k(table, idx3)


def kernel(env_index, task_index_to_mask):
    idx = env_index.reshape(_NW, _NCHUNK, _CHUNK).astype(jnp.int32)
    out = _sc_gather_transpose(task_index_to_mask, idx)
    return out.reshape(NUM_EXPERTS, BATCH)[:, :, None]

# --- scband reference (transcript-rebuilt; emitter-appended) ---
"""Pipeline reference for scband-mixture-of-experts-29386166239540 (READ-ONLY COPY).

The authoritative reference and input builder live on the scoring server;
editing this copy changes nothing except your own understanding.
"""

import jax, jax.numpy as jnp
import numpy as np

NUM_TASKS = 100000
NUM_EXPERTS = 128
BATCH = 16384


def setup_inputs(seed: int = 0) -> dict:
    key = jax.random.key(seed)
    k1, k2 = jax.random.split(key)
    # task_index_to_mask acts as the (buffer) lookup table mapping task -> expert mask
    task_index_to_mask = jax.random.uniform(k1, (NUM_TASKS, NUM_EXPERTS), dtype=jnp.float32)
    env_index = jax.random.randint(k2, (BATCH, 1), 0, NUM_TASKS)
    return {"env_index": env_index, "task_index_to_mask": task_index_to_mask}


def reference(env_index, task_index_to_mask):
    # MaskCache._make_mask: encoder_mask = task_index_to_mask[env_index.squeeze()]
    idx = jnp.squeeze(env_index)
    encoder_mask = jnp.take(task_index_to_mask, idx, axis=0)
    if encoder_mask.ndim == 1:
        encoder_mask = encoder_mask[None, :]
    # encoder_mask.t().unsqueeze(2)
    return jnp.transpose(encoder_mask)[:, :, None]

if __name__ == "__main__":
    import jax
    _d = setup_inputs()
    print(jax.jit(kernel)(*tuple(_d.values())))

</pallas_src>

<mosaic_0001>
#map = affine_map<(d0, d1) -> (0, 0)>
#map1 = affine_map<(d0, d1) -> (0, 0, 0)>
module attributes {stable_mosaic.version = 14 : i64} {
  func.func @k(%arg0: i32, %arg1: i32, %arg2: memref<100000x128xf32, #tpu.memory_space<hbm>>, %arg3: memref<32x4x128xi32, #tpu.memory_space<hbm>>, %arg4: memref<128x128x128xf32, #tpu.memory_space<hbm>>, %arg5: memref<4x128xi32, #tpu.memory_space<vmem>>, %arg6: memref<128x128xf32, #tpu.memory_space<vmem>>, %arg7: memref<128x128xf32, #tpu.memory_space<vmem>>, %arg8: memref<128x4x128xf32, #tpu.memory_space<vmem>>, %arg9: memref<!tpu.dma_semaphore, #tpu.memory_space<semaphore_mem>>, %arg10: memref<!tpu.dma_semaphore, #tpu.memory_space<semaphore_mem>>, %arg11: memref<!tpu.dma_semaphore, #tpu.memory_space<semaphore_mem>>) attributes {dimension_semantics = [#tpu.dimension_semantics<core_parallel>, #tpu.dimension_semantics<subcore_parallel>], iteration_bounds = array<i64: 2, 16>, scalar_prefetch = 0 : i64, scratch_operands = 7 : i64, tpu.core_type = #tpu.core_type<sc_vector_subcore>, window_params = [{transform_indices = #map}, {transform_indices = #map1}, {transform_indices = #map1}]} {
    %mul3A = arith.constant 2 : i32
    %mul3A_0 = arith.muli %arg1, %mul3A : i32
    %add3A = arith.addi %mul3A_0, %arg0 : i32
    "tpu.region"() ({
      %run_scoped3A = tpu.sem_alloc : memref<!tpu.dma_semaphore, #tpu.memory_space<semaphore_mem>>
      %dma_start3A_230 = arith.constant 0 : i32
      %dma_start3A_231 = arith.constant 0 : i32
      %dma_start3A_232 = tpu.memref_slice %arg3[%add3A, %dma_start3A_230, %dma_start3A_231] : memref<32x4x128xi32, #tpu.memory_space<hbm>> -> memref<1x4x128xi32, #tpu.memory_space<hbm>>
      %dma_start3A_233 = tpu.memref_squeeze %dma_start3A_232 : memref<1x4x128xi32, #tpu.memory_space<hbm>> -> memref<4x128xi32, #tpu.memory_space<hbm>>
      %dma_start3A_234 = arith.constant 0 : i32
      %dma_start3A_235 = arith.constant 0 : i32
      %dma_start3A_236 = tpu.memref_slice %arg3[%add3A, %dma_start3A_234, %dma_start3A_235] : memref<32x4x128xi32, #tpu.memory_space<hbm>> -> memref<1x4x128xi32, #tpu.memory_space<hbm>>
      %dma_start3A_237 = tpu.memref_squeeze %dma_start3A_236 : memref<1x4x128xi32, #tpu.memory_space<hbm>> -> memref<4x128xi32, #tpu.memory_space<hbm>>
      tpu.enqueue_dma source(%dma_start3A_237 : memref<4x128xi32, #tpu.memory_space<hbm>>) target(%arg5 : memref<4x128xi32, #tpu.memory_space<vmem>>) target_semaphore(%run_scoped3A : memref<!tpu.dma_semaphore, #tpu.memory_space<semaphore_mem>>)
      %dma_wait3A_238 = arith.constant 0 : i32
      %dma_wait3A_239 = arith.constant 0 : i32
      %dma_wait3A_240 = tpu.memref_slice %arg3[%add3A, %dma_wait3A_238, %dma_wait3A_239] : memref<32x4x128xi32, #tpu.memory_space<hbm>> -> memref<1x4x128xi32, #tpu.memory_space<hbm>>
      %dma_wait3A_241 = tpu.memref_squeeze %dma_wait3A_240 : memref<1x4x128xi32, #tpu.memory_space<hbm>> -> memref<4x128xi32, #tpu.memory_space<hbm>>
      %dma_wait3A_242 = arith.constant 0 : i32
      %dma_wait3A_243 = arith.constant 0 : i32
      %dma_wait3A_244 = tpu.memref_slice %arg3[%add3A, %dma_wait3A_242, %dma_wait3A_243] : memref<32x4x128xi32, #tpu.memory_space<hbm>> -> memref<1x4x128xi32, #tpu.memory_space<hbm>>
      %dma_wait3A_245 = tpu.memref_squeeze %dma_wait3A_244 : memref<1x4x128xi32, #tpu.memory_space<hbm>> -> memref<4x128xi32, #tpu.memory_space<hbm>>
      tpu.wait_dma2 semaphore(%run_scoped3A : memref<!tpu.dma_semaphore, #tpu.memory_space<semaphore_mem>>) src(%dma_wait3A_245 : memref<4x128xi32, #tpu.memory_space<hbm>>) dst(%arg5 : memref<4x128xi32, #tpu.memory_space<vmem>>)
      tpu.yield
    }) : () -> ()
    %dma_start3A = arith.constant 0 : i32
    %dma_start3A_1 = arith.constant 0 : i32
    %dma_start3A_2 = tpu.memref_slice %arg5[%dma_start3A, %dma_start3A_1] : memref<4x128xi32, #tpu.memory_space<vmem>> -> memref<1x128xi32, #tpu.memory_space<vmem>>
    %dma_start3A_3 = tpu.memref_squeeze %dma_start3A_2 : memref<1x128xi32, #tpu.memory_space<vmem>> -> memref<128xi32, #tpu.memory_space<vmem>>
    %dma_start3A_4 = arith.constant 0 : i32
    %dma_start3A_5 = arith.constant 0 : i32
    %dma_start3A_6 = tpu.memref_slice %arg2[%dma_start3A_4, %dma_start3A_5] : memref<100000x128xf32, #tpu.memory_space<hbm>> -> memref<100000x128xf32, #tpu.memory_space<hbm>>
    tpu.enqueue_indirect_dma source(%dma_start3A_6 : memref<100000x128xf32, #tpu.memory_space<hbm>>) target(%arg6 : memref<128x128xf32, #tpu.memory_space<vmem>>) offsets(%dma_start3A_3 : memref<128xi32, #tpu.memory_space<vmem>>) semaphore(%arg9 : memref<!tpu.dma_semaphore, #tpu.memory_space<semaphore_mem>>)
    %dma_start3A_7 = arith.constant 1 : i32
    %dma_start3A_8 = arith.constant 0 : i32
    %dma_start3A_9 = tpu.memref_slice %arg5[%dma_start3A_7, %dma_start3A_8] : memref<4x128xi32, #tpu.memory_space<vmem>> -> memref<1x128xi32, #tpu.memory_space<vmem>>
    %dma_start3A_10 = tpu.memref_squeeze %dma_start3A_9 : memref<1x128xi32, #tpu.memory_space<vmem>> -> memref<128xi32, #tpu.memory_space<vmem>>
    %dma_start3A_11 = arith.constant 0 : i32
    %dma_start3A_12 = arith.constant 0 : i32
    %dma_start3A_13 = tpu.memref_slice %arg2[%dma_start3A_11, %dma_start3A_12] : memref<100000x128xf32, #tpu.memory_space<hbm>> -> memref<100000x128xf32, #tpu.memory_space<hbm>>
    tpu.enqueue_indirect_dma source(%dma_start3A_13 : memref<100000x128xf32, #tpu.memory_space<hbm>>) target(%arg7 : memref<128x128xf32, #tpu.memory_space<vmem>>) offsets(%dma_start3A_10 : memref<128xi32, #tpu.memory_space<vmem>>) semaphore(%arg10 : memref<!tpu.dma_semaphore, #tpu.memory_space<semaphore_mem>>)
    %iota3A = tpu.iota {dimensions = array<i32: 0>} : vector<16xi32>
    %add3A_14 = arith.constant 0 : i32
    %add3A_15 = vector.broadcast %add3A_14 : i32 to vector<16xi32>
    %add3A_16 = arith.addi %iota3A, %add3A_15 : vector<16xi32>
    %and3A = arith.constant 15 : i32
    %and3A_17 = vector.broadcast %and3A : i32 to vector<16xi32>
    %and3A_18 = arith.andi %add3A_16, %and3A_17 : vector<16xi32>
    %add3A_19 = arith.constant 1 : i32
    %add3A_20 = vector.broadcast %add3A_19 : i32 to vector<16xi32>
    %add3A_21 = arith.addi %iota3A, %add3A_20 : vector<16xi32>
    %and3A_22 = arith.constant 15 : i32
    %and3A_23 = vector.broadcast %and3A_22 : i32 to vector<16xi32>
    %and3A_24 = arith.andi %add3A_21, %and3A_23 : vector<16xi32>
    %add3A_25 = arith.constant 2 : i32
    %add3A_26 = vector.broadcast %add3A_25 : i32 to vector<16xi32>
    %add3A_27 = arith.addi %iota3A, %add3A_26 : vector<16xi32>
    %and3A_28 = arith.constant 15 : i32
    %and3A_29 = vector.broadcast %and3A_28 : i32 to vector<16xi32>
    %and3A_30 = arith.andi %add3A_27, %and3A_29 : vector<16xi32>
    %add3A_31 = arith.constant 3 : i32
    %add3A_32 = vector.broadcast %add3A_31 : i32 to vector<16xi32>
    %add3A_33 = arith.addi %iota3A, %add3A_32 : vector<16xi32>
    %and3A_34 = arith.constant 15 : i32
    %and3A_35 = vector.broadcast %and3A_34 : i32 to vector<16xi32>
    %and3A_36 = arith.andi %add3A_33, %and3A_35 : vector<16xi32>
    %add3A_37 = arith.constant 4 : i32
    %add3A_38 = vector.broadcast %add3A_37 : i32 to vector<16xi32>
    %add3A_39 = arith.addi %iota3A, %add3A_38 : vector<16xi32>
    %and3A_40 = arith.constant 15 : i32
    %and3A_41 = vector.broadcast %and3A_40 : i32 to vector<16xi32>
    %and3A_42 = arith.andi %add3A_39, %and3A_41 : vector<16xi32>
    %add3A_43 = arith.constant 5 : i32
    %add3A_44 = vector.broadcast %add3A_43 : i32 to vector<16xi32>
    %add3A_45 = arith.addi %iota3A, %add3A_44 : vector<16xi32>
    %and3A_46 = arith.constant 15 : i32
    %and3A_47 = vector.broadcast %and3A_46 : i32 to vector<16xi32>
    %and3A_48 = arith.andi %add3A_45, %and3A_47 : vector<16xi32>
    %add3A_49 = arith.constant 6 : i32
    %add3A_50 = vector.broadcast %add3A_49 : i32 to vector<16xi32>
    %add3A_51 = arith.addi %iota3A, %add3A_50 : vector<16xi32>
    %and3A_52 = arith.constant 15 : i32
    %and3A_53 = vector.broadcast %and3A_52 : i32 to vector<16xi32>
    %and3A_54 = arith.andi %add3A_51, %and3A_53 : vector<16xi32>
    %add3A_55 = arith.constant 7 : i32
    %add3A_56 = vector.broadcast %add3A_55 : i32 to vector<16xi32>
    %add3A_57 = arith.addi %iota3A, %add3A_56 : vector<16xi32>
    %and3A_58 = arith.constant 15 : i32
    %and3A_59 = vector.broadcast %and3A_58 : i32 to vector<16xi32>
    %and3A_60 = arith.andi %add3A_57, %and3A_59 : vector<16xi32>
    %add3A_61 = arith.constant 8 : i32
    %add3A_62 = vector.broadcast %add3A_61 : i32 to vector<16xi32>
    %add3A_63 = arith.addi %iota3A, %add3A_62 : vector<16xi32>
    %and3A_64 = arith.constant 15 : i32
    %and3A_65 = vector.broadcast %and3A_64 : i32 to vector<16xi32>
    %and3A_66 = arith.andi %add3A_63, %and3A_65 : vector<16xi32>
    %add3A_67 = arith.constant 9 : i32
    %add3A_68 = vector.broadcast %add3A_67 : i32 to vector<16xi32>
    %add3A_69 = arith.addi %iota3A, %add3A_68 : vector<16xi32>
    %and3A_70 = arith.constant 15 : i32
    %and3A_71 = vector.broadcast %and3A_70 : i32 to vector<16xi32>
    %and3A_72 = arith.andi %add3A_69, %and3A_71 : vector<16xi32>
    %add3A_73 = arith.constant 10 : i32
    %add3A_74 = vector.broadcast %add3A_73 : i32 to vector<16xi32>
    %add3A_75 = arith.addi %iota3A, %add3A_74 : vector<16xi32>
    %and3A_76 = arith.constant 15 : i32
    %and3A_77 = vector.broadcast %and3A_76 : i32 to vector<16xi32>
    %and3A_78 = arith.andi %add3A_75, %and3A_77 : vector<16xi32>
    %add3A_79 = arith.constant 11 : i32
    %add3A_80 = vector.broadcast %add3A_79 : i32 to vector<16xi32>
    %add3A_81 = arith.addi %iota3A, %add3A_80 : vector<16xi32>
    %and3A_82 = arith.constant 15 : i32
    %and3A_83 = vector.broadcast %and3A_82 : i32 to vector<16xi32>
    %and3A_84 = arith.andi %add3A_81, %and3A_83 : vector<16xi32>
    %add3A_85 = arith.constant 12 : i32
    %add3A_86 = vector.broadcast %add3A_85 : i32 to vector<16xi32>
    %add3A_87 = arith.addi %iota3A, %add3A_86 : vector<16xi32>
    %and3A_88 = arith.constant 15 : i32
    %and3A_89 = vector.broadcast %and3A_88 : i32 to vector<16xi32>
    %and3A_90 = arith.andi %add3A_87, %and3A_89 : vector<16xi32>
    %add3A_91 = arith.constant 13 : i32
    %add3A_92 = vector.broadcast %add3A_91 : i32 to vector<16xi32>
    %add3A_93 = arith.addi %iota3A, %add3A_92 : vector<16xi32>
    %and3A_94 = arith.constant 15 : i32
    %and3A_95 = vector.broadcast %and3A_94 : i32 to vector<16xi32>
    %and3A_96 = arith.andi %add3A_93, %and3A_95 : vector<16xi32>
    %add3A_97 = arith.constant 14 : i32
    %add3A_98 = vector.broadcast %add3A_97 : i32 to vector<16xi32>
    %add3A_99 = arith.addi %iota3A, %add3A_98 : vector<16xi32>
    %and3A_100 = arith.constant 15 : i32
    %and3A_101 = vector.broadcast %and3A_100 : i32 to vector<16xi32>
    %and3A_102 = arith.andi %add3A_99, %and3A_101 : vector<16xi32>
    %add3A_103 = arith.constant 15 : i32
    %add3A_104 = vector.broadcast %add3A_103 : i32 to vector<16xi32>
    %add3A_105 = arith.addi %iota3A, %add3A_104 : vector<16xi32>
    %and3A_106 = arith.constant 15 : i32
    %and3A_107 = vector.broadcast %and3A_106 : i32 to vector<16xi32>
    %and3A_108 = arith.andi %add3A_105, %and3A_107 : vector<16xi32>
    %dma_wait3A = arith.constant 0 : i32
    %dma_wait3A_109 = arith.constant 0 : i32
    %dma_wait3A_110 = tpu.memref_slice %arg5[%dma_wait3A, %dma_wait3A_109] : memref<4x128xi32, #tpu.memory_space<vmem>> -> memref<1x128xi32, #tpu.memory_space<vmem>>
    %dma_wait3A_111 = tpu.memref_squeeze %dma_wait3A_110 : memref<1x128xi32, #tpu.memory_space<vmem>> -> memref<128xi32, #tpu.memory_space<vmem>>
    %dma_wait3A_112 = arith.constant 0 : i32
    %dma_wait3A_113 = arith.constant 0 : i32
    %dma_wait3A_114 = tpu.memref_slice %arg2[%dma_wait3A_112, %dma_wait3A_113] : memref<100000x128xf32, #tpu.memory_space<hbm>> -> memref<100000x128xf32, #tpu.memory_space<hbm>>
    tpu.wait_indirect_dma semaphore(%arg9 : memref<!tpu.dma_semaphore, #tpu.memory_space<semaphore_mem>>) src(%dma_wait3A_114 : memref<100000x128xf32, #tpu.memory_space<hbm>>) dst(%arg6 : memref<128x128xf32, #tpu.memory_space<vmem>>)
    %broadcast_in_dim3A = arith.constant 0 : i32
    %broadcast_in_dim3A_115 = vector.broadcast %broadcast_in_dim3A : i32 to vector<16xi32>
    %parallel_loop3A = arith.constant 0 : i32
    %parallel_loop3A_116 = arith.constant 64 : i32
    %parallel_loop3A_117 = arith.constant 1 : i32
    scf.for %parallel_loop3A_230 = %parallel_loop3A to %parallel_loop3A_116 step %parallel_loop3A_117  : i32 {
      %parallel_loop3A_231 = arith.constant 8 : i32
      %parallel_loop3A_232 = arith.divsi %parallel_loop3A_230, %parallel_loop3A_231 : i32
      %parallel_loop3A_233 = arith.constant 0 : i32
      %parallel_loop3A_234 = arith.cmpi sgt, %parallel_loop3A_230, %parallel_loop3A_233 : i32
      %parallel_loop3A_235 = arith.extui %parallel_loop3A_234 : i1 to i32
      %parallel_loop3A_236 = arith.constant 0 : i32
      %parallel_loop3A_237 = arith.cmpi slt, %parallel_loop3A_230, %parallel_loop3A_236 : i32
      %parallel_loop3A_238 = arith.extui %parallel_loop3A_237 : i1 to i32
      %parallel_loop3A_239 = arith.subi %parallel_loop3A_235, %parallel_loop3A_238 : i32
      %parallel_loop3A_240 = arith.constant 0 : i32
      %parallel_loop3A_241 = arith.cmpi sgt, %parallel_loop3A_231, %parallel_loop3A_240 : i32
      %parallel_loop3A_242 = arith.extui %parallel_loop3A_241 : i1 to i32
      %parallel_loop3A_243 = arith.constant 0 : i32
      %parallel_loop3A_244 = arith.cmpi slt, %parallel_loop3A_231, %parallel_loop3A_243 : i32
      %parallel_loop3A_245 = arith.extui %parallel_loop3A_244 : i1 to i32
      %parallel_loop3A_246 = arith.subi %parallel_loop3A_242, %parallel_loop3A_245 : i32
      %parallel_loop3A_247 = arith.cmpi ne, %parallel_loop3A_239, %parallel_loop3A_246 : i32
      %parallel_loop3A_248 = arith.remsi %parallel_loop3A_230, %parallel_loop3A_231 : i32
      %parallel_loop3A_249 = arith.constant 0 : i32
      %parallel_loop3A_250 = arith.cmpi ne, %parallel_loop3A_248, %parallel_loop3A_249 : i32
      %parallel_loop3A_251 = arith.andi %parallel_loop3A_247, %parallel_loop3A_250 : i1
      %parallel_loop3A_252 = arith.constant 1 : i32
      %parallel_loop3A_253 = arith.subi %parallel_loop3A_232, %parallel_loop3A_252 : i32
      %parallel_loop3A_254 = arith.select %parallel_loop3A_251, %parallel_loop3A_253, %parallel_loop3A_232 : i32
      %parallel_loop3A_255 = arith.constant 16 : i32
      %parallel_loop3A_256 = arith.muli %parallel_loop3A_254, %parallel_loop3A_255 : i32
      %parallel_loop3A_257 = arith.constant 8 : i32
      %parallel_loop3A_258 = arith.constant 0 : i32
      %parallel_loop3A_259 = arith.cmpi eq, %parallel_loop3A_257, %parallel_loop3A_258 : i32
      %parallel_loop3A_260 = arith.constant 1 : i32
      %parallel_loop3A_261 = arith.select %parallel_loop3A_259, %parallel_loop3A_260, %parallel_loop3A_257 : i32
      %parallel_loop3A_262 = arith.remsi %parallel_loop3A_230, %parallel_loop3A_261 : i32
      %parallel_loop3A_263 = arith.constant 0 : i32
      %parallel_loop3A_264 = arith.cmpi ne, %parallel_loop3A_262, %parallel_loop3A_263 : i32
      %parallel_loop3A_265 = arith.constant 0 : i32
      %parallel_loop3A_266 = arith.cmpi slt, %parallel_loop3A_262, %parallel_loop3A_265 : i32
      %parallel_loop3A_267 = arith.constant 0 : i32
      %parallel_loop3A_268 = arith.cmpi slt, %parallel_loop3A_261, %parallel_loop3A_267 : i32
      %parallel_loop3A_269 = arith.xori %parallel_loop3A_266, %parallel_loop3A_268 : i1
      %parallel_loop3A_270 = arith.andi %parallel_loop3A_269, %parallel_loop3A_264 : i1
      %parallel_loop3A_271 = arith.addi %parallel_loop3A_262, %parallel_loop3A_261 : i32
      %parallel_loop3A_272 = arith.select %parallel_loop3A_270, %parallel_loop3A_271, %parallel_loop3A_262 : i32
      %parallel_loop3A_273 = arith.constant 16 : i32
      %parallel_loop3A_274 = arith.muli %parallel_loop3A_272, %parallel_loop3A_273 : i32
      %parallel_loop3A_275 = vector.broadcast %parallel_loop3A_274 : i32 to vector<16xi32>
      %parallel_loop3A_276 = arith.addi %iota3A, %parallel_loop3A_275 : vector<16xi32>
      %parallel_loop3A_277 = vector.broadcast %parallel_loop3A_256 : i32 to vector<16xi32>
      %parallel_loop3A_278 = arith.addi %and3A_18, %parallel_loop3A_277 : vector<16xi32>
      %parallel_loop3A_279 = tpu.vector_load_idx %arg6[%parallel_loop3A_276, %parallel_loop3A_278] : memref<128x128xf32, #tpu.memory_space<vmem>>[vector<16xi32>, vector<16xi32>], vector<16xf32>,
      tpu.vector_store_idx %arg8[%parallel_loop3A_278, %broadcast_in_dim3A_115, %parallel_loop3A_276], %parallel_loop3A_279 : memref<128x4x128xf32, #tpu.memory_space<vmem>>[vector<16xi32>, vector<16xi32>, vector<16xi32>], vector<16xf32>,
      %parallel_loop3A_280 = vector.broadcast %parallel_loop3A_256 : i32 to vector<16xi32>
      %parallel_loop3A_281 = arith.addi %and3A_24, %parallel_loop3A_280 : vector<16xi32>
      %parallel_loop3A_282 = tpu.vector_load_idx %arg6[%parallel_loop3A_276, %parallel_loop3A_281] : memref<128x128xf32, #tpu.memory_space<vmem>>[vector<16xi32>, vector<16xi32>], vector<16xf32>,
      tpu.vector_store_idx %arg8[%parallel_loop3A_281, %broadcast_in_dim3A_115, %parallel_loop3A_276], %parallel_loop3A_282 : memref<128x4x128xf32, #tpu.memory_space<vmem>>[vector<16xi32>, vector<16xi32>, vector<16xi32>], vector<16xf32>,
      %parallel_loop3A_283 = vector.broadcast %parallel_loop3A_256 : i32 to vector<16xi32>
      %parallel_loop3A_284 = arith.addi %and3A_30, %parallel_loop3A_283 : vector<16xi32>
      %parallel_loop3A_285 = tpu.vector_load_idx %arg6[%parallel_loop3A_276, %parallel_loop3A_284] : memref<128x128xf32, #tpu.memory_space<vmem>>[vector<16xi32>, vector<16xi32>], vector<16xf32>,
      tpu.vector_store_idx %arg8[%parallel_loop3A_284, %broadcast_in_dim3A_115, %parallel_loop3A_276], %parallel_loop3A_285 : memref<128x4x128xf32, #tpu.memory_space<vmem>>[vector<16xi32>, vector<16xi32>, vector<16xi32>], vector<16xf32>,
      %parallel_loop3A_286 = vector.broadcast %parallel_loop3A_256 : i32 to vector<16xi32>
      %parallel_loop3A_287 = arith.addi %and3A_36, %parallel_loop3A_286 : vector<16xi32>
      %parallel_loop3A_288 = tpu.vector_load_idx %arg6[%parallel_loop3A_276, %parallel_loop3A_287] : memref<128x128xf32, #tpu.memory_space<vmem>>[vector<16xi32>, vector<16xi32>], vector<16xf32>,
      tpu.vector_store_idx %arg8[%parallel_loop3A_287, %broadcast_in_dim3A_115, %parallel_loop3A_276], %parallel_loop3A_288 : memref<128x4x128xf32, #tpu.memory_space<vmem>>[vector<16xi32>, vector<16xi32>, vector<16xi32>], vector<16xf32>,
      %parallel_loop3A_289 = vector.broadcast %parallel_loop3A_256 : i32 to vector<16xi32>
      %parallel_loop3A_290 = arith.addi %and3A_42, %parallel_loop3A_289 : vector<16xi32>
      %parallel_loop3A_291 = tpu.vector_load_idx %arg6[%parallel_loop3A_276, %parallel_loop3A_290] : memref<128x128xf32, #tpu.memory_space<vmem>>[vector<16xi32>, vector<16xi32>], vector<16xf32>,
      tpu.vector_store_idx %arg8[%parallel_loop3A_290, %broadcast_in_dim3A_115, %parallel_loop3A_276], %parallel_loop3A_291 : memref<128x4x128xf32, #tpu.memory_space<vmem>>[vector<16xi32>, vector<16xi32>, vector<16xi32>], vector<16xf32>,
      %parallel_loop3A_292 = vector.broadcast %parallel_loop3A_256 : i32 to vector<16xi32>
      %parallel_loop3A_293 = arith.addi %and3A_48, %parallel_loop3A_292 : vector<16xi32>
      %parallel_loop3A_294 = tpu.vector_load_idx %arg6[%parallel_loop3A_276, %parallel_loop3A_293] : memref<128x128xf32, #tpu.memory_space<vmem>>[vector<16xi32>, vector<16xi32>], vector<16xf32>,
      tpu.vector_store_idx %arg8[%parallel_loop3A_293, %broadcast_in_dim3A_115, %parallel_loop3A_276], %parallel_loop3A_294 : memref<128x4x128xf32, #tpu.memory_space<vmem>>[vector<16xi32>, vector<16xi32>, vector<16xi32>], vector<16xf32>,
      %parallel_loop3A_295 = vector.broadcast %parallel_loop3A_256 : i32 to vector<16xi32>
      %parallel_loop3A_296 = arith.addi %and3A_54, %parallel_loop3A_295 : vector<16xi32>
      %parallel_loop3A_297 = tpu.vector_load_idx %arg6[%parallel_loop3A_276, %parallel_loop3A_296] : memref<128x128xf32, #tpu.memory_space<vmem>>[vector<16xi32>, vector<16xi32>], vector<16xf32>,
      tpu.vector_store_idx %arg8[%parallel_loop3A_296, %broadcast_in_dim3A_115, %parallel_loop3A_276], %parallel_loop3A_297 : memref<128x4x128xf32, #tpu.memory_space<vmem>>[vector<16xi32>, vector<16xi32>, vector<16xi32>], vector<16xf32>,
      %parallel_loop3A_298 = vector.broadcast %parallel_loop3A_256 : i32 to vector<16xi32>
      %parallel_loop3A_299 = arith.addi %and3A_60, %parallel_loop3A_298 : vector<16xi32>
      %parallel_loop3A_300 = tpu.vector_load_idx %arg6[%parallel_loop3A_276, %parallel_loop3A_299] : memref<128x128xf32, #tpu.memory_space<vmem>>[vector<16xi32>, vector<16xi32>], vector<16xf32>,
      tpu.vector_store_idx %arg8[%parallel_loop3A_299, %broadcast_in_dim3A_115, %parallel_loop3A_276], %parallel_loop3A_300 : memref<128x4x128xf32, #tpu.memory_space<vmem>>[vector<16xi32>, vector<16xi32>, vector<16xi32>], vector<16xf32>,
      %parallel_loop3A_301 = vector.broadcast %parallel_loop3A_256 : i32 to vector<16xi32>
      %parallel_loop3A_302 = arith.addi %and3A_66, %parallel_loop3A_301 : vector<16xi32>
      %parallel_loop3A_303 = tpu.vector_load_idx %arg6[%parallel_loop3A_276, %parallel_loop3A_302] : memref<128x128xf32, #tpu.memory_space<vmem>>[vector<16xi32>, vector<16xi32>], vector<16xf32>,
      tpu.vector_store_idx %arg8[%parallel_loop3A_302, %broadcast_in_dim3A_115, %parallel_loop3A_276], %parallel_loop3A_303 : memref<128x4x128xf32, #tpu.memory_space<vmem>>[vector<16xi32>, vector<16xi32>, vector<16xi32>], vector<16xf32>,
      %parallel_loop3A_304 = vector.broadcast %parallel_loop3A_256 : i32 to vector<16xi32>
      %parallel_loop3A_305 = arith.addi %and3A_72, %parallel_loop3A_304 : vector<16xi32>
      %parallel_loop3A_306 = tpu.vector_load_idx %arg6[%parallel_loop3A_276, %parallel_loop3A_305] : memref<128x128xf32, #tpu.memory_space<vmem>>[vector<16xi32>, vector<16xi32>], vector<16xf32>,
      tpu.vector_store_idx %arg8[%parallel_loop3A_305, %broadcast_in_dim3A_115, %parallel_loop3A_276], %parallel_loop3A_306 : memref<128x4x128xf32, #tpu.memory_space<vmem>>[vector<16xi32>, vector<16xi32>, vector<16xi32>], vector<16xf32>,
      %parallel_loop3A_307 = vector.broadcast %parallel_loop3A_256 : i32 to vector<16xi32>
      %parallel_loop3A_308 = arith.addi %and3A_78, %parallel_loop3A_307 : vector<16xi32>
      %parallel_loop3A_309 = tpu.vector_load_idx %arg6[%parallel_loop3A_276, %parallel_loop3A_308] : memref<128x128xf32, #tpu.memory_space<vmem>>[vector<16xi32>, vector<16xi32>], vector<16xf32>,
      tpu.vector_store_idx %arg8[%parallel_loop3A_308, %broadcast_in_dim3A_115, %parallel_loop3A_276], %parallel_loop3A_309 : memref<128x4x128xf32, #tpu.memory_space<vmem>>[vector<16xi32>, vector<16xi32>, vector<16xi32>], vector<16xf32>,
      %parallel_loop3A_310 = vector.broadcast %parallel_loop3A_256 : i32 to vector<16xi32>
      %parallel_loop3A_311 = arith.addi %and3A_84, %parallel_loop3A_310 : vector<16xi32>
      %parallel_loop3A_312 = tpu.vector_load_idx %arg6[%parallel_loop3A_276, %parallel_loop3A_311] : memref<128x128xf32, #tpu.memory_space<vmem>>[vector<16xi32>, vector<16xi32>], vector<16xf32>,
      tpu.vector_store_idx %arg8[%parallel_loop3A_311, %broadcast_in_dim3A_115, %parallel_loop3A_276], %parallel_loop3A_312 : memref<128x4x128xf32, #tpu.memory_space<vmem>>[vector<16xi32>, vector<16xi32>, vector<16xi32>], vector<16xf32>,
      %parallel_loop3A_313 = vector.broadcast %parallel_loop3A_256 : i32 to vector<16xi32>
      %parallel_loop3A_314 = arith.addi %and3A_90, %parallel_loop3A_313 : vector<16xi32>
      %parallel_loop3A_315 = tpu.vector_load_idx %arg6[%parallel_loop3A_276, %parallel_loop3A_314] : memref<128x128xf32, #tpu.memory_space<vmem>>[vector<16xi32>, vector<16xi32>], vector<16xf32>,
      tpu.vector_store_idx %arg8[%parallel_loop3A_314, %broadcast_in_dim3A_115, %parallel_loop3A_276], %parallel_loop3A_315 : memref<128x4x128xf32, #tpu.memory_space<vmem>>[vector<16xi32>, vector<16xi32>, vector<16xi32>], vector<16xf32>,
      %parallel_loop3A_316 = vector.broadcast %parallel_loop3A_256 : i32 to vector<16xi32>
      %parallel_loop3A_317 = arith.addi %and3A_96, %parallel_loop3A_316 : vector<16xi32>
      %parallel_loop3A_318 = tpu.vector_load_idx %arg6[%parallel_loop3A_276, %parallel_loop3A_317] : memref<128x128xf32, #tpu.memory_space<vmem>>[vector<16xi32>, vector<16xi32>], vector<16xf32>,
      tpu.vector_store_idx %arg8[%parallel_loop3A_317, %broadcast_in_dim3A_115, %parallel_loop3A_276], %parallel_loop3A_318 : memref<128x4x128xf32, #tpu.memory_space<vmem>>[vector<16xi32>, vector<16xi32>, vector<16xi32>], vector<16xf32>,
      %parallel_loop3A_319 = vector.broadcast %parallel_loop3A_256 : i32 to vector<16xi32>
      %parallel_loop3A_320 = arith.addi %and3A_102, %parallel_loop3A_319 : vector<16xi32>
      %parallel_loop3A_321 = tpu.vector_load_idx %arg6[%parallel_loop3A_276, %parallel_loop3A_320] : memref<128x128xf32, #tpu.memory_space<vmem>>[vector<16xi32>, vector<16xi32>], vector<16xf32>,
      tpu.vector_store_idx %arg8[%parallel_loop3A_320, %broadcast_in_dim3A_115, %parallel_loop3A_276], %parallel_loop3A_321 : memref<128x4x128xf32, #tpu.memory_space<vmem>>[vector<16xi32>, vector<16xi32>, vector<16xi32>], vector<16xf32>,
      %parallel_loop3A_322 = vector.broadcast %parallel_loop3A_256 : i32 to vector<16xi32>
      %parallel_loop3A_323 = arith.addi %and3A_108, %parallel_loop3A_322 : vector<16xi32>
      %parallel_loop3A_324 = tpu.vector_load_idx %arg6[%parallel_loop3A_276, %parallel_loop3A_323] : memref<128x128xf32, #tpu.memory_space<vmem>>[vector<16xi32>, vector<16xi32>], vector<16xf32>,
      tpu.vector_store_idx %arg8[%parallel_loop3A_323, %broadcast_in_dim3A_115, %parallel_loop3A_276], %parallel_loop3A_324 : memref<128x4x128xf32, #tpu.memory_space<vmem>>[vector<16xi32>, vector<16xi32>, vector<16xi32>], vector<16xf32>,
    } {sc.loop_unroll_factor = 2 : i64, sc.parallel_access}
    %dma_start3A_118 = arith.constant 2 : i32
    %dma_start3A_119 = arith.constant 0 : i32
    %dma_start3A_120 = tpu.memref_slice %arg5[%dma_start3A_118, %dma_start3A_119] : memref<4x128xi32, #tpu.memory_space<vmem>> -> memref<1x128xi32, #tpu.memory_space<vmem>>
    %dma_start3A_121 = tpu.memref_squeeze %dma_start3A_120 : memref<1x128xi32, #tpu.memory_space<vmem>> -> memref<128xi32, #tpu.memory_space<vmem>>
    %dma_start3A_122 = arith.constant 0 : i32
    %dma_start3A_123 = arith.constant 0 : i32
    %dma_start3A_124 = tpu.memref_slice %arg2[%dma_start3A_122, %dma_start3A_123] : memref<100000x128xf32, #tpu.memory_space<hbm>> -> memref<100000x128xf32, #tpu.memory_space<hbm>>
    tpu.enqueue_indirect_dma source(%dma_start3A_124 : memref<100000x128xf32, #tpu.memory_space<hbm>>) target(%arg6 : memref<128x128xf32, #tpu.memory_space<vmem>>) offsets(%dma_start3A_121 : memref<128xi32, #tpu.memory_space<vmem>>) semaphore(%arg9 : memref<!tpu.dma_semaphore, #tpu.memory_space<semaphore_mem>>)
    %dma_wait3A_125 = arith.constant 1 : i32
    %dma_wait3A_126 = arith.constant 0 : i32
    %dma_wait3A_127 = tpu.memref_slice %arg5[%dma_wait3A_125, %dma_wait3A_126] : memref<4x128xi32, #tpu.memory_space<vmem>> -> memref<1x128xi32, #tpu.memory_space<vmem>>
    %dma_wait3A_128 = tpu.memref_squeeze %dma_wait3A_127 : memref<1x128xi32, #tpu.memory_space<vmem>> -> memref<128xi32, #tpu.memory_space<vmem>>
    %dma_wait3A_129 = arith.constant 0 : i32
    %dma_wait3A_130 = arith.constant 0 : i32
    %dma_wait3A_131 = tpu.memref_slice %arg2[%dma_wait3A_129, %dma_wait3A_130] : memref<100000x128xf32, #tpu.memory_space<hbm>> -> memref<100000x128xf32, #tpu.memory_space<hbm>>
    tpu.wait_indirect_dma semaphore(%arg10 : memref<!tpu.dma_semaphore, #tpu.memory_space<semaphore_mem>>) src(%dma_wait3A_131 : memref<100000x128xf32, #tpu.memory_space<hbm>>) dst(%arg7 : memref<128x128xf32, #tpu.memory_space<vmem>>)
    %broadcast_in_dim3A_132 = arith.constant 1 : i32
    %broadcast_in_dim3A_133 = vector.broadcast %broadcast_in_dim3A_132 : i32 to vector<16xi32>
    %parallel_loop3A_134 = arith.constant 0 : i32
    %parallel_loop3A_135 = arith.constant 64 : i32
    %parallel_loop3A_136 = arith.constant 1 : i32
    scf.for %parallel_loop3A_230 = %parallel_loop3A_134 to %parallel_loop3A_135 step %parallel_loop3A_136  : i32 {
      %parallel_loop3A_231 = arith.constant 8 : i32
      %parallel_loop3A_232 = arith.divsi %parallel_loop3A_230, %parallel_loop3A_231 : i32
      %parallel_loop3A_233 = arith.constant 0 : i32
      %parallel_loop3A_234 = arith.cmpi sgt, %parallel_loop3A_230, %parallel_loop3A_233 : i32
      %parallel_loop3A_235 = arith.extui %parallel_loop3A_234 : i1 to i32
      %parallel_loop3A_236 = arith.constant 0 : i32
      %parallel_loop3A_237 = arith.cmpi slt, %parallel_loop3A_230, %parallel_loop3A_236 : i32
      %parallel_loop3A_238 = arith.extui %parallel_loop3A_237 : i1 to i32
      %parallel_loop3A_239 = arith.subi %parallel_loop3A_235, %parallel_loop3A_238 : i32
      %parallel_loop3A_240 = arith.constant 0 : i32
      %parallel_loop3A_241 = arith.cmpi sgt, %parallel_loop3A_231, %parallel_loop3A_240 : i32
      %parallel_loop3A_242 = arith.extui %parallel_loop3A_241 : i1 to i32
      %parallel_loop3A_243 = arith.constant 0 : i32
      %parallel_loop3A_244 = arith.cmpi slt, %parallel_loop3A_231, %parallel_loop3A_243 : i32
      %parallel_loop3A_245 = arith.extui %parallel_loop3A_244 : i1 to i32
      %parallel_loop3A_246 = arith.subi %parallel_loop3A_242, %parallel_loop3A_245 : i32
      %parallel_loop3A_247 = arith.cmpi ne, %parallel_loop3A_239, %parallel_loop3A_246 : i32
      %parallel_loop3A_248 = arith.remsi %parallel_loop3A_230, %parallel_loop3A_231 : i32
      %parallel_loop3A_249 = arith.constant 0 : i32
      %parallel_loop3A_250 = arith.cmpi ne, %parallel_loop3A_248, %parallel_loop3A_249 : i32
      %parallel_loop3A_251 = arith.andi %parallel_loop3A_247, %parallel_loop3A_250 : i1
      %parallel_loop3A_252 = arith.constant 1 : i32
      %parallel_loop3A_253 = arith.subi %parallel_loop3A_232, %parallel_loop3A_252 : i32
      %parallel_loop3A_254 = arith.select %parallel_loop3A_251, %parallel_loop3A_253, %parallel_loop3A_232 : i32
      %parallel_loop3A_255 = arith.constant 16 : i32
      %parallel_loop3A_256 = arith.muli %parallel_loop3A_254, %parallel_loop3A_255 : i32
      %parallel_loop3A_257 = arith.constant 8 : i32
      %parallel_loop3A_258 = arith.constant 0 : i32
      %parallel_loop3A_259 = arith.cmpi eq, %parallel_loop3A_257, %parallel_loop3A_258 : i32
      %parallel_loop3A_260 = arith.constant 1 : i32
      %parallel_loop3A_261 = arith.select %parallel_loop3A_259, %parallel_loop3A_260, %parallel_loop3A_257 : i32
      %parallel_loop3A_262 = arith.remsi %parallel_loop3A_230, %parallel_loop3A_261 : i32
      %parallel_loop3A_263 = arith.constant 0 : i32
      %parallel_loop3A_264 = arith.cmpi ne, %parallel_loop3A_262, %parallel_loop3A_263 : i32
      %parallel_loop3A_265 = arith.constant 0 : i32
      %parallel_loop3A_266 = arith.cmpi slt, %parallel_loop3A_262, %parallel_loop3A_265 : i32
      %parallel_loop3A_267 = arith.constant 0 : i32
      %parallel_loop3A_268 = arith.cmpi slt, %parallel_loop3A_261, %parallel_loop3A_267 : i32
      %parallel_loop3A_269 = arith.xori %parallel_loop3A_266, %parallel_loop3A_268 : i1
      %parallel_loop3A_270 = arith.andi %parallel_loop3A_269, %parallel_loop3A_264 : i1
      %parallel_loop3A_271 = arith.addi %parallel_loop3A_262, %parallel_loop3A_261 : i32
      %parallel_loop3A_272 = arith.select %parallel_loop3A_270, %parallel_loop3A_271, %parallel_loop3A_262 : i32
      %parallel_loop3A_273 = arith.constant 16 : i32
      %parallel_loop3A_274 = arith.muli %parallel_loop3A_272, %parallel_loop3A_273 : i32
      %parallel_loop3A_275 = vector.broadcast %parallel_loop3A_274 : i32 to vector<16xi32>
      %parallel_loop3A_276 = arith.addi %iota3A, %parallel_loop3A_275 : vector<16xi32>
      %parallel_loop3A_277 = vector.broadcast %parallel_loop3A_256 : i32 to vector<16xi32>
      %parallel_loop3A_278 = arith.addi %and3A_18, %parallel_loop3A_277 : vector<16xi32>
      %parallel_loop3A_279 = tpu.vector_load_idx %arg7[%parallel_loop3A_276, %parallel_loop3A_278] : memref<128x128xf32, #tpu.memory_space<vmem>>[vector<16xi32>, vector<16xi32>], vector<16xf32>,
      tpu.vector_store_idx %arg8[%parallel_loop3A_278, %broadcast_in_dim3A_133, %parallel_loop3A_276], %parallel_loop3A_279 : memref<128x4x128xf32, #tpu.memory_space<vmem>>[vector<16xi32>, vector<16xi32>, vector<16xi32>], vector<16xf32>,
      %parallel_loop3A_280 = vector.broadcast %parallel_loop3A_256 : i32 to vector<16xi32>
      %parallel_loop3A_281 = arith.addi %and3A_24, %parallel_loop3A_280 : vector<16xi32>
      %parallel_loop3A_282 = tpu.vector_load_idx %arg7[%parallel_loop3A_276, %parallel_loop3A_281] : memref<128x128xf32, #tpu.memory_space<vmem>>[vector<16xi32>, vector<16xi32>], vector<16xf32>,
      tpu.vector_store_idx %arg8[%parallel_loop3A_281, %broadcast_in_dim3A_133, %parallel_loop3A_276], %parallel_loop3A_282 : memref<128x4x128xf32, #tpu.memory_space<vmem>>[vector<16xi32>, vector<16xi32>, vector<16xi32>], vector<16xf32>,
      %parallel_loop3A_283 = vector.broadcast %parallel_loop3A_256 : i32 to vector<16xi32>
      %parallel_loop3A_284 = arith.addi %and3A_30, %parallel_loop3A_283 : vector<16xi32>
      %parallel_loop3A_285 = tpu.vector_load_idx %arg7[%parallel_loop3A_276, %parallel_loop3A_284] : memref<128x128xf32, #tpu.memory_space<vmem>>[vector<16xi32>, vector<16xi32>], vector<16xf32>,
      tpu.vector_store_idx %arg8[%parallel_loop3A_284, %broadcast_in_dim3A_133, %parallel_loop3A_276], %parallel_loop3A_285 : memref<128x4x128xf32, #tpu.memory_space<vmem>>[vector<16xi32>, vector<16xi32>, vector<16xi32>], vector<16xf32>,
      %parallel_loop3A_286 = vector.broadcast %parallel_loop3A_256 : i32 to vector<16xi32>
      %parallel_loop3A_287 = arith.addi %and3A_36, %parallel_loop3A_286 : vector<16xi32>
      %parallel_loop3A_288 = tpu.vector_load_idx %arg7[%parallel_loop3A_276, %parallel_loop3A_287] : memref<128x128xf32, #tpu.memory_space<vmem>>[vector<16xi32>, vector<16xi32>], vector<16xf32>,
      tpu.vector_store_idx %arg8[%parallel_loop3A_287, %broadcast_in_dim3A_133, %parallel_loop3A_276], %parallel_loop3A_288 : memref<128x4x128xf32, #tpu.memory_space<vmem>>[vector<16xi32>, vector<16xi32>, vector<16xi32>], vector<16xf32>,
      %parallel_loop3A_289 = vector.broadcast %parallel_loop3A_256 : i32 to vector<16xi32>
      %parallel_loop3A_290 = arith.addi %and3A_42, %parallel_loop3A_289 : vector<16xi32>
      %parallel_loop3A_291 = tpu.vector_load_idx %arg7[%parallel_loop3A_276, %parallel_loop3A_290] : memref<128x128xf32, #tpu.memory_space<vmem>>[vector<16xi32>, vector<16xi32>], vector<16xf32>,
      tpu.vector_store_idx %arg8[%parallel_loop3A_290, %broadcast_in_dim3A_133, %parallel_loop3A_276], %parallel_loop3A_291 : memref<128x4x128xf32, #tpu.memory_space<vmem>>[vector<16xi32>, vector<16xi32>, vector<16xi32>], vector<16xf32>,
      %parallel_loop3A_292 = vector.broadcast %parallel_loop3A_256 : i32 to vector<16xi32>
      %parallel_loop3A_293 = arith.addi %and3A_48, %parallel_loop3A_292 : vector<16xi32>
      %parallel_loop3A_294 = tpu.vector_load_idx %arg7[%parallel_loop3A_276, %parallel_loop3A_293] : memref<128x128xf32, #tpu.memory_space<vmem>>[vector<16xi32>, vector<16xi32>], vector<16xf32>,
      tpu.vector_store_idx %arg8[%parallel_loop3A_293, %broadcast_in_dim3A_133, %parallel_loop3A_276], %parallel_loop3A_294 : memref<128x4x128xf32, #tpu.memory_space<vmem>>[vector<16xi32>, vector<16xi32>, vector<16xi32>], vector<16xf32>,
      %parallel_loop3A_295 = vector.broadcast %parallel_loop3A_256 : i32 to vector<16xi32>
      %parallel_loop3A_296 = arith.addi %and3A_54, %parallel_loop3A_295 : vector<16xi32>
      %parallel_loop3A_297 = tpu.vector_load_idx %arg7[%parallel_loop3A_276, %parallel_loop3A_296] : memref<128x128xf32, #tpu.memory_space<vmem>>[vector<16xi32>, vector<16xi32>], vector<16xf32>,
      tpu.vector_store_idx %arg8[%parallel_loop3A_296, %broadcast_in_dim3A_133, %parallel_loop3A_276], %parallel_loop3A_297 : memref<128x4x128xf32, #tpu.memory_space<vmem>>[vector<16xi32>, vector<16xi32>, vector<16xi32>], vector<16xf32>,
      %parallel_loop3A_298 = vector.broadcast %parallel_loop3A_256 : i32 to vector<16xi32>
      %parallel_loop3A_299 = arith.addi %and3A_60, %parallel_loop3A_298 : vector<16xi32>
      %parallel_loop3A_300 = tpu.vector_load_idx %arg7[%parallel_loop3A_276, %parallel_loop3A_299] : memref<128x128xf32, #tpu.memory_space<vmem>>[vector<16xi32>, vector<16xi32>], vector<16xf32>,
      tpu.vector_store_idx %arg8[%parallel_loop3A_299, %broadcast_in_dim3A_133, %parallel_loop3A_276], %parallel_loop3A_300 : memref<128x4x128xf32, #tpu.memory_space<vmem>>[vector<16xi32>, vector<16xi32>, vector<16xi32>], vector<16xf32>,
      %parallel_loop3A_301 = vector.broadcast %parallel_loop3A_256 : i32 to vector<16xi32>
      %parallel_loop3A_302 = arith.addi %and3A_66, %parallel_loop3A_301 : vector<16xi32>
      %parallel_loop3A_303 = tpu.vector_load_idx %arg7[%parallel_loop3A_276, %parallel_loop3A_302] : memref<128x128xf32, #tpu.memory_space<vmem>>[vector<16xi32>, vector<16xi32>], vector<16xf32>,
      tpu.vector_store_idx %arg8[%parallel_loop3A_302, %broadcast_in_dim3A_133, %parallel_loop3A_276], %parallel_loop3A_303 : memref<128x4x128xf32, #tpu.memory_space<vmem>>[vector<16xi32>, vector<16xi32>, vector<16xi32>], vector<16xf32>,
      %parallel_loop3A_304 = vector.broadcast %parallel_loop3A_256 : i32 to vector<16xi32>
      %parallel_loop3A_305 = arith.addi %and3A_72, %parallel_loop3A_304 : vector<16xi32>
      %parallel_loop3A_306 = tpu.vector_load_idx %arg7[%parallel_loop3A_276, %parallel_loop3A_305] : memref<128x128xf32, #tpu.memory_space<vmem>>[vector<16xi32>, vector<16xi32>], vector<16xf32>,
      tpu.vector_store_idx %arg8[%parallel_loop3A_305, %broadcast_in_dim3A_133, %parallel_loop3A_276], %parallel_loop3A_306 : memref<128x4x128xf32, #tpu.memory_space<vmem>>[vector<16xi32>, vector<16xi32>, vector<16xi32>], vector<16xf32>,
      %parallel_loop3A_307 = vector.broadcast %parallel_loop3A_256 : i32 to vector<16xi32>
      %parallel_loop3A_308 = arith.addi %and3A_78, %parallel_loop3A_307 : vector<16xi32>
      %parallel_loop3A_309 = tpu.vector_load_idx %arg7[%parallel_loop3A_276, %parallel_loop3A_308] : memref<128x128xf32, #tpu.memory_space<vmem>>[vector<16xi32>, vector<16xi32>], vector<16xf32>,
      tpu.vector_store_idx %arg8[%parallel_loop3A_308, %broadcast_in_dim3A_133, %parallel_loop3A_276], %parallel_loop3A_309 : memref<128x4x128xf32, #tpu.memory_space<vmem>>[vector<16xi32>, vector<16xi32>, vector<16xi32>], vector<16xf32>,
      %parallel_loop3A_310 = vector.broadcast %parallel_loop3A_256 : i32 to vector<16xi32>
      %parallel_loop3A_311 = arith.addi %and3A_84, %parallel_loop3A_310 : vector<16xi32>
      %parallel_loop3A_312 = tpu.vector_load_idx %arg7[%parallel_loop3A_276, %parallel_loop3A_311] : memref<128x128xf32, #tpu.memory_space<vmem>>[vector<16xi32>, vector<16xi32>], vector<16xf32>,
      tpu.vector_store_idx %arg8[%parallel_loop3A_311, %broadcast_in_dim3A_133, %parallel_loop3A_276], %parallel_loop3A_312 : memref<128x4x128xf32, #tpu.memory_space<vmem>>[vector<16xi32>, vector<16xi32>, vector<16xi32>], vector<16xf32>,
      %parallel_loop3A_313 = vector.broadcast %parallel_loop3A_256 : i32 to vector<16xi32>
      %parallel_loop3A_314 = arith.addi %and3A_90, %parallel_loop3A_313 : vector<16xi32>
      %parallel_loop3A_315 = tpu.vector_load_idx %arg7[%parallel_loop3A_276, %parallel_loop3A_314] : memref<128x128xf32, #tpu.memory_space<vmem>>[vector<16xi32>, vector<16xi32>], vector<16xf32>,
      tpu.vector_store_idx %arg8[%parallel_loop3A_314, %broadcast_in_dim3A_133, %parallel_loop3A_276], %parallel_loop3A_315 : memref<128x4x128xf32, #tpu.memory_space<vmem>>[vector<16xi32>, vector<16xi32>, vector<16xi32>], vector<16xf32>,
      %parallel_loop3A_316 = vector.broadcast %parallel_loop3A_256 : i32 to vector<16xi32>
      %parallel_loop3A_317 = arith.addi %and3A_96, %parallel_loop3A_316 : vector<16xi32>
      %parallel_loop3A_318 = tpu.vector_load_idx %arg7[%parallel_loop3A_276, %parallel_loop3A_317] : memref<128x128xf32, #tpu.memory_space<vmem>>[vector<16xi32>, vector<16xi32>], vector<16xf32>,
      tpu.vector_store_idx %arg8[%parallel_loop3A_317, %broadcast_in_dim3A_133, %parallel_loop3A_276], %parallel_loop3A_318 : memref<128x4x128xf32, #tpu.memory_space<vmem>>[vector<16xi32>, vector<16xi32>, vector<16xi32>], vector<16xf32>,
      %parallel_loop3A_319 = vector.broadcast %parallel_loop3A_256 : i32 to vector<16xi32>
      %parallel_loop3A_320 = arith.addi %and3A_102, %parallel_loop3A_319 : vector<16xi32>
      %parallel_loop3A_321 = tpu.vector_load_idx %arg7[%parallel_loop3A_276, %parallel_loop3A_320] : memref<128x128xf32, #tpu.memory_space<vmem>>[vector<16xi32>, vector<16xi32>], vector<16xf32>,
      tpu.vector_store_idx %arg8[%parallel_loop3A_320, %broadcast_in_dim3A_133, %parallel_loop3A_276], %parallel_loop3A_321 : memref<128x4x128xf32, #tpu.memory_space<vmem>>[vector<16xi32>, vector<16xi32>, vector<16xi32>], vector<16xf32>,
      %parallel_loop3A_322 = vector.broadcast %parallel_loop3A_256 : i32 to vector<16xi32>
      %parallel_loop3A_323 = arith.addi %and3A_108, %parallel_loop3A_322 : vector<16xi32>
      %parallel_loop3A_324 = tpu.vector_load_idx %arg7[%parallel_loop3A_276, %parallel_loop3A_323] : memref<128x128xf32, #tpu.memory_space<vmem>>[vector<16xi32>, vector<16xi32>], vector<16xf32>,
      tpu.vector_store_idx %arg8[%parallel_loop3A_323, %broadcast_in_dim3A_133, %parallel_loop3A_276], %parallel_loop3A_324 : memref<128x4x128xf32, #tpu.memory_space<vmem>>[vector<16xi32>, vector<16xi32>, vector<16xi32>], vector<16xf32>,
    } {sc.loop_unroll_factor = 2 : i64, sc.parallel_access}
    %dma_start3A_137 = arith.constant 3 : i32
    %dma_start3A_138 = arith.constant 0 : i32
    %dma_start3A_139 = tpu.memref_slice %arg5[%dma_start3A_137, %dma_start3A_138] : memref<4x128xi32, #tpu.memory_space<vmem>> -> memref<1x128xi32, #tpu.memory_space<vmem>>
    %dma_start3A_140 = tpu.memref_squeeze %dma_start3A_139 : memref<1x128xi32, #tpu.memory_space<vmem>> -> memref<128xi32, #tpu.memory_space<vmem>>
    %dma_start3A_141 = arith.constant 0 : i32
    %dma_start3A_142 = arith.constant 0 : i32
    %dma_start3A_143 = tpu.memref_slice %arg2[%dma_start3A_141, %dma_start3A_142] : memref<100000x128xf32, #tpu.memory_space<hbm>> -> memref<100000x128xf32, #tpu.memory_space<hbm>>
    tpu.enqueue_indirect_dma source(%dma_start3A_143 : memref<100000x128xf32, #tpu.memory_space<hbm>>) target(%arg7 : memref<128x128xf32, #tpu.memory_space<vmem>>) offsets(%dma_start3A_140 : memref<128xi32, #tpu.memory_space<vmem>>) semaphore(%arg10 : memref<!tpu.dma_semaphore, #tpu.memory_space<semaphore_mem>>)
    %mul3A_144 = arith.constant 4 : i32
    %mul3A_145 = arith.muli %add3A, %mul3A_144 : i32
    %dma_start3A_146 = arith.constant 0 : i32
    %dma_start3A_147 = arith.constant 0 : i32
    %dma_start3A_148 = arith.constant 0 : i32
    %dma_start3A_149 = tpu.memref_slice %arg8[%dma_start3A_146, %dma_start3A_147, %dma_start3A_148] : memref<128x4x128xf32, #tpu.memory_space<vmem>> -> memref<128x2x128xf32, #tpu.memory_space<vmem>>
    %dma_start3A_150 = arith.constant 0 : i32
    %dma_start3A_151 = arith.constant 0 : i32
    %dma_start3A_152 = tpu.memref_slice %arg4[%dma_start3A_150, %mul3A_145, %dma_start3A_151] : memref<128x128x128xf32, #tpu.memory_space<hbm>> -> memref<128x2x128xf32, #tpu.memory_space<hbm>>
    %dma_start3A_153 = arith.constant 0 : i32
    %dma_start3A_154 = arith.constant 0 : i32
    %dma_start3A_155 = tpu.memref_slice %arg4[%dma_start3A_153, %mul3A_145, %dma_start3A_154] : memref<128x128x128xf32, #tpu.memory_space<hbm>> -> memref<128x2x128xf32, #tpu.memory_space<hbm>>
    %dma_start3A_156 = arith.constant 0 : i32
    %dma_start3A_157 = arith.constant 0 : i32
    %dma_start3A_158 = arith.constant 0 : i32
    %dma_start3A_159 = tpu.memref_slice %arg8[%dma_start3A_156, %dma_start3A_157, %dma_start3A_158] : memref<128x4x128xf32, #tpu.memory_space<vmem>> -> memref<128x2x128xf32, #tpu.memory_space<vmem>>
    tpu.enqueue_dma source(%dma_start3A_159 : memref<128x2x128xf32, #tpu.memory_space<vmem>>) target(%dma_start3A_155 : memref<128x2x128xf32, #tpu.memory_space<hbm>>) target_semaphore(%arg11 : memref<!tpu.dma_semaphore, #tpu.memory_space<semaphore_mem>>)
    %dma_wait3A_160 = arith.constant 2 : i32
    %dma_wait3A_161 = arith.constant 0 : i32
    %dma_wait3A_162 = tpu.memref_slice %arg5[%dma_wait3A_160, %dma_wait3A_161] : memref<4x128xi32, #tpu.memory_space<vmem>> -> memref<1x128xi32, #tpu.memory_space<vmem>>
    %dma_wait3A_163 = tpu.memref_squeeze %dma_wait3A_162 : memref<1x128xi32, #tpu.memory_space<vmem>> -> memref<128xi32, #tpu.memory_space<vmem>>
    %dma_wait3A_164 = arith.constant 0 : i32
    %dma_wait3A_165 = arith.constant 0 : i32
    %dma_wait3A_166 = tpu.memref_slice %arg2[%dma_wait3A_164, %dma_wait3A_165] : memref<100000x128xf32, #tpu.memory_space<hbm>> -> memref<100000x128xf32, #tpu.memory_space<hbm>>
    tpu.wait_indirect_dma semaphore(%arg9 : memref<!tpu.dma_semaphore, #tpu.memory_space<semaphore_mem>>) src(%dma_wait3A_166 : memref<100000x128xf32, #tpu.memory_space<hbm>>) dst(%arg6 : memref<128x128xf32, #tpu.memory_space<vmem>>)
    %broadcast_in_dim3A_167 = arith.constant 2 : i32
    %broadcast_in_dim3A_168 = vector.broadcast %broadcast_in_dim3A_167 : i32 to vector<16xi32>
    %parallel_loop3A_169 = arith.constant 0 : i32
    %parallel_loop3A_170 = arith.constant 64 : i32
    %parallel_loop3A_171 = arith.constant 1 : i32
    scf.for %parallel_loop3A_230 = %parallel_loop3A_169 to %parallel_loop3A_170 step %parallel_loop3A_171  : i32 {
      %parallel_loop3A_231 = arith.constant 8 : i32
      %parallel_loop3A_232 = arith.divsi %parallel_loop3A_230, %parallel_loop3A_231 : i32
      %parallel_loop3A_233 = arith.constant 0 : i32
      %parallel_loop3A_234 = arith.cmpi sgt, %parallel_loop3A_230, %parallel_loop3A_233 : i32
      %parallel_loop3A_235 = arith.extui %parallel_loop3A_234 : i1 to i32
      %parallel_loop3A_236 = arith.constant 0 : i32
      %parallel_loop3A_237 = arith.cmpi slt, %parallel_loop3A_230, %parallel_loop3A_236 : i32
      %parallel_loop3A_238 = arith.extui %parallel_loop3A_237 : i1 to i32
      %parallel_loop3A_239 = arith.subi %parallel_loop3A_235, %parallel_loop3A_238 : i32
      %parallel_loop3A_240 = arith.constant 0 : i32
      %parallel_loop3A_241 = arith.cmpi sgt, %parallel_loop3A_231, %parallel_loop3A_240 : i32
      %parallel_loop3A_242 = arith.extui %parallel_loop3A_241 : i1 to i32
      %parallel_loop3A_243 = arith.constant 0 : i32
      %parallel_loop3A_244 = arith.cmpi slt, %parallel_loop3A_231, %parallel_loop3A_243 : i32
      %parallel_loop3A_245 = arith.extui %parallel_loop3A_244 : i1 to i32
      %parallel_loop3A_246 = arith.subi %parallel_loop3A_242, %parallel_loop3A_245 : i32
      %parallel_loop3A_247 = arith.cmpi ne, %parallel_loop3A_239, %parallel_loop3A_246 : i32
      %parallel_loop3A_248 = arith.remsi %parallel_loop3A_230, %parallel_loop3A_231 : i32
      %parallel_loop3A_249 = arith.constant 0 : i32
      %parallel_loop3A_250 = arith.cmpi ne, %parallel_loop3A_248, %parallel_loop3A_249 : i32
      %parallel_loop3A_251 = arith.andi %parallel_loop3A_247, %parallel_loop3A_250 : i1
      %parallel_loop3A_252 = arith.constant 1 : i32
      %parallel_loop3A_253 = arith.subi %parallel_loop3A_232, %parallel_loop3A_252 : i32
      %parallel_loop3A_254 = arith.select %parallel_loop3A_251, %parallel_loop3A_253, %parallel_loop3A_232 : i32
      %parallel_loop3A_255 = arith.constant 16 : i32
      %parallel_loop3A_256 = arith.muli %parallel_loop3A_254, %parallel_loop3A_255 : i32
      %parallel_loop3A_257 = arith.constant 8 : i32
      %parallel_loop3A_258 = arith.constant 0 : i32
      %parallel_loop3A_259 = arith.cmpi eq, %parallel_loop3A_257, %parallel_loop3A_258 : i32
      %parallel_loop3A_260 = arith.constant 1 : i32
      %parallel_loop3A_261 = arith.select %parallel_loop3A_259, %parallel_loop3A_260, %parallel_loop3A_257 : i32
      %parallel_loop3A_262 = arith.remsi %parallel_loop3A_230, %parallel_loop3A_261 : i32
      %parallel_loop3A_263 = arith.constant 0 : i32
      %parallel_loop3A_264 = arith.cmpi ne, %parallel_loop3A_262, %parallel_loop3A_263 : i32
      %parallel_loop3A_265 = arith.constant 0 : i32
      %parallel_loop3A_266 = arith.cmpi slt, %parallel_loop3A_262, %parallel_loop3A_265 : i32
      %parallel_loop3A_267 = arith.constant 0 : i32
      %parallel_loop3A_268 = arith.cmpi slt, %parallel_loop3A_261, %parallel_loop3A_267 : i32
      %parallel_loop3A_269 = arith.xori %parallel_loop3A_266, %parallel_loop3A_268 : i1
      %parallel_loop3A_270 = arith.andi %parallel_loop3A_269, %parallel_loop3A_264 : i1
      %parallel_loop3A_271 = arith.addi %parallel_loop3A_262, %parallel_loop3A_261 : i32
      %parallel_loop3A_272 = arith.select %parallel_loop3A_270, %parallel_loop3A_271, %parallel_loop3A_262 : i32
      %parallel_loop3A_273 = arith.constant 16 : i32
      %parallel_loop3A_274 = arith.muli %parallel_loop3A_272, %parallel_loop3A_273 : i32
      %parallel_loop3A_275 = vector.broadcast %parallel_loop3A_274 : i32 to vector<16xi32>
      %parallel_loop3A_276 = arith.addi %iota3A, %parallel_loop3A_275 : vector<16xi32>
      %parallel_loop3A_277 = vector.broadcast %parallel_loop3A_256 : i32 to vector<16xi32>
      %parallel_loop3A_278 = arith.addi %and3A_18, %parallel_loop3A_277 : vector<16xi32>
      %parallel_loop3A_279 = tpu.vector_load_idx %arg6[%parallel_loop3A_276, %parallel_loop3A_278] : memref<128x128xf32, #tpu.memory_space<vmem>>[vector<16xi32>, vector<16xi32>], vector<16xf32>,
      tpu.vector_store_idx %arg8[%parallel_loop3A_278, %broadcast_in_dim3A_168, %parallel_loop3A_276], %parallel_loop3A_279 : memref<128x4x128xf32, #tpu.memory_space<vmem>>[vector<16xi32>, vector<16xi32>, vector<16xi32>], vector<16xf32>,
      %parallel_loop3A_280 = vector.broadcast %parallel_loop3A_256 : i32 to vector<16xi32>
      %parallel_loop3A_281 = arith.addi %and3A_24, %parallel_loop3A_280 : vector<16xi32>
      %parallel_loop3A_282 = tpu.vector_load_idx %arg6[%parallel_loop3A_276, %parallel_loop3A_281] : memref<128x128xf32, #tpu.memory_space<vmem>>[vector<16xi32>, vector<16xi32>], vector<16xf32>,
      tpu.vector_store_idx %arg8[%parallel_loop3A_281, %broadcast_in_dim3A_168, %parallel_loop3A_276], %parallel_loop3A_282 : memref<128x4x128xf32, #tpu.memory_space<vmem>>[vector<16xi32>, vector<16xi32>, vector<16xi32>], vector<16xf32>,
      %parallel_loop3A_283 = vector.broadcast %parallel_loop3A_256 : i32 to vector<16xi32>
      %parallel_loop3A_284 = arith.addi %and3A_30, %parallel_loop3A_283 : vector<16xi32>
      %parallel_loop3A_285 = tpu.vector_load_idx %arg6[%parallel_loop3A_276, %parallel_loop3A_284] : memref<128x128xf32, #tpu.memory_space<vmem>>[vector<16xi32>, vector<16xi32>], vector<16xf32>,
      tpu.vector_store_idx %arg8[%parallel_loop3A_284, %broadcast_in_dim3A_168, %parallel_loop3A_276], %parallel_loop3A_285 : memref<128x4x128xf32, #tpu.memory_space<vmem>>[vector<16xi32>, vector<16xi32>, vector<16xi32>], vector<16xf32>,
      %parallel_loop3A_286 = vector.broadcast %parallel_loop3A_256 : i32 to vector<16xi32>
      %parallel_loop3A_287 = arith.addi %and3A_36, %parallel_loop3A_286 : vector<16xi32>
      %parallel_loop3A_288 = tpu.vector_load_idx %arg6[%parallel_loop3A_276, %parallel_loop3A_287] : memref<128x128xf32, #tpu.memory_space<vmem>>[vector<16xi32>, vector<16xi32>], vector<16xf32>,
      tpu.vector_store_idx %arg8[%parallel_loop3A_287, %broadcast_in_dim3A_168, %parallel_loop3A_276], %parallel_loop3A_288 : memref<128x4x128xf32, #tpu.memory_space<vmem>>[vector<16xi32>, vector<16xi32>, vector<16xi32>], vector<16xf32>,
      %parallel_loop3A_289 = vector.broadcast %parallel_loop3A_256 : i32 to vector<16xi32>
      %parallel_loop3A_290 = arith.addi %and3A_42, %parallel_loop3A_289 : vector<16xi32>
      %parallel_loop3A_291 = tpu.vector_load_idx %arg6[%parallel_loop3A_276, %parallel_loop3A_290] : memref<128x128xf32, #tpu.memory_space<vmem>>[vector<16xi32>, vector<16xi32>], vector<16xf32>,
      tpu.vector_store_idx %arg8[%parallel_loop3A_290, %broadcast_in_dim3A_168, %parallel_loop3A_276], %parallel_loop3A_291 : memref<128x4x128xf32, #tpu.memory_space<vmem>>[vector<16xi32>, vector<16xi32>, vector<16xi32>], vector<16xf32>,
      %parallel_loop3A_292 = vector.broadcast %parallel_loop3A_256 : i32 to vector<16xi32>
      %parallel_loop3A_293 = arith.addi %and3A_48, %parallel_loop3A_292 : vector<16xi32>
      %parallel_loop3A_294 = tpu.vector_load_idx %arg6[%parallel_loop3A_276, %parallel_loop3A_293] : memref<128x128xf32, #tpu.memory_space<vmem>>[vector<16xi32>, vector<16xi32>], vector<16xf32>,
      tpu.vector_store_idx %arg8[%parallel_loop3A_293, %broadcast_in_dim3A_168, %parallel_loop3A_276], %parallel_loop3A_294 : memref<128x4x128xf32, #tpu.memory_space<vmem>>[vector<16xi32>, vector<16xi32>, vector<16xi32>], vector<16xf32>,
      %parallel_loop3A_295 = vector.broadcast %parallel_loop3A_256 : i32 to vector<16xi32>
      %parallel_loop3A_296 = arith.addi %and3A_54, %parallel_loop3A_295 : vector<16xi32>
      %parallel_loop3A_297 = tpu.vector_load_idx %arg6[%parallel_loop3A_276, %parallel_loop3A_296] : memref<128x128xf32, #tpu.memory_space<vmem>>[vector<16xi32>, vector<16xi32>], vector<16xf32>,
      tpu.vector_store_idx %arg8[%parallel_loop3A_296, %broadcast_in_dim3A_168, %parallel_loop3A_276], %parallel_loop3A_297 : memref<128x4x128xf32, #tpu.memory_space<vmem>>[vector<16xi32>, vector<16xi32>, vector<16xi32>], vector<16xf32>,
      %parallel_loop3A_298 = vector.broadcast %parallel_loop3A_256 : i32 to vector<16xi32>
      %parallel_loop3A_299 = arith.addi %and3A_60, %parallel_loop3A_298 : vector<16xi32>
      %parallel_loop3A_300 = tpu.vector_load_idx %arg6[%parallel_loop3A_276, %parallel_loop3A_299] : memref<128x128xf32, #tpu.memory_space<vmem>>[vector<16xi32>, vector<16xi32>], vector<16xf32>,
      tpu.vector_store_idx %arg8[%parallel_loop3A_299, %broadcast_in_dim3A_168, %parallel_loop3A_276], %parallel_loop3A_300 : memref<128x4x128xf32, #tpu.memory_space<vmem>>[vector<16xi32>, vector<16xi32>, vector<16xi32>], vector<16xf32>,
      %parallel_loop3A_301 = vector.broadcast %parallel_loop3A_256 : i32 to vector<16xi32>
      %parallel_loop3A_302 = arith.addi %and3A_66, %parallel_loop3A_301 : vector<16xi32>
      %parallel_loop3A_303 = tpu.vector_load_idx %arg6[%parallel_loop3A_276, %parallel_loop3A_302] : memref<128x128xf32, #tpu.memory_space<vmem>>[vector<16xi32>, vector<16xi32>], vector<16xf32>,
      tpu.vector_store_idx %arg8[%parallel_loop3A_302, %broadcast_in_dim3A_168, %parallel_loop3A_276], %parallel_loop3A_303 : memref<128x4x128xf32, #tpu.memory_space<vmem>>[vector<16xi32>, vector<16xi32>, vector<16xi32>], vector<16xf32>,
      %parallel_loop3A_304 = vector.broadcast %parallel_loop3A_256 : i32 to vector<16xi32>
      %parallel_loop3A_305 = arith.addi %and3A_72, %parallel_loop3A_304 : vector<16xi32>
      %parallel_loop3A_306 = tpu.vector_load_idx %arg6[%parallel_loop3A_276, %parallel_loop3A_305] : memref<128x128xf32, #tpu.memory_space<vmem>>[vector<16xi32>, vector<16xi32>], vector<16xf32>,
      tpu.vector_store_idx %arg8[%parallel_loop3A_305, %broadcast_in_dim3A_168, %parallel_loop3A_276], %parallel_loop3A_306 : memref<128x4x128xf32, #tpu.memory_space<vmem>>[vector<16xi32>, vector<16xi32>, vector<16xi32>], vector<16xf32>,
      %parallel_loop3A_307 = vector.broadcast %parallel_loop3A_256 : i32 to vector<16xi32>
      %parallel_loop3A_308 = arith.addi %and3A_78, %parallel_loop3A_307 : vector<16xi32>
      %parallel_loop3A_309 = tpu.vector_load_idx %arg6[%parallel_loop3A_276, %parallel_loop3A_308] : memref<128x128xf32, #tpu.memory_space<vmem>>[vector<16xi32>, vector<16xi32>], vector<16xf32>,
      tpu.vector_store_idx %arg8[%parallel_loop3A_308, %broadcast_in_dim3A_168, %parallel_loop3A_276], %parallel_loop3A_309 : memref<128x4x128xf32, #tpu.memory_space<vmem>>[vector<16xi32>, vector<16xi32>, vector<16xi32>], vector<16xf32>,
      %parallel_loop3A_310 = vector.broadcast %parallel_loop3A_256 : i32 to vector<16xi32>
      %parallel_loop3A_311 = arith.addi %and3A_84, %parallel_loop3A_310 : vector<16xi32>
      %parallel_loop3A_312 = tpu.vector_load_idx %arg6[%parallel_loop3A_276, %parallel_loop3A_311] : memref<128x128xf32, #tpu.memory_space<vmem>>[vector<16xi32>, vector<16xi32>], vector<16xf32>,
      tpu.vector_store_idx %arg8[%parallel_loop3A_311, %broadcast_in_dim3A_168, %parallel_loop3A_276], %parallel_loop3A_312 : memref<128x4x128xf32, #tpu.memory_space<vmem>>[vector<16xi32>, vector<16xi32>, vector<16xi32>], vector<16xf32>,
      %parallel_loop3A_313 = vector.broadcast %parallel_loop3A_256 : i32 to vector<16xi32>
      %parallel_loop3A_314 = arith.addi %and3A_90, %parallel_loop3A_313 : vector<16xi32>
      %parallel_loop3A_315 = tpu.vector_load_idx %arg6[%parallel_loop3A_276, %parallel_loop3A_314] : memref<128x128xf32, #tpu.memory_space<vmem>>[vector<16xi32>, vector<16xi32>], vector<16xf32>,
      tpu.vector_store_idx %arg8[%parallel_loop3A_314, %broadcast_in_dim3A_168, %parallel_loop3A_276], %parallel_loop3A_315 : memref<128x4x128xf32, #tpu.memory_space<vmem>>[vector<16xi32>, vector<16xi32>, vector<16xi32>], vector<16xf32>,
      %parallel_loop3A_316 = vector.broadcast %parallel_loop3A_256 : i32 to vector<16xi32>
      %parallel_loop3A_317 = arith.addi %and3A_96, %parallel_loop3A_316 : vector<16xi32>
      %parallel_loop3A_318 = tpu.vector_load_idx %arg6[%parallel_loop3A_276, %parallel_loop3A_317] : memref<128x128xf32, #tpu.memory_space<vmem>>[vector<16xi32>, vector<16xi32>], vector<16xf32>,
      tpu.vector_store_idx %arg8[%parallel_loop3A_317, %broadcast_in_dim3A_168, %parallel_loop3A_276], %parallel_loop3A_318 : memref<128x4x128xf32, #tpu.memory_space<vmem>>[vector<16xi32>, vector<16xi32>, vector<16xi32>], vector<16xf32>,
      %parallel_loop3A_319 = vector.broadcast %parallel_loop3A_256 : i32 to vector<16xi32>
      %parallel_loop3A_320 = arith.addi %and3A_102, %parallel_loop3A_319 : vector<16xi32>
      %parallel_loop3A_321 = tpu.vector_load_idx %arg6[%parallel_loop3A_276, %parallel_loop3A_320] : memref<128x128xf32, #tpu.memory_space<vmem>>[vector<16xi32>, vector<16xi32>], vector<16xf32>,
      tpu.vector_store_idx %arg8[%parallel_loop3A_320, %broadcast_in_dim3A_168, %parallel_loop3A_276], %parallel_loop3A_321 : memref<128x4x128xf32, #tpu.memory_space<vmem>>[vector<16xi32>, vector<16xi32>, vector<16xi32>], vector<16xf32>,
      %parallel_loop3A_322 = vector.broadcast %parallel_loop3A_256 : i32 to vector<16xi32>
      %parallel_loop3A_323 = arith.addi %and3A_108, %parallel_loop3A_322 : vector<16xi32>
      %parallel_loop3A_324 = tpu.vector_load_idx %arg6[%parallel_loop3A_276, %parallel_loop3A_323] : memref<128x128xf32, #tpu.memory_space<vmem>>[vector<16xi32>, vector<16xi32>], vector<16xf32>,
      tpu.vector_store_idx %arg8[%parallel_loop3A_323, %broadcast_in_dim3A_168, %parallel_loop3A_276], %parallel_loop3A_324 : memref<128x4x128xf32, #tpu.memory_space<vmem>>[vector<16xi32>, vector<16xi32>, vector<16xi32>], vector<16xf32>,
    } {sc.loop_unroll_factor = 2 : i64, sc.parallel_access}
    %dma_wait3A_172 = arith.constant 3 : i32
    %dma_wait3A_173 = arith.constant 0 : i32
    %dma_wait3A_174 = tpu.memref_slice %arg5[%dma_wait3A_172, %dma_wait3A_173] : memref<4x128xi32, #tpu.memory_space<vmem>> -> memref<1x128xi32, #tpu.memory_space<vmem>>
    %dma_wait3A_175 = tpu.memref_squeeze %dma_wait3A_174 : memref<1x128xi32, #tpu.memory_space<vmem>> -> memref<128xi32, #tpu.memory_space<vmem>>
    %dma_wait3A_176 = arith.constant 0 : i32
    %dma_wait3A_177 = arith.constant 0 : i32
    %dma_wait3A_178 = tpu.memref_slice %arg2[%dma_wait3A_176, %dma_wait3A_177] : memref<100000x128xf32, #tpu.memory_space<hbm>> -> memref<100000x128xf32, #tpu.memory_space<hbm>>
    tpu.wait_indirect_dma semaphore(%arg10 : memref<!tpu.dma_semaphore, #tpu.memory_space<semaphore_mem>>) src(%dma_wait3A_178 : memref<100000x128xf32, #tpu.memory_space<hbm>>) dst(%arg7 : memref<128x128xf32, #tpu.memory_space<vmem>>)
    %broadcast_in_dim3A_179 = arith.constant 3 : i32
    %broadcast_in_dim3A_180 = vector.broadcast %broadcast_in_dim3A_179 : i32 to vector<16xi32>
    %parallel_loop3A_181 = arith.constant 0 : i32
    %parallel_loop3A_182 = arith.constant 64 : i32
    %parallel_loop3A_183 = arith.constant 1 : i32
    scf.for %parallel_loop3A_230 = %parallel_loop3A_181 to %parallel_loop3A_182 step %parallel_loop3A_183  : i32 {
      %parallel_loop3A_231 = arith.constant 8 : i32
      %parallel_loop3A_232 = arith.divsi %parallel_loop3A_230, %parallel_loop3A_231 : i32
      %parallel_loop3A_233 = arith.constant 0 : i32
      %parallel_loop3A_234 = arith.cmpi sgt, %parallel_loop3A_230, %parallel_loop3A_233 : i32
      %parallel_loop3A_235 = arith.extui %parallel_loop3A_234 : i1 to i32
      %parallel_loop3A_236 = arith.constant 0 : i32
      %parallel_loop3A_237 = arith.cmpi slt, %parallel_loop3A_230, %parallel_loop3A_236 : i32
      %parallel_loop3A_238 = arith.extui %parallel_loop3A_237 : i1 to i32
      %parallel_loop3A_239 = arith.subi %parallel_loop3A_235, %parallel_loop3A_238 : i32
      %parallel_loop3A_240 = arith.constant 0 : i32
      %parallel_loop3A_241 = arith.cmpi sgt, %parallel_loop3A_231, %parallel_loop3A_240 : i32
      %parallel_loop3A_242 = arith.extui %parallel_loop3A_241 : i1 to i32
      %parallel_loop3A_243 = arith.constant 0 : i32
      %parallel_loop3A_244 = arith.cmpi slt, %parallel_loop3A_231, %parallel_loop3A_243 : i32
      %parallel_loop3A_245 = arith.extui %parallel_loop3A_244 : i1 to i32
      %parallel_loop3A_246 = arith.subi %parallel_loop3A_242, %parallel_loop3A_245 : i32
      %parallel_loop3A_247 = arith.cmpi ne, %parallel_loop3A_239, %parallel_loop3A_246 : i32
      %parallel_loop3A_248 = arith.remsi %parallel_loop3A_230, %parallel_loop3A_231 : i32
      %parallel_loop3A_249 = arith.constant 0 : i32
      %parallel_loop3A_250 = arith.cmpi ne, %parallel_loop3A_248, %parallel_loop3A_249 : i32
      %parallel_loop3A_251 = arith.andi %parallel_loop3A_247, %parallel_loop3A_250 : i1
      %parallel_loop3A_252 = arith.constant 1 : i32
      %parallel_loop3A_253 = arith.subi %parallel_loop3A_232, %parallel_loop3A_252 : i32
      %parallel_loop3A_254 = arith.select %parallel_loop3A_251, %parallel_loop3A_253, %parallel_loop3A_232 : i32
      %parallel_loop3A_255 = arith.constant 16 : i32
      %parallel_loop3A_256 = arith.muli %parallel_loop3A_254, %parallel_loop3A_255 : i32
      %parallel_loop3A_257 = arith.constant 8 : i32
      %parallel_loop3A_258 = arith.constant 0 : i32
      %parallel_loop3A_259 = arith.cmpi eq, %parallel_loop3A_257, %parallel_loop3A_258 : i32
      %parallel_loop3A_260 = arith.constant 1 : i32
      %parallel_loop3A_261 = arith.select %parallel_loop3A_259, %parallel_loop3A_260, %parallel_loop3A_257 : i32
      %parallel_loop3A_262 = arith.remsi %parallel_loop3A_230, %parallel_loop3A_261 : i32
      %parallel_loop3A_263 = arith.constant 0 : i32
      %parallel_loop3A_264 = arith.cmpi ne, %parallel_loop3A_262, %parallel_loop3A_263 : i32
      %parallel_loop3A_265 = arith.constant 0 : i32
      %parallel_loop3A_266 = arith.cmpi slt, %parallel_loop3A_262, %parallel_loop3A_265 : i32
      %parallel_loop3A_267 = arith.constant 0 : i32
      %parallel_loop3A_268 = arith.cmpi slt, %parallel_loop3A_261, %parallel_loop3A_267 : i32
      %parallel_loop3A_269 = arith.xori %parallel_loop3A_266, %parallel_loop3A_268 : i1
      %parallel_loop3A_270 = arith.andi %parallel_loop3A_269, %parallel_loop3A_264 : i1
      %parallel_loop3A_271 = arith.addi %parallel_loop3A_262, %parallel_loop3A_261 : i32
      %parallel_loop3A_272 = arith.select %parallel_loop3A_270, %parallel_loop3A_271, %parallel_loop3A_262 : i32
      %parallel_loop3A_273 = arith.constant 16 : i32
      %parallel_loop3A_274 = arith.muli %parallel_loop3A_272, %parallel_loop3A_273 : i32
      %parallel_loop3A_275 = vector.broadcast %parallel_loop3A_274 : i32 to vector<16xi32>
      %parallel_loop3A_276 = arith.addi %iota3A, %parallel_loop3A_275 : vector<16xi32>
      %parallel_loop3A_277 = vector.broadcast %parallel_loop3A_256 : i32 to vector<16xi32>
      %parallel_loop3A_278 = arith.addi %and3A_18, %parallel_loop3A_277 : vector<16xi32>
      %parallel_loop3A_279 = tpu.vector_load_idx %arg7[%parallel_loop3A_276, %parallel_loop3A_278] : memref<128x128xf32, #tpu.memory_space<vmem>>[vector<16xi32>, vector<16xi32>], vector<16xf32>,
      tpu.vector_store_idx %arg8[%parallel_loop3A_278, %broadcast_in_dim3A_180, %parallel_loop3A_276], %parallel_loop3A_279 : memref<128x4x128xf32, #tpu.memory_space<vmem>>[vector<16xi32>, vector<16xi32>, vector<16xi32>], vector<16xf32>,
      %parallel_loop3A_280 = vector.broadcast %parallel_loop3A_256 : i32 to vector<16xi32>
      %parallel_loop3A_281 = arith.addi %and3A_24, %parallel_loop3A_280 : vector<16xi32>
      %parallel_loop3A_282 = tpu.vector_load_idx %arg7[%parallel_loop3A_276, %parallel_loop3A_281] : memref<128x128xf32, #tpu.memory_space<vmem>>[vector<16xi32>, vector<16xi32>], vector<16xf32>,
      tpu.vector_store_idx %arg8[%parallel_loop3A_281, %broadcast_in_dim3A_180, %parallel_loop3A_276], %parallel_loop3A_282 : memref<128x4x128xf32, #tpu.memory_space<vmem>>[vector<16xi32>, vector<16xi32>, vector<16xi32>], vector<16xf32>,
      %parallel_loop3A_283 = vector.broadcast %parallel_loop3A_256 : i32 to vector<16xi32>
      %parallel_loop3A_284 = arith.addi %and3A_30, %parallel_loop3A_283 : vector<16xi32>
      %parallel_loop3A_285 = tpu.vector_load_idx %arg7[%parallel_loop3A_276, %parallel_loop3A_284] : memref<128x128xf32, #tpu.memory_space<vmem>>[vector<16xi32>, vector<16xi32>], vector<16xf32>,
      tpu.vector_store_idx %arg8[%parallel_loop3A_284, %broadcast_in_dim3A_180, %parallel_loop3A_276], %parallel_loop3A_285 : memref<128x4x128xf32, #tpu.memory_space<vmem>>[vector<16xi32>, vector<16xi32>, vector<16xi32>], vector<16xf32>,
      %parallel_loop3A_286 = vector.broadcast %parallel_loop3A_256 : i32 to vector<16xi32>
      %parallel_loop3A_287 = arith.addi %and3A_36, %parallel_loop3A_286 : vector<16xi32>
      %parallel_loop3A_288 = tpu.vector_load_idx %arg7[%parallel_loop3A_276, %parallel_loop3A_287] : memref<128x128xf32, #tpu.memory_space<vmem>>[vector<16xi32>, vector<16xi32>], vector<16xf32>,
      tpu.vector_store_idx %arg8[%parallel_loop3A_287, %broadcast_in_dim3A_180, %parallel_loop3A_276], %parallel_loop3A_288 : memref<128x4x128xf32, #tpu.memory_space<vmem>>[vector<16xi32>, vector<16xi32>, vector<16xi32>], vector<16xf32>,
      %parallel_loop3A_289 = vector.broadcast %parallel_loop3A_256 : i32 to vector<16xi32>
      %parallel_loop3A_290 = arith.addi %and3A_42, %parallel_loop3A_289 : vector<16xi32>
      %parallel_loop3A_291 = tpu.vector_load_idx %arg7[%parallel_loop3A_276, %parallel_loop3A_290] : memref<128x128xf32, #tpu.memory_space<vmem>>[vector<16xi32>, vector<16xi32>], vector<16xf32>,
      tpu.vector_store_idx %arg8[%parallel_loop3A_290, %broadcast_in_dim3A_180, %parallel_loop3A_276], %parallel_loop3A_291 : memref<128x4x128xf32, #tpu.memory_space<vmem>>[vector<16xi32>, vector<16xi32>, vector<16xi32>], vector<16xf32>,
      %parallel_loop3A_292 = vector.broadcast %parallel_loop3A_256 : i32 to vector<16xi32>
      %parallel_loop3A_293 = arith.addi %and3A_48, %parallel_loop3A_292 : vector<16xi32>
      %parallel_loop3A_294 = tpu.vector_load_idx %arg7[%parallel_loop3A_276, %parallel_loop3A_293] : memref<128x128xf32, #tpu.memory_space<vmem>>[vector<16xi32>, vector<16xi32>], vector<16xf32>,
      tpu.vector_store_idx %arg8[%parallel_loop3A_293, %broadcast_in_dim3A_180, %parallel_loop3A_276], %parallel_loop3A_294 : memref<128x4x128xf32, #tpu.memory_space<vmem>>[vector<16xi32>, vector<16xi32>, vector<16xi32>], vector<16xf32>,
      %parallel_loop3A_295 = vector.broadcast %parallel_loop3A_256 : i32 to vector<16xi32>
      %parallel_loop3A_296 = arith.addi %and3A_54, %parallel_loop3A_295 : vector<16xi32>
      %parallel_loop3A_297 = tpu.vector_load_idx %arg7[%parallel_loop3A_276, %parallel_loop3A_296] : memref<128x128xf32, #tpu.memory_space<vmem>>[vector<16xi32>, vector<16xi32>], vector<16xf32>,
      tpu.vector_store_idx %arg8[%parallel_loop3A_296, %broadcast_in_dim3A_180, %parallel_loop3A_276], %parallel_loop3A_297 : memref<128x4x128xf32, #tpu.memory_space<vmem>>[vector<16xi32>, vector<16xi32>, vector<16xi32>], vector<16xf32>,
      %parallel_loop3A_298 = vector.broadcast %parallel_loop3A_256 : i32 to vector<16xi32>
      %parallel_loop3A_299 = arith.addi %and3A_60, %parallel_loop3A_298 : vector<16xi32>
      %parallel_loop3A_300 = tpu.vector_load_idx %arg7[%parallel_loop3A_276, %parallel_loop3A_299] : memref<128x128xf32, #tpu.memory_space<vmem>>[vector<16xi32>, vector<16xi32>], vector<16xf32>,
      tpu.vector_store_idx %arg8[%parallel_loop3A_299, %broadcast_in_dim3A_180, %parallel_loop3A_276], %parallel_loop3A_300 : memref<128x4x128xf32, #tpu.memory_space<vmem>>[vector<16xi32>, vector<16xi32>, vector<16xi32>], vector<16xf32>,
      %parallel_loop3A_301 = vector.broadcast %parallel_loop3A_256 : i32 to vector<16xi32>
      %parallel_loop3A_302 = arith.addi %and3A_66, %parallel_loop3A_301 : vector<16xi32>
      %parallel_loop3A_303 = tpu.vector_load_idx %arg7[%parallel_loop3A_276, %parallel_loop3A_302] : memref<128x128xf32, #tpu.memory_space<vmem>>[vector<16xi32>, vector<16xi32>], vector<16xf32>,
      tpu.vector_store_idx %arg8[%parallel_loop3A_302, %broadcast_in_dim3A_180, %parallel_loop3A_276], %parallel_loop3A_303 : memref<128x4x128xf32, #tpu.memory_space<vmem>>[vector<16xi32>, vector<16xi32>, vector<16xi32>], vector<16xf32>,
      %parallel_loop3A_304 = vector.broadcast %parallel_loop3A_256 : i32 to vector<16xi32>
      %parallel_loop3A_305 = arith.addi %and3A_72, %parallel_loop3A_304 : vector<16xi32>
      %parallel_loop3A_306 = tpu.vector_load_idx %arg7[%parallel_loop3A_276, %parallel_loop3A_305] : memref<128x128xf32, #tpu.memory_space<vmem>>[vector<16xi32>, vector<16xi32>], vector<16xf32>,
      tpu.vector_store_idx %arg8[%parallel_loop3A_305, %broadcast_in_dim3A_180, %parallel_loop3A_276], %parallel_loop3A_306 : memref<128x4x128xf32, #tpu.memory_space<vmem>>[vector<16xi32>, vector<16xi32>, vector<16xi32>], vector<16xf32>,
      %parallel_loop3A_307 = vector.broadcast %parallel_loop3A_256 : i32 to vector<16xi32>
      %parallel_loop3A_308 = arith.addi %and3A_78, %parallel_loop3A_307 : vector<16xi32>
      %parallel_loop3A_309 = tpu.vector_load_idx %arg7[%parallel_loop3A_276, %parallel_loop3A_308] : memref<128x128xf32, #tpu.memory_space<vmem>>[vector<16xi32>, vector<16xi32>], vector<16xf32>,
      tpu.vector_store_idx %arg8[%parallel_loop3A_308, %broadcast_in_dim3A_180, %parallel_loop3A_276], %parallel_loop3A_309 : memref<128x4x128xf32, #tpu.memory_space<vmem>>[vector<16xi32>, vector<16xi32>, vector<16xi32>], vector<16xf32>,
      %parallel_loop3A_310 = vector.broadcast %parallel_loop3A_256 : i32 to vector<16xi32>
      %parallel_loop3A_311 = arith.addi %and3A_84, %parallel_loop3A_310 : vector<16xi32>
      %parallel_loop3A_312 = tpu.vector_load_idx %arg7[%parallel_loop3A_276, %parallel_loop3A_311] : memref<128x128xf32, #tpu.memory_space<vmem>>[vector<16xi32>, vector<16xi32>], vector<16xf32>,
      tpu.vector_store_idx %arg8[%parallel_loop3A_311, %broadcast_in_dim3A_180, %parallel_loop3A_276], %parallel_loop3A_312 : memref<128x4x128xf32, #tpu.memory_space<vmem>>[vector<16xi32>, vector<16xi32>, vector<16xi32>], vector<16xf32>,
      %parallel_loop3A_313 = vector.broadcast %parallel_loop3A_256 : i32 to vector<16xi32>
      %parallel_loop3A_314 = arith.addi %and3A_90, %parallel_loop3A_313 : vector<16xi32>
      %parallel_loop3A_315 = tpu.vector_load_idx %arg7[%parallel_loop3A_276, %parallel_loop3A_314] : memref<128x128xf32, #tpu.memory_space<vmem>>[vector<16xi32>, vector<16xi32>], vector<16xf32>,
      tpu.vector_store_idx %arg8[%parallel_loop3A_314, %broadcast_in_dim3A_180, %parallel_loop3A_276], %parallel_loop3A_315 : memref<128x4x128xf32, #tpu.memory_space<vmem>>[vector<16xi32>, vector<16xi32>, vector<16xi32>], vector<16xf32>,
      %parallel_loop3A_316 = vector.broadcast %parallel_loop3A_256 : i32 to vector<16xi32>
      %parallel_loop3A_317 = arith.addi %and3A_96, %parallel_loop3A_316 : vector<16xi32>
      %parallel_loop3A_318 = tpu.vector_load_idx %arg7[%parallel_loop3A_276, %parallel_loop3A_317] : memref<128x128xf32, #tpu.memory_space<vmem>>[vector<16xi32>, vector<16xi32>], vector<16xf32>,
      tpu.vector_store_idx %arg8[%parallel_loop3A_317, %broadcast_in_dim3A_180, %parallel_loop3A_276], %parallel_loop3A_318 : memref<128x4x128xf32, #tpu.memory_space<vmem>>[vector<16xi32>, vector<16xi32>, vector<16xi32>], vector<16xf32>,
      %parallel_loop3A_319 = vector.broadcast %parallel_loop3A_256 : i32 to vector<16xi32>
      %parallel_loop3A_320 = arith.addi %and3A_102, %parallel_loop3A_319 : vector<16xi32>
      %parallel_loop3A_321 = tpu.vector_load_idx %arg7[%parallel_loop3A_276, %parallel_loop3A_320] : memref<128x128xf32, #tpu.memory_space<vmem>>[vector<16xi32>, vector<16xi32>], vector<16xf32>,
      tpu.vector_store_idx %arg8[%parallel_loop3A_320, %broadcast_in_dim3A_180, %parallel_loop3A_276], %parallel_loop3A_321 : memref<128x4x128xf32, #tpu.memory_space<vmem>>[vector<16xi32>, vector<16xi32>, vector<16xi32>], vector<16xf32>,
      %parallel_loop3A_322 = vector.broadcast %parallel_loop3A_256 : i32 to vector<16xi32>
      %parallel_loop3A_323 = arith.addi %and3A_108, %parallel_loop3A_322 : vector<16xi32>
      %parallel_loop3A_324 = tpu.vector_load_idx %arg7[%parallel_loop3A_276, %parallel_loop3A_323] : memref<128x128xf32, #tpu.memory_space<vmem>>[vector<16xi32>, vector<16xi32>], vector<16xf32>,
      tpu.vector_store_idx %arg8[%parallel_loop3A_323, %broadcast_in_dim3A_180, %parallel_loop3A_276], %parallel_loop3A_324 : memref<128x4x128xf32, #tpu.memory_space<vmem>>[vector<16xi32>, vector<16xi32>, vector<16xi32>], vector<16xf32>,
    } {sc.loop_unroll_factor = 2 : i64, sc.parallel_access}
    %mul3A_184 = arith.constant 4 : i32
    %mul3A_185 = arith.muli %add3A, %mul3A_184 : i32
    %add3A_186 = arith.constant 2 : i32
    %add3A_187 = arith.addi %mul3A_185, %add3A_186 : i32
    %dma_start3A_188 = arith.constant 0 : i32
    %dma_start3A_189 = arith.constant 2 : i32
    %dma_start3A_190 = arith.constant 0 : i32
    %dma_start3A_191 = tpu.memref_slice %arg8[%dma_start3A_188, %dma_start3A_189, %dma_start3A_190] : memref<128x4x128xf32, #tpu.memory_space<vmem>> -> memref<128x2x128xf32, #tpu.memory_space<vmem>>
    %dma_start3A_192 = arith.constant 0 : i32
    %dma_start3A_193 = arith.constant 0 : i32
    %dma_start3A_194 = tpu.memref_slice %arg4[%dma_start3A_192, %add3A_187, %dma_start3A_193] : memref<128x128x128xf32, #tpu.memory_space<hbm>> -> memref<128x2x128xf32, #tpu.memory_space<hbm>>
    %dma_start3A_195 = arith.constant 0 : i32
    %dma_start3A_196 = arith.constant 0 : i32
    %dma_start3A_197 = tpu.memref_slice %arg4[%dma_start3A_195, %add3A_187, %dma_start3A_196] : memref<128x128x128xf32, #tpu.memory_space<hbm>> -> memref<128x2x128xf32, #tpu.memory_space<hbm>>
    %dma_start3A_198 = arith.constant 0 : i32
    %dma_start3A_199 = arith.constant 2 : i32
    %dma_start3A_200 = arith.constant 0 : i32
    %dma_start3A_201 = tpu.memref_slice %arg8[%dma_start3A_198, %dma_start3A_199, %dma_start3A_200] : memref<128x4x128xf32, #tpu.memory_space<vmem>> -> memref<128x2x128xf32, #tpu.memory_space<vmem>>
    tpu.enqueue_dma source(%dma_start3A_201 : memref<128x2x128xf32, #tpu.memory_space<vmem>>) target(%dma_start3A_197 : memref<128x2x128xf32, #tpu.memory_space<hbm>>) target_semaphore(%arg11 : memref<!tpu.dma_semaphore, #tpu.memory_space<semaphore_mem>>)
    %dma_wait3A_202 = arith.constant 0 : i32
    %dma_wait3A_203 = arith.constant 0 : i32
    %dma_wait3A_204 = arith.constant 0 : i32
    %dma_wait3A_205 = tpu.memref_slice %arg8[%dma_wait3A_202, %dma_wait3A_203, %dma_wait3A_204] : memref<128x4x128xf32, #tpu.memory_space<vmem>> -> memref<128x2x128xf32, #tpu.memory_space<vmem>>
    %dma_wait3A_206 = arith.constant 0 : i32
    %dma_wait3A_207 = arith.constant 0 : i32
    %dma_wait3A_208 = tpu.memref_slice %arg4[%dma_wait3A_206, %mul3A_145, %dma_wait3A_207] : memref<128x128x128xf32, #tpu.memory_space<hbm>> -> memref<128x2x128xf32, #tpu.memory_space<hbm>>
    %dma_wait3A_209 = arith.constant 0 : i32
    %dma_wait3A_210 = arith.constant 0 : i32
    %dma_wait3A_211 = tpu.memref_slice %arg4[%dma_wait3A_209, %mul3A_145, %dma_wait3A_210] : memref<128x128x128xf32, #tpu.memory_space<hbm>> -> memref<128x2x128xf32, #tpu.memory_space<hbm>>
    %dma_wait3A_212 = arith.constant 0 : i32
    %dma_wait3A_213 = arith.constant 0 : i32
    %dma_wait3A_214 = arith.constant 0 : i32
    %dma_wait3A_215 = tpu.memref_slice %arg8[%dma_wait3A_212, %dma_wait3A_213, %dma_wait3A_214] : memref<128x4x128xf32, #tpu.memory_space<vmem>> -> memref<128x2x128xf32, #tpu.memory_space<vmem>>
    tpu.wait_dma2 semaphore(%arg11 : memref<!tpu.dma_semaphore, #tpu.memory_space<semaphore_mem>>) src(%dma_wait3A_215 : memref<128x2x128xf32, #tpu.memory_space<vmem>>) dst(%dma_wait3A_211 : memref<128x2x128xf32, #tpu.memory_space<hbm>>)
    %dma_wait3A_216 = arith.constant 0 : i32
    %dma_wait3A_217 = arith.constant 2 : i32
    %dma_wait3A_218 = arith.constant 0 : i32
    %dma_wait3A_219 = tpu.memref_slice %arg8[%dma_wait3A_216, %dma_wait3A_217, %dma_wait3A_218] : memref<128x4x128xf32, #tpu.memory_space<vmem>> -> memref<128x2x128xf32, #tpu.memory_space<vmem>>
    %dma_wait3A_220 = arith.constant 0 : i32
    %dma_wait3A_221 = arith.constant 0 : i32
    %dma_wait3A_222 = tpu.memref_slice %arg4[%dma_wait3A_220, %add3A_187, %dma_wait3A_221] : memref<128x128x128xf32, #tpu.memory_space<hbm>> -> memref<128x2x128xf32, #tpu.memory_space<hbm>>
    %dma_wait3A_223 = arith.constant 0 : i32
    %dma_wait3A_224 = arith.constant 0 : i32
    %dma_wait3A_225 = tpu.memref_slice %arg4[%dma_wait3A_223, %add3A_187, %dma_wait3A_224] : memref<128x128x128xf32, #tpu.memory_space<hbm>> -> memref<128x2x128xf32, #tpu.memory_space<hbm>>
    %dma_wait3A_226 = arith.constant 0 : i32
    %dma_wait3A_227 = arith.constant 2 : i32
    %dma_wait3A_228 = arith.constant 0 : i32
    %dma_wait3A_229 = tpu.memref_slice %arg8[%dma_wait3A_226, %dma_wait3A_227, %dma_wait3A_228] : memref<128x4x128xf32, #tpu.memory_space<vmem>> -> memref<128x2x128xf32, #tpu.memory_space<vmem>>
    tpu.wait_dma2 semaphore(%arg11 : memref<!tpu.dma_semaphore, #tpu.memory_space<semaphore_mem>>) src(%dma_wait3A_229 : memref<128x2x128xf32, #tpu.memory_space<vmem>>) dst(%dma_wait3A_225 : memref<128x2x128xf32, #tpu.memory_space<hbm>>)
    return
  }
}

</mosaic_0001>

<sc_bundles>
// kernel: kernel.3.cloned.1.call-start
scs
__scs_entry_jumppad:
0x0: {  	(pc) =	sbr.rel $0x88, $3  }
0x1: {  	(tag) =	ssettag $0x0;
	lr =	simm.s32 $0x1  }
0x2: {  	[smem:$0x3F9F] =	sst lr;
	_ =	strace $0xD0000000  }
0x3: {  	_ = 	snop  }
0x4: {  	_ = 	snop  }
0x5: {  	_ = 	snop  }
0x6: {  	_ = 	snop  }
0x7: {  	_ = 	snop  }
__scs_overlays_trampoline_lowered:
0x8: {  	[smem:$0x3FAE] =	sst s0  }
0x9: {  	[smem:$0x3FAF] =	sst s1  }
0xa: {  	[smem:$0x3FB0] =	sst s2  }
0xb: {  	[smem:$0x3FB1] =	sst s3  }
0xc: {  	[smem:$0x3FB2] =	sst s4  }
0xd: {  	[smem:$0x3FB3] =	sst s5  }
0xe: {  	[smem:$0x3FB4] =	sst s6  }
0xf: {  	[smem:$0x3FB5] =	sst s7  }
0x10: {  	[smem:$0x3FB6] =	sst s8  }
0x11: {  	[smem:$0x3FB7] =	sst s9;
	s0 =	simm.s32 @!p0 $0x0  }
0x12: {  	s1 =	sld [smem:$0x3F9D];
	s0 =	simm.s32 @p0 $0x1  }
0x13: {  	[smem:$0x3FB8] =	sst s0;
	s0 =	simm.s32 @!p1 $0x0  }
0x14: {  	s2 =	sld [smem:$0x3F9C];
	s0 =	simm.s32 @p1 $0x1  }
0x15: {  	[smem:$0x3FB9] =	sst s0;
	s0 =	simm.s32 @!p2 $0x0  }
0x16: {  	s3 =	sld [smem:$0x3FDB];
	s0 =	simm.s32 @p2 $0x1  }
0x17: {  	s4 =	simm.s32 $0x1BF5;
	[smem:$0x3FBB] =	sst s0  }
0x18: {  	s0 =	sld [smem:$0x3F9E];
	_ =	swait.ge [sflag:s4], $0x0  }
0x19: {  	s7 =	sld [smem:$0x3F9F]  }
0x1a: {  	s8 =	sadd.s32 $0xFFFFE003, lr  }
0x1b: {  	s9 =	sadd.s32 $0xFFFFFEF7, lr;
	s5 =	simm.s32 $0xFFFFFFFF;
	p2 =	slt.u32 s8, $0xFFFFF086  }
0x1c: {  	p1 =	slt.u32 s9, $0xF7A;
	s5 =	simm.s32 @!p2 $0x0  }
0x1d: {  	s5 =	simm.s32 @p1 $0x1;
	p0 =	seq.s32 s7, s2  }
0x1e: {  	s7 =	smul.u32 @!p0 $0xF7A, s2;
	p2 =	seq.s32 @!p0 s5, $0x0  }
0x1f: {  	s9 =	smul.u32 $0xF7A, s1;
	s8 =	simm.s32 @!p0 $0x1BF5;
	p2 =	por !p2, p0  }
0x20: {  	[sflag:s8] =	ssyncset.s32 @!p0 $0xFFFFF086;
	s6 =	sadd.s32 @!p0 s3, s7;
	s7 =	simm.s32 @!p0 $0x108  }
0x21: {  	s3 =	sadd.s32 s3, s9;
	s6 =	sadd.s32 @!p0 $0x88, s6;
	s7 =	simm.s32 @p2 $0x1082  }
0x22: {  	[simem:s7], [sflag:s8] =	dma.local @!p0 [hbm:s6], $0xF7A  }
0x23: {  	s9 =	sor.u32 $0xD0000000, s2;
	s6 =	simm.s32 $0x108;
	_ =	swait.ge @!p0 [sflag:s8], $0x0  }
0x24: {  	s3 =	sadd.s32 $0x88, s3;
	s6 =	simm.s32 @!p1 $0x1082;
	[sflag:s4] =	ssyncset.s32 $0xFFFFF086  }
0x25: {  	[simem:s6], [sflag:s4] =	dma.local [hbm:s3], $0xF7A  }
0x26: {  	[smem:$0x3F9F] =	sst s1;
	(tag) =	ssettag s2;
	_ =	strace s9  }
0x27: {  	s1 =	sld [smem:$0x3FAF]  }
0x28: {  	s2 =	sld [smem:$0x3FB0]  }
0x29: {  	s4 =	sld [smem:$0x3FB2]  }
0x2a: {  	p0 =	seq.s32 s5, $0x0;
	s5 =	sld [smem:$0x3FB3]  }
0x2b: {  	s6 =	sld [smem:$0x3FB4]  }
0x2c: {  	s7 =	sld [smem:$0x3FB5]  }
0x2d: {  	s3 =	simm.s32 $0x108;
	s8 =	sld [smem:$0x3FB6]  }
0x2e: {  	s3 =	simm.s32 @!p0 $0x1082;
	s9 =	sld [smem:$0x3FB7]  }
0x2f: {  	lr =	sadd.s32 s0, s3;
	s0 =	sld [smem:$0x3FAE]  }
0x30: {  	s3 =	sld [smem:$0x3FB1]  }
0x31: {  	[smem:$0x3FBA] =	sst s10  }
0x32: {  	s10 =	sld [smem:$0x3FB8];
	_ =	sdelay $0x3  }
0x33: {  	p0 =	seq.s32 s10, $0x1;
	s10 =	sld [smem:$0x3FBA];
	_ =	sdelay $0x3  }
0x34: {  	[smem:$0x3FBA] =	sst s10  }
0x35: {  	s10 =	sld [smem:$0x3FB9];
	_ =	sdelay $0x3  }
0x36: {  	p1 =	seq.s32 s10, $0x1;
	s10 =	sld [smem:$0x3FBA];
	_ =	sdelay $0x3  }
0x37: {  	[smem:$0x3FBA] =	sst s10  }
0x38: {  	s10 =	sld [smem:$0x3FBB]  }
0x39: {  	_ = 	snop;
	(pc) =	sbr.ind lr, $3  }
0x3a: {  	_ = 	snop  }
0x3b: {  	_ = 	snop  }
0x3c: {  	p2 =	seq.s32 s10, $0x1;
	s10 =	sld [smem:$0x3FBA]  }
0x3d: {  	_ =	shalt  }
0x3e: {  	_ =	shalt  }
0x3f: {  	_ =	shalt  }
0x40: {  	_ =	shalt  }
0x41: {  	_ =	shalt  }
0x42: {  	_ =	shalt  }
0x43: {  	_ =	shalt  }
0x44: {  	_ =	shalt  }
0x45: {  	_ =	shalt  }
0x46: {  	_ =	shalt  }
0x47: {  	_ =	shalt  }
0x48: {  	_ =	shalt  }
0x49: {  	_ =	shalt  }
0x4a: {  	_ =	shalt  }
0x4b: {  	_ =	shalt  }
0x4c: {  	_ =	shalt  }
0x4d: {  	_ =	shalt  }
0x4e: {  	_ =	shalt  }
0x4f: {  	_ =	shalt  }
0x50: {  	_ =	shalt  }
0x51: {  	_ =	shalt  }
0x52: {  	_ =	shalt  }
0x53: {  	_ =	shalt  }
0x54: {  	_ =	shalt  }
0x55: {  	_ =	shalt  }
0x56: {  	_ =	shalt  }
0x57: {  	_ =	shalt  }
0x58: {  	_ =	shalt  }
0x59: {  	_ =	shalt  }
0x5a: {  	_ =	shalt  }
0x5b: {  	_ =	shalt  }
0x5c: {  	_ =	shalt  }
0x5d: {  	_ =	shalt  }
0x5e: {  	_ =	shalt  }
0x5f: {  	_ =	shalt  }
0x60: {  	_ =	shalt  }
0x61: {  	_ =	shalt  }
0x62: {  	_ =	shalt  }
0x63: {  	_ =	shalt  }
0x64: {  	_ =	shalt  }
0x65: {  	_ =	shalt  }
0x66: {  	_ =	shalt  }
0x67: {  	_ =	shalt  }
0x68: {  	_ =	shalt  }
0x69: {  	_ =	shalt  }
0x6a: {  	_ =	shalt  }
0x6b: {  	_ =	shalt  }
0x6c: {  	_ =	shalt  }
0x6d: {  	_ =	shalt  }
0x6e: {  	_ =	shalt  }
0x6f: {  	_ =	shalt  }
0x70: {  	_ =	shalt  }
0x71: {  	_ =	shalt  }
0x72: {  	_ =	shalt  }
0x73: {  	_ =	shalt  }
0x74: {  	_ =	shalt  }
0x75: {  	_ =	shalt  }
0x76: {  	_ =	shalt  }
0x77: {  	_ =	shalt  }
0x78: {  	_ =	shalt  }
0x79: {  	_ =	shalt  }
0x7a: {  	_ =	shalt  }
0x7b: {  	_ =	shalt  }
0x7c: {  	_ =	shalt  }
0x7d: {  	_ =	shalt  }
0x7e: {  	_ =	shalt  }
0x7f: {  	_ =	shalt  }
0x80: {  	_ =	shalt  }
0x81: {  	_ =	shalt  }
0x82: {  	_ =	shalt  }
0x83: {  	_ =	shalt  }
0x84: {  	_ =	shalt  }
0x85: {  	_ =	shalt  }
0x86: {  	_ =	shalt  }
0x87: {  	_ =	shalt  }
.Lfunc_end0:
.L_simem_size_0:
called_computation_lowered:
.L_overlay_start_0:
0x88: {  	s2 =	sld [smem:$0x3FD9]  }
0x89: {  	s3 =	sld [smem:$0x3FFE];
	_ =	sdelay $0x1  }
0x8a: {  	s1 =	srdreg.scid  }
0x8b: {  	s0 =	sand.u32 $0x1, s1  }
0x8c: {  	s18 =	sshll.u32 s0, $0xA;
	s2 =	sadd.s32 s3, s2  }
0x8d: {  	s2 =	sadd.s32 s2, s18  }
0x8e: {  	[smem:$0x3FC6] =	sst s2  }
0x8f: {  	_ = 	snop  }
0x90: {  	s2 =	sld [smem:$0x3FC9]  }
0x91: {  	s19 =	sld [smem:$0x3FC8]  }
0x92: {  	s4 =	sld [smem:$0x3FD0];
	(tm) =	ssettm $0x1  }
0x93: {  	s5 =	sld [smem:$0x3FFB];
	_ =	sdelay $0x3  }
0x94: {  	_ =	strace s5  }
0x95: {  	s5 =	sld [smem:$0x3FFC];
	_ =	sdelay $0x3  }
0x96: {  	_ =	strace s5  }
0x97: {  	s5 =	sld [smem:$0x3FFD];
	_ =	sdelay $0x3  }
0x98: {  	_ =	strace s5  }
0x99: {  	_ =	strace $0x8FFFFFFF  }
0x9a: {  	s20 =	sld [smem:$0x3FDB];
	_ =	sdelay $0x1  }
0x9b: {  	s6 =	simm.s32 $_scs_section_size  }
0x9c: {  	s7 =	simm.s32 $_size__tile_overlayer_lowered;
	s8 =	simm.s32 $_tile_overlayer_lowered  }
0x9d: {  	s23 =	simm.s32 $0x1BFF;
	s22 =	sshll.u32 s8, $0x1;
	s5 =	sadd.s32 s6, s20  }
0x9e: {  	s9 =	simm.s32 $0x0;
	s21 =	sshll.u32 s7, $0x1;
	s7 =	sadd.s32 s22, s5  }
0x9f: {  	[timem:s9], [sflag:s23] =	dma.local [hbm:s7], s21  }
0xa0: {  	_ =	swait.ge [sflag:s23], s21  }
0xa1: {  	s6 =	ssub.s32 $0x0, s21;
	[sflag:s23] =	ssyncset.done $0x0  }
0xa2: {  	[sflag:s23] =	ssyncadd.s32 s6;
	_ =	sdelay $0x1  }
0xa3: {  	s24 =	simm.s32 $0x1B8B  }
0xa4: {  	_ =	swait.ge [sflag:s24], $0x1  }
0xa5: {  	[sflag:s24] =	ssyncset.done $0x0  }
0xa6: {  	s25 =	simm.s32 $0x1B8E;
	[sflag:s24] =	ssyncadd.s32 $0xFFFFFFFF  }
0xa7: {  	s26 =	simm.s32 $execute0_lowered;
	[smem:$0x3FD2] =	sst s25  }
0xa8: {  	s6 =	sshll.u32 s26, $0x1;
	_ =	strace $0x80000046;
	[dreg:$0x1] =	wrdreg $0xFFFFFFFF  }
0xa9: {  	s28 =	simm.s32 $_size_execute0_lowered;
	s5 =	sadd.s32 s5, s6;
	[dreg:$0x0] =	wrdreg $0x0  }
0xaa: {  	s6 =	sshll.u32 s28, $0x1;
	[dreg:$0x2] =	wrdreg s5  }
0xab: {  	[dreg:$0x3] =	wrdreg s6  }
0xac: {  	[dreg:$0x4] =	wrdreg $0xC0  }
0xad: {  	_ =	task [dreg:s9], $0x5FFFF  }
0xae: {  	[dreg:$0x1] =	wrdreg $0xFFFFFFFF  }
0xaf: {  	[dreg:$0x0] =	wrdreg $0x60  }
0xb0: {  	[dreg:$0x2] =	wrdreg s19  }
0xb1: {  	[dreg:$0x3] =	wrdreg s2  }
0xb2: {  	[dreg:$0x4] =	wrdreg s4  }
0xb3: {  	[dreg:$0x5] =	wrdreg $0x9  }
0xb4: {  	_ =	task.clear_ibuf [dreg:s9], $0x6FFFF;
	_ =	strace $0x90000046  }
0xb5: {  	s29 =	simm.s32 $0x9;
	_ =	strace $0x80000048  }
0xb6: {  	_ =	swait.ge [sflag:s29], $0x1  }
0xb7: {  	[sflag:s29] =	ssyncadd.s32 $0xFFFFFFFF  }
0xb8: {  	_ =	strace $0x90000048  }
0xb9: {  	_ =	sfence  }
0xba: {  	s30 =	sld [smem:$0x0];
	_ =	sdelay $0x2  }
0xbb: {  	s31 =	sshll.u32 s1, $0xD;
	s1 =	sshrl.u32 s1, $0x2  }
0xbc: {  	s3 =	sand.u32 $0x4000, s31;
	s1 =	sadd.s32 s1, s30  }
0xbd: {  	s0 =	sor.u32 s3, s0;
	s1 =	sshll.u32 s1, $0x11  }
0xbe: {  	s0 =	sor.u32 s1, s0  }
0xbf: {  	s0 =	sadd.s32 $0x8F2B, s0  }
0xc0: {  	[sflag:s0] =	ssyncadd.remote.s32 $0x1  }
0xc1: {  	_ =	sfence.sel $0xFFFF  }
0xc2: {  	[dreg:$0x0] =	wrdreg $0xFFFFFFFF;
	(pc) =	sbr.abs _section_cstart, $3  }
0xc3: {  	[dreg:$0x1] =	wrdreg $0xFFFFFFFF  }
0xc4: {  	_ =	task.clear_ibuf [dreg:s9], $0x2FFFF;
	_ =	strace $0x9FFFFFFF  }
0xc5: {  	(tm) =	ssettm $0x7FFFFFFF  }
tec
execute0_lowered:
.L_overlay_start_1:
0x0: {  	(tag) =	ssettag $0x1  }
0x1: {  	v0 =	vimm.s32 $0xFEDCBA9  }
0x2: {  	v2 =	vimm.s32 $0x87654321;
	v3 =	vimm.s32 $0x98765432;
	v4 =	vimm.s32 $0x210FEDCB  }
0x3: {  	v5 =	vimm.s32 $0xA9876543;
	v15 =	vimm.s32 $0xCBA98765;
	v17 =	vimm.s32 $0x6543210F  }
0x4: {  	v18 =	vimm.s32 $0xEDCBA987;
	v19 =	vimm.s32 $0xFEDCBA98;
	v20 =	vimm.s32 $0x76543210  }
0x5: {  	v1 =	vunpack.c.l.s4.s8 v0;
	v0 =	vlaneseq.u32;
	v3 =	vunpack.c.l.s4.s8 v3  }
0x6: {  	v4 =	vunpack.c.l.s4.s8 v4;
	v17 =	vunpack.c.l.s4.s8 v17;
	v18 =	vunpack.c.l.s4.s8 v18  }
0x7: {  	v19 =	vunpack.c.l.s4.s8 v19;
	v7 =	vunpack.c.0.s8.s32 v1;
	v1 =	vunpack.c.l.s4.s8 v2  }
0x8: {  	v2 =	vimm.s32 $0x10FEDCBA;
	v10 =	vunpack.c.0.s8.s32 v3;
	v11 =	vunpack.c.0.s8.s32 v4  }
0x9: {  	v17 =	vunpack.c.0.s8.s32 v17;
	v18 =	vunpack.c.0.s8.s32 v18;
	v2 =	vunpack.c.l.s4.s8 v2  }
0xa: {  	v19 =	vunpack.c.0.s8.s32 v19;
	v8 =	vunpack.c.0.s8.s32 v1;
	v1 =	vunpack.c.l.s4.s8 v5  }
0xb: {  	v23 =	vcombine.low v18, v17;
	v9 =	vunpack.c.0.s8.s32 v2;
	v2 =	vimm.s32 $0x3210FEDC  }
0xc: {  	v19 =	vand.u32 $0xF, v19;
	v12 =	vunpack.c.0.s8.s32 v1;
	v1 =	vunpack.c.l.s4.s8 v2  }
0xd: {  	v2 =	vimm.s32 $0xBA987654;
	v3 =	vcombine.low v8, v7;
	v63 =	vcombine.low v7, v8  }
0xe: {  	v8 =	vand.u32 $0xF, v23;
	v4 =	vcombine.low v10, v9;
	v2 =	vunpack.c.l.s4.s8 v2  }
0xf: {  	v10 =	vcombine.low v9, v10;
	v5 =	vcombine.low v12, v11;
	v13 =	vunpack.c.0.s8.s32 v1  }
0x10: {  	s0 =	rddreg [dreg:$0x0];
	v1 =	vimm.s32 $0x43210FED;
	v11 =	vcombine.low v11, v12;
	v14 =	vunpack.c.0.s8.s32 v2  }
0x11: {  	s5 =	rddreg [dreg:$0x1];
	v6 =	vunpack.c.l.s4.s8 v1;
	v2 =	vand.u32 $0xF, v4;
	v4 =	vunpack.c.l.s4.s8 v15  }
0x12: {  	s4 =	rddreg [dreg:$0x2];
	s3 =	srdreg.scid;
	v9 =	vand.u32 $0xF, v63;
	v1 =	vand.u32 $0xF, v3;
	v10 =	vand.u32 $0xF, v10  }
0x13: {  	s1 =	rddreg [dreg:$0x3];
	s2 =	stileid.u32;
	s9 =	simm.s32 $0x80;
	v3 =	vand.u32 $0xF, v5;
	v15 =	vunpack.c.0.s8.s32 v6;
	v16 =	vunpack.c.0.s8.s32 v4  }
0x14: {  	s10 =	simm.s32 $0x200;
	s11 =	simm.s32 $0x4200;
	s12 =	simm.s32 $0x1;
	v4 =	vimm.s32 $0x543210FE;
	v6 =	vimm.s32 $0xDCBA9876;
	v12 =	vcombine.low v13, v14  }
0x15: {  	s13 =	simm.s32 $0x8200;
	s14 =	simm.s32 $0x100;
	s15 =	simm.s32 $0x2;
	v11 =	vand.u32 $0xF, v11;
	v4 =	vunpack.c.l.s4.s8 v4;
	v6 =	vunpack.c.l.s4.s8 v6  }
0x16: {  	s16 =	simm.s32 $0x180;
	s17 =	simm.s32 $0x3;
	s18 =	simm.s32 $0x0;
	v5 =	vcombine.low v14, v13;
	v13 =	vcombine.low v15, v16;
	v12 =	vand.u32 $0xF, v12  }
0x17: {  	s6 =	sand.u32 $0x1, s3;
	s3 =	simm.s32 $0x0;
	s7 =	sshll.u32 s2, $0x7;
	v21 =	vunpack.c.0.s8.s32 v4;
	v22 =	vunpack.c.0.s8.s32 v6;
	v6 =	vunpack.c.l.s4.s8 v20  }
0x18: {  	s8 =	sshll.u32 s6, $0x6;
	[smem:$0x7FF] =	sst s3;
	s6 =	ssub.s32 $0x2, s6;
	v4 =	vand.u32 $0xF, v5;
	v5 =	vcombine.low v16, v15;
	v15 =	vcombine.low v17, v18  }
0x19: {  	s7 =	sor.u32 s8, s7;
	_ =	strace $0x80000047;
	s31 =	sshrl.u32 s6, $0x1;
	v6 =	vunpack.c.0.s8.s32 v6;
	v62 =	vcombine.low v22, v21;
	v14 =	vcombine.low v21, v22  }
0x1a: {  	s4 =	sadd.s32 s4, s7;
	s8 =	ssub.s32 s6, s31;
	s5 =	sadd.s32 s5, s7;
	v13 =	vand.u32 $0xF, v13;
	v5 =	vand.u32 $0xF, v5;
	v15 =	vand.u32 $0xF, v15  }
0x1b: {  	s6 =	sadd.s32 $0x20, s4;
	s7 =	smax.u32 s8, $0x1;
	s8 =	simm.s32 $0x4;
	v6 =	vcombine.low v19, v6;
	v7 =	vand.u32 $0xF, v62;
	v14 =	vand.u32 $0xF, v14  }
.LBB2_1:
0x1c: {  	[tilespmem:s3], [sflag:$0x4] =	stream.linear.gather [hbm4b:s5+s3], $0x200, $0x38;
	[tilespmem:$0x18200] =	vst v63  }
0x1d: {  	s19 =	sand.u32 $0x60, s3;
	_ =	swait.ge [sflag:s8], $0x200  }
0x1e: {  	s20 =	sor.u32 $0x10, s19;
	[sflag:s8] =	ssyncset.done $0x0  }
0x1f: {  	s22 =	sand.u32 $0x70, s3;
	v26 =	vor.u32 s20, v0;
	[sflag:s8] =	ssyncadd.s32 $0xFFFFFE00  }
0x20: {  	v16 =	vor.u32 s22, v0;
	v24 =	vor.u32 s19, v0;
	v27 =	vshll.u32 v26, $0x7;
	[tilespmem:s10], [sflag:$0x1] =	stream.indirect.gather [hbm4b:s0+s9], $0x80, s3, s9, $0xb8;
	[tilespmem:$0x18200] =	vst v63  }
0x21: {  	v25 =	vshll.u32 v24, $0x7;
	v17 =	vor.u32 v16, v27  }
0x22: {  	v18 =	vor.u32 v16, v25;
	[tilespmem:s11], [sflag:$0x2] =	stream.indirect.gather [hbm4b:s0+s9], $0x80, s9, s9, $0xb8;
	[tilespmem:$0x18200] =	vst v63  }
0x23: {  	_ =	swait.ge [sflag:s12], $0x4000  }
0x24: {  	[sflag:s12] =	ssyncset.done $0x0  }
0x25: {  	v16 =	vshll.u32 v16, $0x9;
	[sflag:s12] =	ssyncadd.s32 $0xFFFFC000  }
0x26: {  	v19 =	vor.u32 s22, v1;
	v20 =	vor.u32 v26, v16;
	v17 =	vld.idx.msk [tilespmem:v17+s10+$0x0], $0xffff  }
0x27: {  	v21 =	vor.u32 v19, v27;
	v16 =	vor.u32 v24, v16;
	v18 =	vld.idx.msk [tilespmem:v18+s10+$0x0], $0xffff  }
0x28: {  	v22 =	vor.u32 v19, v25;
	_ =	sdelay $0x2  }
0x29: {  	[tilespmem:v20+s13+$0x0] =	vst.idx.msk $0xffff, v17;
	v17 =	vshll.u32 v19, $0x9  }
0x2a: {  	v20 =	vor.u32 s22, v2;
	[tilespmem:v16+s13+$0x0] =	vst.idx.msk $0xffff, v18;
	v19 =	vld.idx.msk [tilespmem:v21+s10+$0x0], $0xffff;
	v21 =	vor.u32 v26, v17  }
0x2b: {  	v23 =	vor.u32 v20, v27;
	v16 =	vld.idx.msk [tilespmem:v22+s10+$0x0], $0xffff;
	v17 =	vor.u32 v24, v17  }
0x2c: {  	v18 =	vor.u32 v20, v25;
	_ =	sdelay $0x2  }
0x2d: {  	[tilespmem:v21+s13+$0x0] =	vst.idx.msk $0xffff, v19;
	v19 =	vshll.u32 v20, $0x9  }
0x2e: {  	v21 =	vor.u32 s22, v3;
	[tilespmem:v17+s13+$0x0] =	vst.idx.msk $0xffff, v16;
	v20 =	vld.idx.msk [tilespmem:v23+s10+$0x0], $0xffff;
	v22 =	vor.u32 v26, v19  }
0x2f: {  	v23 =	vor.u32 v21, v27;
	v16 =	vld.idx.msk [tilespmem:v18+s10+$0x0], $0xffff;
	v17 =	vor.u32 v24, v19  }
0x30: {  	v18 =	vor.u32 v21, v25;
	_ =	sdelay $0x2  }
0x31: {  	v19 =	vshll.u32 v21, $0x9;
	[tilespmem:v22+s13+$0x0] =	vst.idx.msk $0xffff, v20  }
0x32: {  	v21 =	vor.u32 s22, v4;
	v22 =	vor.u32 v26, v19;
	[tilespmem:v17+s13+$0x0] =	vst.idx.msk $0xffff, v16;
	v20 =	vld.idx.msk [tilespmem:v23+s10+$0x0], $0xffff  }
0x33: {  	v17 =	vor.u32 v24, v19;
	v23 =	vor.u32 v21, v27;
	v16 =	vld.idx.msk [tilespmem:v18+s10+$0x0], $0xffff  }
0x34: {  	v18 =	vor.u32 v21, v25;
	_ =	sdelay $0x2  }
0x35: {  	v19 =	vshll.u32 v21, $0x9;
	[tilespmem:v22+s13+$0x0] =	vst.idx.msk $0xffff, v20  }
0x36: {  	s28 =	simm.s32 $0x20;
	v21 =	vor.u32 s22, v5;
	v22 =	vor.u32 v26, v19;
	[tilespmem:v17+s13+$0x0] =	vst.idx.msk $0xffff, v16;
	v20 =	vld.idx.msk [tilespmem:v23+s10+$0x0], $0xffff  }
0x37: {  	s29 =	sand.u32 $0x60, s28;
	v28 =	vor.u32 v24, v19;
	v23 =	vor.u32 v21, v27;
	v18 =	vld.idx.msk [tilespmem:v18+s10+$0x0], $0xffff  }
0x38: {  	s30 =	simm.s32 $0x4;
	s21 =	sor.u32 $0x10, s29;
	v29 =	vor.u32 v21, v25  }
0x39: {  	s19 =	sand.u32 $0x70, s30;
	v16 =	vor.u32 s21, v0  }
0x3a: {  	v30 =	vor.u32 s19, v0;
	v19 =	vshll.u32 v16, $0x7  }
0x3b: {  	v17 =	vor.u32 s29, v0;
	v32 =	vor.u32 v30, v19;
	[tilespmem:v22+s13+$0x0] =	vst.idx.msk $0xffff, v20;
	v20 =	vshll.u32 v21, $0x9  }
0x3c: {  	[tilespmem:v28+s13+$0x0] =	vst.idx.msk $0xffff, v18;
	v18 =	vshll.u32 v17, $0x7;
	v22 =	vld.idx.msk [tilespmem:v23+s10+$0x0], $0xffff;
	v23 =	vor.u32 v26, v20  }
0x3d: {  	v21 =	vor.u32 s22, v7;
	v28 =	vld.idx.msk [tilespmem:v29+s10+$0x0], $0xffff;
	v20 =	vor.u32 v24, v20;
	v29 =	vor.u32 v30, v18  }
0x3e: {  	v31 =	vor.u32 v21, v27;
	_ =	sdelay $0x1  }
0x3f: {  	v34 =	vor.u32 s19, v1;
	v33 =	vor.u32 v21, v25;
	v30 =	vshll.u32 v30, $0x9  }
0x40: {  	v37 =	vor.u32 v34, v19;
	v32 =	vld.idx.msk [tilespmem:v32+s10+$0x0], $0xffff;
	v35 =	vor.u32 v16, v30;
	[tilespmem:v23+s13+$0x0] =	vst.idx.msk $0xffff, v22  }
0x41: {  	v21 =	vshll.u32 v21, $0x9;
	[tilespmem:v20+s13+$0x0] =	vst.idx.msk $0xffff, v28;
	v20 =	vld.idx.msk [tilespmem:v29+s10+$0x0], $0xffff;
	v28 =	vor.u32 v17, v30  }
0x42: {  	v22 =	vor.u32 s22, v8;
	v29 =	vor.u32 v34, v18;
	v23 =	vld.idx.msk [tilespmem:v31+s10+$0x0], $0xffff;
	v31 =	vor.u32 v26, v21  }
0x43: {  	v36 =	vor.u32 v22, v27  }
0x44: {  	v30 =	vld.idx.msk [tilespmem:v33+s10+$0x0], $0xffff;
	v21 =	vor.u32 v24, v21  }
0x45: {  	v44 =	vshll.u32 v34, $0x9;
	v43 =	vor.u32 v22, v25;
	[tilespmem:v35+s13+$0x0] =	vst.idx.msk $0xffff, v32  }
0x46: {  	v46 =	vor.u32 s19, v2;
	v47 =	vor.u32 v16, v44;
	v22 =	vshll.u32 v22, $0x9;
	v35 =	vld.idx.msk [tilespmem:v37+s10+$0x0], $0xffff;
	[tilespmem:v28+s13+$0x0] =	vst.idx.msk $0xffff, v20  }
0x47: {  	v20 =	vor.u32 v46, v19;
	[tilespmem:v31+s13+$0x0] =	vst.idx.msk $0xffff, v23;
	v28 =	vld.idx.msk [tilespmem:v29+s10+$0x0], $0xffff;
	v29 =	vor.u32 v17, v44  }
0x48: {  	v48 =	vor.u32 v46, v18;
	v45 =	vor.u32 v26, v22;
	v23 =	vor.u32 s22, v6;
	v31 =	vld.idx.msk [tilespmem:v36+s10+$0x0], $0xffff  }
0x49: {  	[tilespmem:v21+s13+$0x0] =	vst.idx.msk $0xffff, v30;
	v38 =	vor.u32 v23, v27  }
0x4a: {  	v21 =	vor.u32 v24, v22;
	v30 =	vld.idx.msk [tilespmem:v43+s10+$0x0], $0xffff  }
0x4b: {  	v52 =	vor.u32 s19, v3;
	v50 =	vshll.u32 v46, $0x9;
	v22 =	vor.u32 v23, v25;
	[tilespmem:v47+s13+$0x0] =	vst.idx.msk $0xffff, v35  }
0x4c: {  	v53 =	vor.u32 v16, v50;
	v55 =	vor.u32 v17, v50;
	v20 =	vld.idx.msk [tilespmem:v20+s10+$0x0], $0xffff;
	[tilespmem:v29+s13+$0x0] =	vst.idx.msk $0xffff, v28  }
0x4d: {  	v23 =	vshll.u32 v23, $0x9;
	v28 =	vor.u32 v52, v19;
	[tilespmem:v45+s13+$0x0] =	vst.idx.msk $0xffff, v31;
	v29 =	vld.idx.msk [tilespmem:v48+s10+$0x0], $0xffff  }
0x4e: {  	v56 =	vor.u32 v52, v18;
	v51 =	vor.u32 v26, v23;
	v31 =	vor.u32 s22, v9;
	v49 =	vld.idx.msk [tilespmem:v38+s10+$0x0], $0xffff  }
0x4f: {  	[tilespmem:v21+s13+$0x0] =	vst.idx.msk $0xffff, v30;
	v54 =	vor.u32 v31, v27  }
0x50: {  	v21 =	vor.u32 v24, v23;
	v22 =	vld.idx.msk [tilespmem:v22+s10+$0x0], $0xffff  }
0x51: {  	v23 =	vor.u32 v31, v25;
	v30 =	vshll.u32 v31, $0x9;
	v31 =	vshll.u32 v52, $0x9;
	[tilespmem:v53+s13+$0x0] =	vst.idx.msk $0xffff, v20  }
0x52: {  	v59 =	vor.u32 s19, v4;
	v60 =	vor.u32 v16, v31;
	v28 =	vld.idx.msk [tilespmem:v28+s10+$0x0], $0xffff;
	[tilespmem:v55+s13+$0x0] =	vst.idx.msk $0xffff, v29  }
0x53: {  	v31 =	vor.u32 v17, v31;
	v29 =	vor.u32 v59, v19;
	[tilespmem:v51+s13+$0x0] =	vst.idx.msk $0xffff, v49;
	v32 =	vld.idx.msk [tilespmem:v56+s10+$0x0], $0xffff  }
0x54: {  	v57 =	vor.u32 s22, v10;
	v62 =	vor.u32 v59, v18;
	v58 =	vor.u32 v26, v30;
	v20 =	vld.idx.msk [tilespmem:v54+s10+$0x0], $0xffff  }
0x55: {  	v61 =	vor.u32 v57, v27;
	[tilespmem:v21+s13+$0x0] =	vst.idx.msk $0xffff, v22  }
0x56: {  	v21 =	vor.u32 v24, v30;
	v23 =	vld.idx.msk [tilespmem:v23+s10+$0x0], $0xffff  }
0x57: {  	v45 =	vor.u32 s19, v5;
	v22 =	vor.u32 v57, v25;
	v30 =	vshll.u32 v59, $0x9;
	[tilespmem:v60+s13+$0x0] =	vst.idx.msk $0xffff, v28  }
0x58: {  	v46 =	vor.u32 v16, v30;
	v30 =	vor.u32 v17, v30;
	v29 =	vld.idx.msk [tilespmem:v29+s10+$0x0], $0xffff;
	[tilespmem:v31+s13+$0x0] =	vst.idx.msk $0xffff, v32  }
0x59: {  	v31 =	vor.u32 v45, v19;
	[tilespmem:v58+s13+$0x0] =	vst.idx.msk $0xffff, v20;
	v20 =	vshll.u32 v57, $0x9;
	v32 =	vld.idx.msk [tilespmem:v62+s10+$0x0], $0xffff  }
0x5a: {  	v63 =	vor.u32 s22, v11;
	v28 =	vld.idx.msk [tilespmem:v61+s10+$0x0], $0xffff;
	v44 =	vor.u32 v26, v20  }
0x5b: {  	s31 =	simm.s32 $0x40;
	v47 =	vor.u32 v63, v27;
	[tilespmem:v21+s13+$0x0] =	vst.idx.msk $0xffff, v23  }
0x5c: {  	s23 =	sand.u32 $0x60, s31;
	v39 =	vor.u32 v63, v25;
	v50 =	vshll.u32 v45, $0x9;
	v21 =	vor.u32 v24, v20;
	v40 =	vld.idx.msk [tilespmem:v22+s10+$0x0], $0xffff  }
0x5d: {  	s24 =	sor.u32 $0x10, s23;
	s21 =	simm.s32 $0x8;
	v48 =	vor.u32 v45, v18;
	v53 =	vor.u32 v16, v50;
	v51 =	vor.u32 s19, v7;
	[tilespmem:v46+s13+$0x0] =	vst.idx.msk $0xffff, v29  }
0x5e: {  	s20 =	sand.u32 $0x70, s21;
	v49 =	vor.u32 s22, v12;
	v54 =	vor.u32 v51, v19;
	v22 =	vor.u32 s24, v0;
	v31 =	vld.idx.msk [tilespmem:v31+s10+$0x0], $0xffff;
	[tilespmem:v30+s13+$0x0] =	vst.idx.msk $0xffff, v32  }
0x5f: {  	v23 =	vshll.u32 v22, $0x7;
	v30 =	vor.u32 s20, v0;
	[tilespmem:v44+s13+$0x0] =	vst.idx.msk $0xffff, v28;
	v28 =	vshll.u32 v63, $0x9  }
0x60: {  	v20 =	vor.u32 s23, v0;
	v42 =	vor.u32 v30, v23;
	v29 =	vld.idx.msk [tilespmem:v47+s10+$0x0], $0xffff;
	v52 =	vor.u32 v26, v28  }
0x61: {  	v41 =	vor.u32 v49, v27;
	[tilespmem:v21+s13+$0x0] =	vst.idx.msk $0xffff, v40;
	v21 =	vshll.u32 v20, $0x7  }
0x62: {  	v35 =	vor.u32 v17, v50;
	v55 =	vor.u32 v51, v18;
	v34 =	vld.idx.msk [tilespmem:v48+s10+$0x0], $0xffff;
	v43 =	vor.u32 v30, v21  }
0x63: {  	v59 =	vor.u32 s19, v8;
	v36 =	vshll.u32 v51, $0x9;
	v39 =	vld.idx.msk [tilespmem:v39+s10+$0x0], $0xffff;
	v28 =	vor.u32 v24, v28;
	[tilespmem:v53+s13+$0x0] =	vst.idx.msk $0xffff, v31  }
0x64: {  	v60 =	vor.u32 v59, v19;
	v44 =	vor.u32 v16, v36;
	v30 =	vshll.u32 v30, $0x9;
	v32 =	vld.idx.msk [tilespmem:v54+s10+$0x0], $0xffff  }
0x65: {  	v57 =	vor.u32 s22, v13;
	v47 =	vor.u32 v22, v30;
	v31 =	vshll.u32 v49, $0x9;
	v42 =	vld.idx.msk [tilespmem:v42+s10+$0x0], $0xffff;
	[tilespmem:v52+s13+$0x0] =	vst.idx.msk $0xffff, v29  }
0x66: {  	v62 =	vor.u32 v59, v18;
	v45 =	vor.u32 v57, v27;
	v58 =	vor.u32 v26, v31;
	v56 =	vld.idx.msk [tilespmem:v41+s10+$0x0], $0xffff  }
0x67: {  	v46 =	vor.u32 s20, v1;
	v30 =	vor.u32 v20, v30;
	[tilespmem:v35+s13+$0x0] =	vst.idx.msk $0xffff, v34;
	v43 =	vld.idx.msk [tilespmem:v43+s10+$0x0], $0xffff  }
0x68: {  	v33 =	vor.u32 v57, v25;
	v48 =	vor.u32 v46, v23;
	[tilespmem:v28+s13+$0x0] =	vst.idx.msk $0xffff, v39  }
0x69: {  	v36 =	vor.u32 v17, v36;
	v63 =	vshll.u32 v57, $0x9;
	v61 =	vor.u32 v46, v21;
	[tilespmem:v44+s13+$0x0] =	vst.idx.msk $0xffff, v32  }
0x6a: {  	v40 =	vor.u32 v24, v63;
	v53 =	vshll.u32 v59, $0x9;
	v54 =	vor.u32 s19, v6;
	v28 =	vld.idx.msk [tilespmem:v55+s10+$0x0], $0xffff;
	[tilespmem:v47+s13+$0x0] =	vst.idx.msk $0xffff, v42  }
0x6b: {  	v57 =	vor.u32 v16, v53;
	v55 =	vor.u32 v26, v63;
	v34 =	vld.idx.msk [tilespmem:v60+s10+$0x0], $0xffff;
	[tilespmem:v58+s13+$0x0] =	vst.idx.msk $0xffff, v56  }
0x6c: {  	v52 =	vor.u32 s22, v14;
	v60 =	vor.u32 v54, v19;
	[tilespmem:v30+s13+$0x0] =	vst.idx.msk $0xffff, v43;
	v56 =	vshll.u32 v46, $0x9;
	v38 =	vld.idx.msk [tilespmem:v45+s10+$0x0], $0xffff  }
0x6d: {  	v30 =	vor.u32 s20, v2;
	v48 =	vld.idx.msk [tilespmem:v48+s10+$0x0], $0xffff;
	v58 =	vor.u32 v52, v27;
	v59 =	vor.u32 v22, v56  }
0x6e: {  	v29 =	vor.u32 v49, v25;
	v41 =	vshll.u32 v54, $0x9;
	v50 =	vor.u32 v30, v23  }
0x6f: {  	v63 =	vor.u32 v16, v41;
	[tilespmem:v36+s13+$0x0] =	vst.idx.msk $0xffff, v28;
	v35 =	vld.idx.msk [tilespmem:v61+s10+$0x0], $0xffff;
	v44 =	vor.u32 v20, v56  }
0x70: {  	v28 =	vor.u32 v17, v53;
	v49 =	vor.u32 v30, v21;
	v39 =	vld.idx.msk [tilespmem:v62+s10+$0x0], $0xffff;
	[tilespmem:v57+s13+$0x0] =	vst.idx.msk $0xffff, v34  }
0x71: {  	v32 =	vshll.u32 v52, $0x9;
	v36 =	vor.u32 v54, v18;
	v62 =	vld.idx.msk [tilespmem:v60+s10+$0x0], $0xffff;
	[tilespmem:v55+s13+$0x0] =	vst.idx.msk $0xffff, v38  }
0x72: {  	v61 =	vor.u32 v26, v32;
	v30 =	vshll.u32 v30, $0x9;
	v56 =	vor.u32 s19, v9;
	[tilespmem:v59+s13+$0x0] =	vst.idx.msk $0xffff, v48;
	v38 =	vld.idx.msk [tilespmem:v58+s10+$0x0], $0xffff  }
0x73: {  	v54 =	vor.u32 v56, v19;
	v34 =	vor.u32 s22, v15;
	v57 =	vor.u32 v22, v30;
	v43 =	vld.idx.msk [tilespmem:v50+s10+$0x0], $0xffff  }
0x74: {  	v31 =	vor.u32 v24, v31;
	v27 =	vor.u32 v34, v27;
	[tilespmem:v44+s13+$0x0] =	vst.idx.msk $0xffff, v35;
	v55 =	vor.u32 s20, v3  }
0x75: {  	v30 =	vor.u32 v20, v30;
	[tilespmem:v28+s13+$0x0] =	vst.idx.msk $0xffff, v39;
	v58 =	vld.idx.msk [tilespmem:v49+s10+$0x0], $0xffff;
	v59 =	vor.u32 v55, v23  }
0x76: {  	v29 =	vld.idx.msk [tilespmem:v29+s10+$0x0], $0xffff;
	v45 =	vor.u32 s19, v10;
	v28 =	vor.u32 v55, v21;
	[tilespmem:v63+s13+$0x0] =	vst.idx.msk $0xffff, v62  }
0x77: {  	v60 =	vor.u32 v17, v41;
	v42 =	vshll.u32 v34, $0x9;
	v36 =	vld.idx.msk [tilespmem:v36+s10+$0x0], $0xffff;
	v62 =	vshll.u32 v56, $0x9;
	[tilespmem:v61+s13+$0x0] =	vst.idx.msk $0xffff, v38  }
0x78: {  	v37 =	vld.idx.msk [tilespmem:v54+s10+$0x0], $0xffff;
	v63 =	vor.u32 v16, v62;
	v61 =	vor.u32 v56, v18;
	[tilespmem:v57+s13+$0x0] =	vst.idx.msk $0xffff, v43  }
0x79: {  	v56 =	vor.u32 v26, v42;
	v26 =	vshll.u32 v55, $0x9;
	v57 =	vor.u32 v45, v19;
	v27 =	vld.idx.msk [tilespmem:v27+s10+$0x0], $0xffff  }
0x7a: {  	[tilespmem:v30+s13+$0x0] =	vst.idx.msk $0xffff, v58;
	v30 =	vor.u32 s20, v4;
	v44 =	vld.idx.msk [tilespmem:v59+s10+$0x0], $0xffff;
	v58 =	vor.u32 v22, v26  }
0x7b: {  	[tilespmem:v31+s13+$0x0] =	vst.idx.msk $0xffff, v29;
	v48 =	vld.idx.msk [tilespmem:v28+s10+$0x0], $0xffff;
	v28 =	vor.u32 v30, v23  }
0x7c: {  	v51 =	vor.u32 v52, v25;
	v52 =	vld.idx.msk [tilespmem:v33+s10+$0x0], $0xffff;
	[tilespmem:v60+s13+$0x0] =	vst.idx.msk $0xffff, v36  }
0x7d: {  	v59 =	vor.u32 v20, v26;
	[tilespmem:v63+s13+$0x0] =	vst.idx.msk $0xffff, v37  }
0x7e: {  	v60 =	vor.u32 v17, v62;
	v31 =	vor.u32 v30, v21;
	v61 =	vld.idx.msk [tilespmem:v61+s10+$0x0], $0xffff;
	[tilespmem:v56+s13+$0x0] =	vst.idx.msk $0xffff, v27  }
0x7f: {  	v62 =	vor.u32 v45, v18;
	v45 =	vshll.u32 v45, $0x9;
	v27 =	vld.idx.msk [tilespmem:v57+s10+$0x0], $0xffff;
	[tilespmem:v58+s13+$0x0] =	vst.idx.msk $0xffff, v44  }
0x80: {  	v30 =	vshll.u32 v30, $0x9;
	v63 =	vor.u32 v16, v45;
	v36 =	vld.idx.msk [tilespmem:v28+s10+$0x0], $0xffff;
	v28 =	vor.u32 s19, v11  }
0x81: {  	[tilespmem:v40+s13+$0x0] =	vst.idx.msk $0xffff, v52;
	v38 =	vor.u32 v22, v30;
	v37 =	vor.u32 s20, v5;
	v29 =	vor.u32 v28, v19  }
0x82: {  	v39 =	vor.u32 v37, v23;
	[tilespmem:v59+s13+$0x0] =	vst.idx.msk $0xffff, v48  }
0x83: {  	v25 =	vor.u32 v34, v25;
	v35 =	vor.u32 v20, v30;
	v34 =	vld.idx.msk [tilespmem:v31+s10+$0x0], $0xffff;
	[tilespmem:v60+s13+$0x0] =	vst.idx.msk $0xffff, v61  }
0x84: {  	v26 =	vor.u32 v24, v32;
	v24 =	vor.u32 v24, v42;
	v33 =	vor.u32 v37, v21;
	v32 =	vld.idx.msk [tilespmem:v62+s10+$0x0], $0xffff  }
0x85: {  	s23 =	simm.s32 $0x60;
	s22 =	simm.s32 $0x4;
	v31 =	vor.u32 v17, v45;
	v30 =	vor.u32 v28, v18;
	[tilespmem:v63+s13+$0x0] =	vst.idx.msk $0xffff, v27;
	v27 =	vld.idx.msk [tilespmem:v51+s10+$0x0], $0xffff  }
.LBB2_2:
0x86: {  	s25 =	sand.u32 $0x60, s23;
	s22 =	sadd.s32 $0x2, s22;
	[tilespmem:v38+s13+$0x0] =	vst.idx.msk $0xffff, v36;
	v36 =	vshll.u32 v28, $0x9;
	v38 =	vor.u32 s19, v12;
	v40 =	vld.idx.msk [tilespmem:v29+s10+$0x0], $0xffff  }
0x87: {  	v37 =	vshll.u32 v37, $0x9;
	v41 =	vor.u32 s20, v7;
	s21 =	sadd.s32 $0x4, s21;
	s26 =	sor.u32 $0x10, s25;
	p0 =	slt.u32 s22, $0x3E;
	v39 =	vld.idx.msk [tilespmem:v39+s10+$0x0], $0xffff;
	v42 =	vor.u32 v16, v36  }
0x88: {  	s24 =	sand.u32 $0x70, s21;
	v28 =	vor.u32 s26, v0;
	[tilespmem:v35+s13+$0x0] =	vst.idx.msk $0xffff, v34;
	v34 =	vor.u32 v22, v37;
	v35 =	vor.u32 v38, v19  }
0x89: {  	v45 =	vor.u32 v41, v23;
	v43 =	vor.u32 s24, v0;
	v44 =	vshll.u32 v28, $0x7;
	v33 =	vld.idx.msk [tilespmem:v33+s10+$0x0], $0xffff  }
0x8a: {  	v29 =	vor.u32 s25, v0;
	v37 =	vor.u32 v20, v37;
	v46 =	vor.u32 v43, v44;
	[tilespmem:v31+s13+$0x0] =	vst.idx.msk $0xffff, v32  }
0x8b: {  	v36 =	vor.u32 v17, v36;
	v31 =	vshll.u32 v29, $0x7;
	v32 =	vor.u32 v41, v21;
	v30 =	vld.idx.msk [tilespmem:v30+s10+$0x0], $0xffff  }
0x8c: {  	v48 =	vor.u32 v38, v18;
	v47 =	vor.u32 v43, v31;
	[tilespmem:v42+s13+$0x0] =	vst.idx.msk $0xffff, v40  }
0x8d: {  	[tilespmem:v34+s13+$0x0] =	vst.idx.msk $0xffff, v39;
	v34 =	vshll.u32 v38, $0x9;
	v38 =	vor.u32 s19, v13;
	v35 =	vld.idx.msk [tilespmem:v35+s10+$0x0], $0xffff  }
0x8e: {  	v40 =	vor.u32 s20, v8;
	v39 =	vshll.u32 v41, $0x9;
	v41 =	vld.idx.msk [tilespmem:v45+s10+$0x0], $0xffff;
	v42 =	vor.u32 v16, v34;
	[tilespmem:v26+s13+$0x0] =	vst.idx.msk $0xffff, v27  }
0x8f: {  	v26 =	vshll.u32 v43, $0x9;
	v43 =	vor.u32 v22, v39;
	v45 =	vor.u32 v38, v19;
	v27 =	vld.idx.msk [tilespmem:v46+s10+$0x0], $0xffff  }
0x90: {  	v46 =	vor.u32 s24, v1;
	v49 =	vor.u32 v28, v26;
	[tilespmem:v37+s13+$0x0] =	vst.idx.msk $0xffff, v33;
	v33 =	vor.u32 v40, v23  }
0x91: {  	v26 =	vor.u32 v29, v26;
	v50 =	vor.u32 v46, v44;
	v37 =	vld.idx.msk [tilespmem:v47+s10+$0x0], $0xffff;
	v47 =	vor.u32 v46, v31  }
0x92: {  	v51 =	vor.u32 v40, v21;
	v39 =	vor.u32 v20, v39;
	v32 =	vld.idx.msk [tilespmem:v32+s10+$0x0], $0xffff;
	[tilespmem:v36+s13+$0x0] =	vst.idx.msk $0xffff, v30  }
0x93: {  	v34 =	vor.u32 v17, v34;
	v36 =	vor.u32 v38, v18;
	v30 =	vld.idx.msk [tilespmem:v48+s10+$0x0], $0xffff;
	[tilespmem:v42+s13+$0x0] =	vst.idx.msk $0xffff, v35  }
0x94: {  	v35 =	vshll.u32 v38, $0x9;
	v38 =	vor.u32 s19, v14;
	[tilespmem:v43+s13+$0x0] =	vst.idx.msk $0xffff, v41;
	v41 =	vld.idx.msk [tilespmem:v45+s10+$0x0], $0xffff  }
0x95: {  	v42 =	vor.u32 v16, v35;
	[tilespmem:v49+s13+$0x0] =	vst.idx.msk $0xffff, v27;
	v27 =	vshll.u32 v40, $0x9;
	v40 =	vor.u32 s20, v6;
	v33 =	vld.idx.msk [tilespmem:v33+s10+$0x0], $0xffff  }
0x96: {  	v43 =	vshll.u32 v46, $0x9;
	v48 =	vor.u32 v38, v19;
	v45 =	vld.idx.msk [tilespmem:v50+s10+$0x0], $0xffff;
	v46 =	vor.u32 v22, v27  }
0x97: {  	v49 =	vor.u32 v40, v23;
	[tilespmem:v26+s13+$0x0] =	vst.idx.msk $0xffff, v37;
	v26 =	vor.u32 s24, v2;
	v37 =	vor.u32 v28, v43  }
0x98: {  	v43 =	vor.u32 v29, v43;
	v47 =	vld.idx.msk [tilespmem:v47+s10+$0x0], $0xffff;
	v50 =	vor.u32 v26, v31;
	v52 =	vor.u32 v26, v44  }
0x99: {  	v27 =	vor.u32 v20, v27;
	[tilespmem:v39+s13+$0x0] =	vst.idx.msk $0xffff, v32;
	v32 =	vor.u32 v40, v21;
	v39 =	vld.idx.msk [tilespmem:v25+s10+$0x0], $0xffff  }
0x9a: {  	v53 =	vor.u32 v38, v18;
	v25 =	vld.idx.msk [tilespmem:v51+s10+$0x0], $0xffff;
	v51 =	vor.u32 v17, v35;
	[tilespmem:v42+s13+$0x0] =	vst.idx.msk $0xffff, v41  }
0x9b: {  	v35 =	vor.u32 s19, v15;
	s19 =	smov.u32 s20;
	s20 =	smov.u32 s24;
	[tilespmem:v46+s13+$0x0] =	vst.idx.msk $0xffff, v33;
	v33 =	vshll.u32 v38, $0x9;
	v38 =	vld.idx.msk [tilespmem:v48+s10+$0x0], $0xffff  }
0x9c: {  	[tilespmem:v37+s13+$0x0] =	vst.idx.msk $0xffff, v45;
	v37 =	vshll.u32 v40, $0x9;
	v40 =	vor.u32 s19, v9;
	v41 =	vld.idx.msk [tilespmem:v49+s10+$0x0], $0xffff;
	v42 =	vor.u32 v16, v33  }
0x9d: {  	v26 =	vshll.u32 v26, $0x9;
	v48 =	vor.u32 v35, v19;
	v19 =	vmovc v23;
	v45 =	vld.idx.msk [tilespmem:v52+s10+$0x0], $0xffff;
	v46 =	vor.u32 v22, v37  }
0x9e: {  	v49 =	vor.u32 v40, v19;
	[tilespmem:v43+s13+$0x0] =	vst.idx.msk $0xffff, v47;
	v43 =	vor.u32 s20, v3;
	v47 =	vor.u32 v28, v26  }
0x9f: {  	v52 =	vor.u32 v29, v26;
	v50 =	vld.idx.msk [tilespmem:v50+s10+$0x0], $0xffff;
	v54 =	vor.u32 v43, v31;
	v55 =	vor.u32 v43, v44  }
0xa0: {  	v23 =	vmov v44;
	[tilespmem:v27+s13+$0x0] =	vst.idx.msk $0xffff, v25;
	v27 =	vor.u32 v20, v37;
	v37 =	vor.u32 v40, v21  }
0xa1: {  	v26 =	vor.u32 v17, v33;
	v25 =	vor.u32 v35, v18;
	v32 =	vld.idx.msk [tilespmem:v32+s10+$0x0], $0xffff;
	[tilespmem:v42+s13+$0x0] =	vst.idx.msk $0xffff, v38  }
0xa2: {  	v33 =	vshll.u32 v35, $0x9;
	v18 =	vmov v21;
	v21 =	vmov v31;
	[tilespmem:v46+s13+$0x0] =	vst.idx.msk $0xffff, v41;
	v35 =	vld.idx.msk [tilespmem:v48+s10+$0x0], $0xffff  }
0xa3: {  	v31 =	vshll.u32 v40, $0x9;
	v40 =	vor.u32 v16, v33;
	v16 =	vmov v22;
	[tilespmem:v47+s13+$0x0] =	vst.idx.msk $0xffff, v45;
	v38 =	vld.idx.msk [tilespmem:v49+s10+$0x0], $0xffff  }
0xa4: {  	v22 =	vshll.u32 v43, $0x9;
	v42 =	vor.u32 s19, v10;
	v43 =	vor.u32 v16, v31;
	v41 =	vld.idx.msk [tilespmem:v55+s10+$0x0], $0xffff;
	[tilespmem:v34+s13+$0x0] =	vst.idx.msk $0xffff, v30  }
0xa5: {  	v44 =	vor.u32 v42, v19;
	v30 =	vor.u32 s20, v4;
	v34 =	vor.u32 v28, v22;
	[tilespmem:v52+s13+$0x0] =	vst.idx.msk $0xffff, v50  }
0xa6: {  	v46 =	vor.u32 v29, v22;
	v47 =	vor.u32 v30, v21;
	v48 =	vor.u32 v30, v23;
	v45 =	vld.idx.msk [tilespmem:v54+s10+$0x0], $0xffff  }
0xa7: {  	[tilespmem:v27+s13+$0x0] =	vst.idx.msk $0xffff, v32;
	v27 =	vor.u32 v20, v31;
	v32 =	vor.u32 v42, v18;
	v49 =	vld.idx.msk [tilespmem:v36+s10+$0x0], $0xffff  }
0xa8: {  	v22 =	vmov v28;
	v50 =	vor.u32 v17, v33;
	v17 =	vmov v20;
	v31 =	vld.idx.msk [tilespmem:v37+s10+$0x0], $0xffff;
	[tilespmem:v40+s13+$0x0] =	vst.idx.msk $0xffff, v35  }
0xa9: {  	v20 =	vmov v29;
	[tilespmem:v43+s13+$0x0] =	vst.idx.msk $0xffff, v38  }
0xaa: {  	v40 =	vshll.u32 v42, $0x9;
	[tilespmem:v34+s13+$0x0] =	vst.idx.msk $0xffff, v41;
	v41 =	vld.idx.msk [tilespmem:v44+s10+$0x0], $0xffff  }
0xab: {  	v28 =	vor.u32 s19, v11;
	v30 =	vshll.u32 v30, $0x9;
	v42 =	vor.u32 v16, v40;
	v36 =	vld.idx.msk [tilespmem:v48+s10+$0x0], $0xffff;
	[tilespmem:v24+s13+$0x0] =	vst.idx.msk $0xffff, v39  }
.Ltmp0:
0xac: {  	v29 =	vor.u32 v28, v19;
	v37 =	vor.u32 s20, v5;
	v38 =	vor.u32 v22, v30;
	[tilespmem:v46+s13+$0x0] =	vst.idx.msk $0xffff, v45;
	(pc) =	sbr.rel @p0 .LBB2_2-.Ltmp0, $4  }
0xad: {  	v35 =	vor.u32 v20, v30;
	v33 =	vor.u32 v37, v21;
	v39 =	vor.u32 v37, v23;
	v34 =	vld.idx.msk [tilespmem:v47+s10+$0x0], $0xffff  }
0xae: {  	v30 =	vor.u32 v28, v18;
	v24 =	vmov v50;
	[tilespmem:v27+s13+$0x0] =	vst.idx.msk $0xffff, v31;
	v31 =	vor.u32 v17, v40  }
0xaf: {  	v32 =	vld.idx.msk [tilespmem:v32+s10+$0x0], $0xffff;
	[tilespmem:v51+s13+$0x0] =	vst.idx.msk $0xffff, v49  }
0xb0: {  	s23 =	sadd.s32 $0x20, s23;
	[tilespmem:v42+s13+$0x0] =	vst.idx.msk $0xffff, v41;
	v27 =	vld.idx.msk [tilespmem:v53+s10+$0x0], $0xffff  }
0xb1: {  	_ =	sdelay $0x3  }
0xb2: {  	[tilespmem:v38+s13+$0x0] =	vst.idx.msk $0xffff, v36;
	v43 =	vshll.u32 v37, $0x9  }
0xb3: {  	v44 =	vor.u32 s20, v7;
	v38 =	vld.idx.msk [tilespmem:v39+s10+$0x0], $0xffff;
	v45 =	vor.u32 v22, v43;
	[tilespmem:v35+s13+$0x0] =	vst.idx.msk $0xffff, v34  }
0xb4: {  	v46 =	vor.u32 v44, v23;
	v47 =	vor.u32 v20, v43;
	v33 =	vld.idx.msk [tilespmem:v33+s10+$0x0], $0xffff  }
0xb5: {  	v48 =	vor.u32 v44, v21;
	_ =	sdelay $0x2  }
0xb6: {  	v37 =	vshll.u32 v44, $0x9;
	[tilespmem:v45+s13+$0x0] =	vst.idx.msk $0xffff, v38  }
0xb7: {  	v49 =	vor.u32 s20, v8;
	v50 =	vor.u32 v22, v37;
	v34 =	vld.idx.msk [tilespmem:v46+s10+$0x0], $0xffff;
	[tilespmem:v47+s13+$0x0] =	vst.idx.msk $0xffff, v33  }
0xb8: {  	v51 =	vor.u32 v49, v23;
	v52 =	vor.u32 v20, v37;
	v35 =	vld.idx.msk [tilespmem:v48+s10+$0x0], $0xffff  }
0xb9: {  	v53 =	vor.u32 v49, v21;
	_ =	sdelay $0x2  }
0xba: {  	v54 =	vshll.u32 v49, $0x9;
	[tilespmem:v50+s13+$0x0] =	vst.idx.msk $0xffff, v34  }
0xbb: {  	v55 =	vor.u32 s20, v6;
	v56 =	vor.u32 v22, v54;
	v33 =	vld.idx.msk [tilespmem:v51+s10+$0x0], $0xffff;
	[tilespmem:v52+s13+$0x0] =	vst.idx.msk $0xffff, v35  }
0xbc: {  	v40 =	vor.u32 v55, v23;
	v34 =	vor.u32 v20, v54;
	v35 =	vld.idx.msk [tilespmem:v53+s10+$0x0], $0xffff  }
0xbd: {  	v57 =	vor.u32 v55, v21;
	_ =	sdelay $0x2  }
0xbe: {  	v58 =	vshll.u32 v55, $0x9;
	[tilespmem:v56+s13+$0x0] =	vst.idx.msk $0xffff, v33  }
0xbf: {  	v59 =	vor.u32 s20, v9;
	v61 =	vor.u32 v22, v58;
	v60 =	vld.idx.msk [tilespmem:v40+s10+$0x0], $0xffff;
	[tilespmem:v34+s13+$0x0] =	vst.idx.msk $0xffff, v35  }
0xc0: {  	v62 =	vor.u32 v59, v23;
	v33 =	vor.u32 v20, v58;
	v34 =	vld.idx.msk [tilespmem:v57+s10+$0x0], $0xffff  }
0xc1: {  	v63 =	vor.u32 v59, v21;
	_ =	sdelay $0x2  }
0xc2: {  	v44 =	vshll.u32 v59, $0x9;
	[tilespmem:v61+s13+$0x0] =	vst.idx.msk $0xffff, v60  }
0xc3: {  	v46 =	vor.u32 s20, v10;
	v47 =	vor.u32 v22, v44;
	v45 =	vld.idx.msk [tilespmem:v62+s10+$0x0], $0xffff;
	[tilespmem:v33+s13+$0x0] =	vst.idx.msk $0xffff, v34  }
0xc4: {  	v49 =	vor.u32 v20, v44;
	v48 =	vor.u32 v46, v23;
	v34 =	vld.idx.msk [tilespmem:v63+s10+$0x0], $0xffff  }
0xc5: {  	v50 =	vor.u32 v46, v21;
	_ =	sdelay $0x2  }
0xc6: {  	v51 =	vshll.u32 v46, $0x9;
	[tilespmem:v47+s13+$0x0] =	vst.idx.msk $0xffff, v45  }
0xc7: {  	v52 =	vor.u32 s20, v11;
	v53 =	vor.u32 v22, v51;
	v37 =	vld.idx.msk [tilespmem:v48+s10+$0x0], $0xffff;
	[tilespmem:v49+s13+$0x0] =	vst.idx.msk $0xffff, v34  }
0xc8: {  	v54 =	vor.u32 v52, v23;
	v55 =	vor.u32 v20, v51;
	v34 =	vld.idx.msk [tilespmem:v50+s10+$0x0], $0xffff  }
0xc9: {  	v28 =	vshll.u32 v28, $0x9;
	v56 =	vor.u32 v52, v21  }
0xca: {  	v29 =	vld.idx.msk [tilespmem:v29+s10+$0x0], $0xffff;
	v41 =	vor.u32 v16, v28;
	[tilespmem:v31+s13+$0x0] =	vst.idx.msk $0xffff, v32  }
0xcb: {  	v28 =	vor.u32 v17, v28;
	v30 =	vld.idx.msk [tilespmem:v30+s10+$0x0], $0xffff;
	v57 =	vor.u32 s19, v12  }
0xcc: {  	v31 =	vor.u32 s20, v12;
	v58 =	vshll.u32 v52, $0x9;
	v42 =	vor.u32 v57, v19;
	[tilespmem:v53+s13+$0x0] =	vst.idx.msk $0xffff, v37  }
0xcd: {  	v38 =	vor.u32 v22, v58;
	v61 =	vor.u32 v57, v18;
	v59 =	vld.idx.msk [tilespmem:v54+s10+$0x0], $0xffff;
	[tilespmem:v55+s13+$0x0] =	vst.idx.msk $0xffff, v34  }
0xce: {  	v60 =	vor.u32 v31, v23;
	v62 =	vor.u32 v20, v58;
	v34 =	vld.idx.msk [tilespmem:v56+s10+$0x0], $0xffff  }
0xcf: {  	[tilespmem:v41+s13+$0x0] =	vst.idx.msk $0xffff, v29;
	v63 =	vor.u32 v31, v21  }
0xd0: {  	[tilespmem:v28+s13+$0x0] =	vst.idx.msk $0xffff, v30;
	v28 =	vor.u32 s20, v13;
	v29 =	vshll.u32 v57, $0x9  }
0xd1: {  	v46 =	vld.idx.msk [tilespmem:v42+s10+$0x0], $0xffff;
	v31 =	vshll.u32 v31, $0x9;
	v45 =	vor.u32 s19, v13;
	v47 =	vor.u32 v16, v29  }
0xd2: {  	v33 =	vld.idx.msk [tilespmem:v61+s10+$0x0], $0xffff;
	v29 =	vor.u32 v17, v29;
	v48 =	vor.u32 v45, v19;
	[tilespmem:v38+s13+$0x0] =	vst.idx.msk $0xffff, v59  }
0xd3: {  	v49 =	vor.u32 v22, v31;
	v51 =	vor.u32 v45, v18;
	v30 =	vld.idx.msk [tilespmem:v60+s10+$0x0], $0xffff;
	[tilespmem:v62+s13+$0x0] =	vst.idx.msk $0xffff, v34  }
0xd4: {  	v31 =	vor.u32 v20, v31;
	v50 =	vor.u32 v28, v23;
	v35 =	vld.idx.msk [tilespmem:v63+s10+$0x0], $0xffff  }
0xd5: {  	v52 =	vshll.u32 v45, $0x9;
	v53 =	vor.u32 v28, v21  }
0xd6: {  	v58 =	vor.u32 v17, v52;
	[tilespmem:v47+s13+$0x0] =	vst.idx.msk $0xffff, v46  }
0xd7: {  	[tilespmem:v29+s13+$0x0] =	vst.idx.msk $0xffff, v33;
	v40 =	vld.idx.msk [tilespmem:v48+s10+$0x0], $0xffff;
	v54 =	vor.u32 s19, v14;
	v55 =	vor.u32 v16, v52  }
0xd8: {  	v29 =	vor.u32 s20, v14;
	v28 =	vshll.u32 v28, $0x9;
	v56 =	vor.u32 v54, v19;
	v34 =	vld.idx.msk [tilespmem:v51+s10+$0x0], $0xffff;
	[tilespmem:v49+s13+$0x0] =	vst.idx.msk $0xffff, v30  }
0xd9: {  	v57 =	vor.u32 v22, v28;
	v30 =	vld.idx.msk [tilespmem:v50+s10+$0x0], $0xffff;
	[tilespmem:v31+s13+$0x0] =	vst.idx.msk $0xffff, v35;
	v31 =	vor.u32 v54, v18  }
0xda: {  	v28 =	vor.u32 v20, v28;
	v59 =	vor.u32 v29, v23;
	v35 =	vld.idx.msk [tilespmem:v53+s10+$0x0], $0xffff  }
0xdb: {  	v61 =	vor.u32 v29, v21  }
0xdc: {  	[tilespmem:v55+s13+$0x0] =	vst.idx.msk $0xffff, v40;
	v29 =	vshll.u32 v29, $0x9;
	v60 =	vshll.u32 v54, $0x9;
	v62 =	vor.u32 s19, v15  }
0xdd: {  	v40 =	vld.idx.msk [tilespmem:v56+s10+$0x0], $0xffff;
	v36 =	vor.u32 v22, v29;
	v63 =	vor.u32 v16, v60;
	[tilespmem:v58+s13+$0x0] =	vst.idx.msk $0xffff, v34  }
0xde: {  	v19 =	vor.u32 v62, v19;
	v42 =	vor.u32 v17, v60;
	[tilespmem:v57+s13+$0x0] =	vst.idx.msk $0xffff, v30;
	v31 =	vld.idx.msk [tilespmem:v31+s10+$0x0], $0xffff  }
0xdf: {  	v18 =	vor.u32 v62, v18;
	v30 =	vor.u32 s20, v15;
	v32 =	vld.idx.msk [tilespmem:v59+s10+$0x0], $0xffff;
	[tilespmem:v28+s13+$0x0] =	vst.idx.msk $0xffff, v35  }
0xe0: {  	v23 =	vor.u32 v30, v23;
	v28 =	vor.u32 v20, v29;
	v29 =	vld.idx.msk [tilespmem:v61+s10+$0x0], $0xffff  }
0xe1: {  	[tilespmem:v26+s13+$0x0] =	vst.idx.msk $0xffff, v27;
	v21 =	vor.u32 v30, v21  }
0xe2: {  	v25 =	vld.idx.msk [tilespmem:v25+s10+$0x0], $0xffff;
	v43 =	vshll.u32 v62, $0x9;
	[tilespmem:v63+s13+$0x0] =	vst.idx.msk $0xffff, v40  }
0xe3: {  	v16 =	vor.u32 v16, v43;
	v19 =	vld.idx.msk [tilespmem:v19+s10+$0x0], $0xffff;
	[tilespmem:v42+s13+$0x0] =	vst.idx.msk $0xffff, v31  }
0xe4: {  	v17 =	vor.u32 v17, v43;
	v26 =	vshll.u32 v30, $0x9;
	[tilespmem:v36+s13+$0x0] =	vst.idx.msk $0xffff, v32;
	v18 =	vld.idx.msk [tilespmem:v18+s10+$0x0], $0xffff  }
0xe5: {  	v22 =	vor.u32 v22, v26;
	v23 =	vld.idx.msk [tilespmem:v23+s10+$0x0], $0xffff;
	[tilespmem:v28+s13+$0x0] =	vst.idx.msk $0xffff, v29  }
0xe6: {  	s24 =	simm.s32 $0x0;
	v20 =	vor.u32 v20, v26;
	v21 =	vld.idx.msk [tilespmem:v21+s10+$0x0], $0xffff  }
0xe7: {  	s25 =	sand.u32 $0x60, s24;
	[tilespmem:v24+s13+$0x0] =	vst.idx.msk $0xffff, v25  }
0xe8: {  	s21 =	sor.u32 $0x10, s25;
	[tilespmem:v16+s13+$0x0] =	vst.idx.msk $0xffff, v19  }
0xe9: {  	s22 =	sand.u32 $0x70, s24;
	v26 =	vor.u32 s21, v0;
	[tilespmem:v17+s13+$0x0] =	vst.idx.msk $0xffff, v18  }
0xea: {  	v16 =	vor.u32 s22, v0;
	v27 =	vshll.u32 v26, $0x7;
	[tilespmem:v22+s13+$0x0] =	vst.idx.msk $0xffff, v23  }
0xeb: {  	v24 =	vor.u32 s25, v0;
	v17 =	vor.u32 v16, v27;
	[tilespmem:v20+s13+$0x0] =	vst.idx.msk $0xffff, v21  }
0xec: {  	v25 =	vshll.u32 v24, $0x7;
	[tilespmem:s10], [sflag:$0x1] =	stream.indirect.gather [hbm4b:s0+s9], $0x80, s14, s9, $0xb8;
	[tilespmem:$0x18200] =	vst v63  }
0xed: {  	v18 =	vshll.u32 v16, $0x9;
	v16 =	vor.u32 v16, v25;
	_ =	swait.ge [sflag:s15], $0x4000  }
0xee: {  	[sflag:s15] =	ssyncset.done $0x0  }
0xef: {  	v18 =	vor.u32 $0x80, v18;
	[sflag:s15] =	ssyncadd.s32 $0xFFFFC000  }
0xf0: {  	v19 =	vor.u32 s22, v1;
	v20 =	vor.u32 v26, v18;
	v17 =	vld.idx.msk [tilespmem:v17+s11+$0x0], $0xffff  }
0xf1: {  	v21 =	vor.u32 v19, v27  }
0xf2: {  	v18 =	vor.u32 v24, v18;
	v16 =	vld.idx.msk [tilespmem:v16+s11+$0x0], $0xffff  }
0xf3: {  	v22 =	vshll.u32 v19, $0x9;
	v19 =	vor.u32 v19, v25;
	_ =	sdelay $0x1  }
0xf4: {  	[tilespmem:v20+s13+$0x0] =	vst.idx.msk $0xffff, v17;
	v17 =	vor.u32 $0x80, v22  }
0xf5: {  	v20 =	vld.idx.msk [tilespmem:v21+s11+$0x0], $0xffff;
	v21 =	vor.u32 s22, v2;
	v22 =	vor.u32 v26, v17  }
0xf6: {  	[tilespmem:v18+s13+$0x0] =	vst.idx.msk $0xffff, v16;
	v23 =	vor.u32 v21, v27  }
0xf7: {  	v16 =	vld.idx.msk [tilespmem:v19+s11+$0x0], $0xffff;
	v17 =	vor.u32 v24, v17  }
0xf8: {  	v19 =	vor.u32 v21, v25  }
0xf9: {  	v18 =	vshll.u32 v21, $0x9  }
0xfa: {  	v18 =	vor.u32 $0x80, v18;
	[tilespmem:v22+s13+$0x0] =	vst.idx.msk $0xffff, v20  }
0xfb: {  	v21 =	vor.u32 s22, v3;
	v22 =	vor.u32 v26, v18;
	v20 =	vld.idx.msk [tilespmem:v23+s11+$0x0], $0xffff  }
0xfc: {  	[tilespmem:v17+s13+$0x0] =	vst.idx.msk $0xffff, v16;
	v23 =	vor.u32 v21, v27  }
0xfd: {  	v17 =	vor.u32 v24, v18;
	v16 =	vld.idx.msk [tilespmem:v19+s11+$0x0], $0xffff  }
0xfe: {  	v19 =	vor.u32 v21, v25  }
0xff: {  	v18 =	vshll.u32 v21, $0x9  }
0x100: {  	v18 =	vor.u32 $0x80, v18;
	[tilespmem:v22+s13+$0x0] =	vst.idx.msk $0xffff, v20  }
0x101: {  	v21 =	vor.u32 s22, v4;
	v22 =	vor.u32 v26, v18;
	v20 =	vld.idx.msk [tilespmem:v23+s11+$0x0], $0xffff  }
0x102: {  	[tilespmem:v17+s13+$0x0] =	vst.idx.msk $0xffff, v16;
	v23 =	vor.u32 v21, v27  }
0x103: {  	v17 =	vor.u32 v24, v18;
	v16 =	vld.idx.msk [tilespmem:v19+s11+$0x0], $0xffff  }
0x104: {  	v19 =	vor.u32 v21, v25  }
0x105: {  	v18 =	vshll.u32 v21, $0x9  }
0x106: {  	v18 =	vor.u32 $0x80, v18;
	[tilespmem:v22+s13+$0x0] =	vst.idx.msk $0xffff, v20  }
0x107: {  	v21 =	vor.u32 s22, v5;
	v22 =	vor.u32 v26, v18;
	v20 =	vld.idx.msk [tilespmem:v23+s11+$0x0], $0xffff  }
0x108: {  	[tilespmem:v17+s13+$0x0] =	vst.idx.msk $0xffff, v16;
	v23 =	vor.u32 v21, v27  }
0x109: {  	v29 =	vor.u32 v24, v18;
	v28 =	vld.idx.msk [tilespmem:v19+s11+$0x0], $0xffff  }
0x10a: {  	s26 =	simm.s32 $0x20;
	v16 =	vshll.u32 v21, $0x9;
	v21 =	vor.u32 v21, v25  }
0x10b: {  	s28 =	sand.u32 $0x60, s26  }
0x10c: {  	s30 =	simm.s32 $0x4;
	s29 =	sor.u32 $0x10, s28;
	[tilespmem:v22+s13+$0x0] =	vst.idx.msk $0xffff, v20;
	v20 =	vor.u32 $0x80, v16  }
0x10d: {  	s19 =	sand.u32 $0x70, s30;
	v18 =	vor.u32 s29, v0;
	v22 =	vor.u32 s22, v7;
	v23 =	vld.idx.msk [tilespmem:v23+s11+$0x0], $0xffff;
	v30 =	vor.u32 v26, v20  }
0x10e: {  	v31 =	vor.u32 s19, v0;
	v16 =	vshll.u32 v18, $0x7;
	[tilespmem:v29+s13+$0x0] =	vst.idx.msk $0xffff, v28;
	v44 =	vor.u32 v22, v27  }
0x10f: {  	v17 =	vor.u32 s28, v0;
	v45 =	vor.u32 v31, v16;
	v20 =	vor.u32 v24, v20;
	v21 =	vld.idx.msk [tilespmem:v21+s11+$0x0], $0xffff  }
0x110: {  	v19 =	vshll.u32 v17, $0x7;
	v29 =	vshll.u32 v22, $0x9;
	v22 =	vor.u32 v22, v25  }
0x111: {  	v28 =	vor.u32 v31, v19  }
0x112: {  	v47 =	vor.u32 s19, v1;
	v29 =	vor.u32 $0x80, v29;
	[tilespmem:v30+s13+$0x0] =	vst.idx.msk $0xffff, v23;
	v23 =	vshll.u32 v31, $0x9  }
0x113: {  	v46 =	vor.u32 v26, v29;
	v30 =	vor.u32 s22, v8;
	v31 =	vld.idx.msk [tilespmem:v44+s11+$0x0], $0xffff;
	v23 =	vor.u32 $0x80, v23  }
0x114: {  	v33 =	vld.idx.msk [tilespmem:v45+s11+$0x0], $0xffff;
	[tilespmem:v20+s13+$0x0] =	vst.idx.msk $0xffff, v21;
	v49 =	vor.u32 v30, v27;
	v48 =	vor.u32 v18, v23  }
0x115: {  	v50 =	vor.u32 v47, v16;
	v21 =	vor.u32 v24, v29;
	v22 =	vld.idx.msk [tilespmem:v22+s11+$0x0], $0xffff  }
0x116: {  	v28 =	vld.idx.msk [tilespmem:v28+s11+$0x0], $0xffff;
	v29 =	vshll.u32 v30, $0x9;
	v30 =	vor.u32 v30, v25;
	v23 =	vor.u32 v17, v23  }
0x117: {  	v20 =	vor.u32 v47, v19  }
0x118: {  	v51 =	vor.u32 s22, v6;
	v29 =	vor.u32 $0x80, v29;
	[tilespmem:v46+s13+$0x0] =	vst.idx.msk $0xffff, v31;
	v31 =	vshll.u32 v47, $0x9  }
0x119: {  	v54 =	vor.u32 s19, v2;
	v53 =	vor.u32 v26, v29;
	[tilespmem:v48+s13+$0x0] =	vst.idx.msk $0xffff, v33;
	v52 =	vld.idx.msk [tilespmem:v49+s11+$0x0], $0xffff;
	v31 =	vor.u32 $0x80, v31  }
0x11a: {  	v56 =	vor.u32 v51, v27;
	[tilespmem:v21+s13+$0x0] =	vst.idx.msk $0xffff, v22;
	v35 =	vld.idx.msk [tilespmem:v50+s11+$0x0], $0xffff;
	v55 =	vor.u32 v18, v31  }
0x11b: {  	v21 =	vor.u32 v24, v29;
	[tilespmem:v23+s13+$0x0] =	vst.idx.msk $0xffff, v28;
	v23 =	vor.u32 v54, v16;
	v30 =	vld.idx.msk [tilespmem:v30+s11+$0x0], $0xffff  }
0x11c: {  	v29 =	vor.u32 v51, v25;
	v20 =	vld.idx.msk [tilespmem:v20+s11+$0x0], $0xffff;
	v28 =	vor.u32 v17, v31  }
0x11d: {  	v22 =	vshll.u32 v51, $0x9;
	v31 =	vor.u32 v54, v19  }
0x11e: {  	v60 =	vor.u32 s19, v3;
	v57 =	vshll.u32 v54, $0x9;
	v22 =	vor.u32 $0x80, v22;
	[tilespmem:v53+s13+$0x0] =	vst.idx.msk $0xffff, v52  }
0x11f: {  	v58 =	vor.u32 s22, v9;
	v32 =	vor.u32 $0x80, v57;
	v59 =	vor.u32 v26, v22;
	[tilespmem:v55+s13+$0x0] =	vst.idx.msk $0xffff, v35;
	v34 =	vld.idx.msk [tilespmem:v56+s11+$0x0], $0xffff  }
0x120: {  	v62 =	vor.u32 v58, v27;
	v61 =	vor.u32 v18, v32;
	[tilespmem:v21+s13+$0x0] =	vst.idx.msk $0xffff, v30;
	v23 =	vld.idx.msk [tilespmem:v23+s11+$0x0], $0xffff  }
0x121: {  	v21 =	vor.u32 v24, v22;
	[tilespmem:v28+s13+$0x0] =	vst.idx.msk $0xffff, v20;
	v20 =	vor.u32 v60, v16;
	v29 =	vld.idx.msk [tilespmem:v29+s11+$0x0], $0xffff  }
0x122: {  	v30 =	vor.u32 v58, v25;
	v28 =	vld.idx.msk [tilespmem:v31+s11+$0x0], $0xffff;
	v31 =	vor.u32 v17, v32  }
0x123: {  	v63 =	vor.u32 v60, v19;
	v22 =	vshll.u32 v58, $0x9  }
0x124: {  	v41 =	vor.u32 s22, v10;
	v40 =	vshll.u32 v60, $0x9;
	v22 =	vor.u32 $0x80, v22;
	[tilespmem:v59+s13+$0x0] =	vst.idx.msk $0xffff, v34  }
0x125: {  	v43 =	vor.u32 s19, v4;
	v33 =	vor.u32 $0x80, v40;
	v42 =	vor.u32 v26, v22;
	[tilespmem:v61+s13+$0x0] =	vst.idx.msk $0xffff, v23;
	v23 =	vld.idx.msk [tilespmem:v62+s11+$0x0], $0xffff  }
0x126: {  	v45 =	vor.u32 v41, v27;
	v44 =	vor.u32 v18, v33;
	[tilespmem:v21+s13+$0x0] =	vst.idx.msk $0xffff, v29;
	v20 =	vld.idx.msk [tilespmem:v20+s11+$0x0], $0xffff  }
0x127: {  	v21 =	vor.u32 v24, v22;
	[tilespmem:v31+s13+$0x0] =	vst.idx.msk $0xffff, v28;
	v28 =	vor.u32 v43, v16;
	v30 =	vld.idx.msk [tilespmem:v30+s11+$0x0], $0xffff  }
0x128: {  	v47 =	vor.u32 v43, v19;
	v48 =	vor.u32 s22, v11;
	v46 =	vor.u32 v17, v33;
	v31 =	vld.idx.msk [tilespmem:v63+s11+$0x0], $0xffff  }
0x129: {  	v50 =	vor.u32 s19, v5;
	v22 =	vshll.u32 v41, $0x9;
	v29 =	vor.u32 v41, v25  }
0x12a: {  	v52 =	vor.u32 v48, v27;
	v22 =	vor.u32 $0x80, v22;
	[tilespmem:v42+s13+$0x0] =	vst.idx.msk $0xffff, v23;
	v23 =	vshll.u32 v43, $0x9  }
0x12b: {  	s21 =	simm.s32 $0x8;
	v54 =	vor.u32 s19, v7;
	v49 =	vor.u32 v26, v22;
	[tilespmem:v44+s13+$0x0] =	vst.idx.msk $0xffff, v20;
	v20 =	vld.idx.msk [tilespmem:v45+s11+$0x0], $0xffff;
	v23 =	vor.u32 $0x80, v23  }
0x12c: {  	s20 =	sand.u32 $0x70, s21;
	v53 =	vor.u32 v50, v19;
	[tilespmem:v21+s13+$0x0] =	vst.idx.msk $0xffff, v30;
	v28 =	vld.idx.msk [tilespmem:v28+s11+$0x0], $0xffff;
	v51 =	vor.u32 v18, v23  }
0x12d: {  	v58 =	vor.u32 s20, v0;
	v35 =	vor.u32 s22, v12;
	[tilespmem:v46+s13+$0x0] =	vst.idx.msk $0xffff, v31;
	v31 =	vor.u32 v50, v16  }
0x12e: {  	v57 =	vor.u32 v35, v27;
	v59 =	vor.u32 v54, v16;
	v22 =	vor.u32 v24, v22;
	v29 =	vld.idx.msk [tilespmem:v29+s11+$0x0], $0xffff  }
0x12f: {  	v61 =	vor.u32 s19, v8;
	v30 =	vor.u32 v48, v25;
	v21 =	vshll.u32 v48, $0x9  }
0x130: {  	s31 =	simm.s32 $0x40;
	v34 =	vor.u32 $0x80, v21;
	v32 =	vld.idx.msk [tilespmem:v47+s11+$0x0], $0xffff;
	v23 =	vor.u32 v17, v23;
	[tilespmem:v49+s13+$0x0] =	vst.idx.msk $0xffff, v20;
	v20 =	vshll.u32 v50, $0x9  }
0x131: {  	s23 =	sand.u32 $0x60, s31;
	v37 =	vshll.u32 v61, $0x9;
	v55 =	vor.u32 v26, v34;
	[tilespmem:v51+s13+$0x0] =	vst.idx.msk $0xffff, v28;
	v28 =	vld.idx.msk [tilespmem:v52+s11+$0x0], $0xffff;
	v36 =	vor.u32 $0x80, v20  }
0x132: {  	v37 =	vor.u32 $0x80, v37;
	v21 =	vor.u32 s23, v0;
	v31 =	vld.idx.msk [tilespmem:v31+s11+$0x0], $0xffff;
	v56 =	vor.u32 v18, v36  }
0x133: {  	s24 =	sor.u32 $0x10, s23;
	v44 =	vshll.u32 v35, $0x9;
	v34 =	vor.u32 v24, v34;
	[tilespmem:v22+s13+$0x0] =	vst.idx.msk $0xffff, v29;
	v22 =	vshll.u32 v21, $0x7  }
0x134: {  	v29 =	vor.u32 v54, v19;
	v49 =	vor.u32 v61, v19;
	v20 =	vor.u32 s24, v0  }
0x135: {  	v45 =	vor.u32 s22, v13;
	[tilespmem:v23+s13+$0x0] =	vst.idx.msk $0xffff, v32;
	v30 =	vld.idx.msk [tilespmem:v30+s11+$0x0], $0xffff;
	v43 =	vor.u32 v58, v22;
	v23 =	vshll.u32 v20, $0x7  }
0x136: {  	v33 =	vld.idx.msk [tilespmem:v53+s11+$0x0], $0xffff;
	v36 =	vor.u32 v17, v36;
	v60 =	vor.u32 v58, v23;
	[tilespmem:v55+s13+$0x0] =	vst.idx.msk $0xffff, v28  }
0x137: {  	v32 =	vshll.u32 v58, $0x9;
	v28 =	vshll.u32 v54, $0x9;
	[tilespmem:v56+s13+$0x0] =	vst.idx.msk $0xffff, v31;
	v31 =	vor.u32 $0x80, v44  }
0x138: {  	v32 =	vor.u32 $0x80, v32;
	v38 =	vld.idx.msk [tilespmem:v57+s11+$0x0], $0xffff;
	v28 =	vor.u32 $0x80, v28;
	v62 =	vor.u32 v26, v31  }
0x139: {  	v53 =	vor.u32 v45, v27;
	v47 =	vor.u32 v20, v32;
	v39 =	vld.idx.msk [tilespmem:v59+s11+$0x0], $0xffff;
	v52 =	vor.u32 v18, v28  }
0x13a: {  	v32 =	vor.u32 v21, v32;
	v54 =	vor.u32 v61, v16;
	v43 =	vld.idx.msk [tilespmem:v43+s11+$0x0], $0xffff;
	[tilespmem:v34+s13+$0x0] =	vst.idx.msk $0xffff, v30  }
0x13b: {  	v46 =	vor.u32 s20, v1;
	v51 =	vor.u32 s22, v15;
	v30 =	vor.u32 v35, v25;
	[tilespmem:v36+s13+$0x0] =	vst.idx.msk $0xffff, v33;
	v63 =	vld.idx.msk [tilespmem:v60+s11+$0x0], $0xffff  }
0x13c: {  	v48 =	vor.u32 v46, v23;
	v57 =	vshll.u32 v45, $0x9;
	v28 =	vor.u32 v17, v28;
	v29 =	vld.idx.msk [tilespmem:v29+s11+$0x0], $0xffff  }
0x13d: {  	v58 =	vshll.u32 v46, $0x9;
	v55 =	vor.u32 v46, v22;
	v34 =	vor.u32 $0x80, v57;
	[tilespmem:v62+s13+$0x0] =	vst.idx.msk $0xffff, v38  }
0x13e: {  	v40 =	vor.u32 $0x80, v58;
	v35 =	vor.u32 s22, v14;
	v59 =	vor.u32 v26, v34;
	[tilespmem:v52+s13+$0x0] =	vst.idx.msk $0xffff, v39;
	v39 =	vld.idx.msk [tilespmem:v53+s11+$0x0], $0xffff  }
0x13f: {  	v61 =	vor.u32 v18, v37;
	v31 =	vor.u32 v24, v31;
	[tilespmem:v32+s13+$0x0] =	vst.idx.msk $0xffff, v43;
	v33 =	vld.idx.msk [tilespmem:v54+s11+$0x0], $0xffff  }
0x140: {  	v30 =	vld.idx.msk [tilespmem:v30+s11+$0x0], $0xffff;
	v38 =	vor.u32 s19, v6;
	[tilespmem:v47+s13+$0x0] =	vst.idx.msk $0xffff, v63;
	v62 =	vor.u32 v35, v27;
	v63 =	vor.u32 s20, v2  }
0x141: {  	[tilespmem:v28+s13+$0x0] =	vst.idx.msk $0xffff, v29;
	v60 =	vld.idx.msk [tilespmem:v48+s11+$0x0], $0xffff;
	v54 =	vor.u32 v20, v40;
	v56 =	vor.u32 v38, v16  }
0x142: {  	v36 =	vld.idx.msk [tilespmem:v55+s11+$0x0], $0xffff;
	v28 =	vor.u32 v17, v37;
	v40 =	vor.u32 v21, v40;
	v50 =	vor.u32 v63, v23  }
0x143: {  	v55 =	vshll.u32 v35, $0x9;
	v27 =	vor.u32 v51, v27;
	v57 =	vor.u32 v63, v22;
	[tilespmem:v59+s13+$0x0] =	vst.idx.msk $0xffff, v39  }
0x144: {  	v29 =	vor.u32 v38, v19;
	v58 =	vld.idx.msk [tilespmem:v49+s11+$0x0], $0xffff;
	v38 =	vshll.u32 v38, $0x9;
	[tilespmem:v61+s13+$0x0] =	vst.idx.msk $0xffff, v33;
	v33 =	vor.u32 $0x80, v55  }
0x145: {  	v32 =	vshll.u32 v63, $0x9;
	v38 =	vor.u32 $0x80, v38;
	v41 =	vld.idx.msk [tilespmem:v62+s11+$0x0], $0xffff;
	v59 =	vor.u32 v26, v33  }
0x146: {  	v32 =	vor.u32 $0x80, v32;
	[tilespmem:v54+s13+$0x0] =	vst.idx.msk $0xffff, v60;
	v61 =	vor.u32 v18, v38;
	v56 =	vld.idx.msk [tilespmem:v56+s11+$0x0], $0xffff  }
0x147: {  	v63 =	vor.u32 v20, v32;
	v39 =	vor.u32 s19, v9;
	[tilespmem:v40+s13+$0x0] =	vst.idx.msk $0xffff, v36;
	v60 =	vld.idx.msk [tilespmem:v50+s11+$0x0], $0xffff  }
0x148: {  	v32 =	vor.u32 v21, v32;
	v62 =	vor.u32 s20, v3;
	v52 =	vor.u32 v39, v16;
	v48 =	vld.idx.msk [tilespmem:v57+s11+$0x0], $0xffff  }
0x149: {  	[tilespmem:v28+s13+$0x0] =	vst.idx.msk $0xffff, v58;
	v28 =	vor.u32 v17, v38;
	v58 =	vshll.u32 v51, $0x9;
	v54 =	vor.u32 v62, v23  }
0x14a: {  	v55 =	vor.u32 v39, v19;
	v57 =	vor.u32 v45, v25;
	v39 =	vshll.u32 v39, $0x9;
	[tilespmem:v59+s13+$0x0] =	vst.idx.msk $0xffff, v41  }
0x14b: {  	v29 =	vld.idx.msk [tilespmem:v29+s11+$0x0], $0xffff;
	v53 =	vor.u32 v62, v22;
	v36 =	vshll.u32 v62, $0x9;
	v39 =	vor.u32 $0x80, v39;
	[tilespmem:v61+s13+$0x0] =	vst.idx.msk $0xffff, v56  }
0x14c: {  	v41 =	vor.u32 v24, v34;
	v34 =	vor.u32 $0x80, v58;
	[tilespmem:v63+s13+$0x0] =	vst.idx.msk $0xffff, v60;
	v60 =	vor.u32 v18, v39  }
0x14d: {  	v59 =	vor.u32 s19, v10;
	[tilespmem:v32+s13+$0x0] =	vst.idx.msk $0xffff, v48;
	v40 =	vld.idx.msk [tilespmem:v52+s11+$0x0], $0xffff;
	v42 =	vor.u32 v26, v34;
	v26 =	vor.u32 $0x80, v36  }
0x14e: {  	v32 =	vor.u32 s20, v4;
	v36 =	vld.idx.msk [tilespmem:v54+s11+$0x0], $0xffff;
	v62 =	vor.u32 v59, v16;
	v61 =	vor.u32 v20, v26  }
0x14f: {  	v27 =	vld.idx.msk [tilespmem:v27+s11+$0x0], $0xffff;
	v63 =	vor.u32 v32, v23  }
0x150: {  	[tilespmem:v31+s13+$0x0] =	vst.idx.msk $0xffff, v30;
	v30 =	vld.idx.msk [tilespmem:v53+s11+$0x0], $0xffff;
	v31 =	vor.u32 v21, v26  }
0x151: {  	[tilespmem:v28+s13+$0x0] =	vst.idx.msk $0xffff, v29;
	v28 =	vor.u32 v17, v39;
	v29 =	vld.idx.msk [tilespmem:v57+s11+$0x0], $0xffff;
	v56 =	vor.u32 v32, v22  }
0x152: {  	v57 =	vor.u32 v59, v19;
	v58 =	vld.idx.msk [tilespmem:v55+s11+$0x0], $0xffff;
	v59 =	vshll.u32 v59, $0x9;
	[tilespmem:v60+s13+$0x0] =	vst.idx.msk $0xffff, v40  }
0x153: {  	v52 =	vor.u32 v35, v25;
	v32 =	vshll.u32 v32, $0x9;
	v60 =	vor.u32 $0x80, v59;
	[tilespmem:v61+s13+$0x0] =	vst.idx.msk $0xffff, v36;
	v61 =	vld.idx.msk [tilespmem:v62+s11+$0x0], $0xffff  }
0x154: {  	[tilespmem:v42+s13+$0x0] =	vst.idx.msk $0xffff, v27;
	v27 =	vor.u32 $0x80, v32;
	v62 =	vor.u32 v18, v60;
	v37 =	vld.idx.msk [tilespmem:v63+s11+$0x0], $0xffff;
	v63 =	vor.u32 s19, v11  }
0x155: {  	v38 =	vor.u32 s20, v5;
	[tilespmem:v31+s13+$0x0] =	vst.idx.msk $0xffff, v30;
	v39 =	vor.u32 v20, v27;
	v30 =	vor.u32 v63, v16  }
0x156: {  	v25 =	vor.u32 v51, v25;
	v26 =	vor.u32 v24, v33;
	v40 =	vor.u32 v38, v23  }
0x157: {  	v24 =	vor.u32 v24, v34;
	[tilespmem:v28+s13+$0x0] =	vst.idx.msk $0xffff, v58;
	v36 =	vor.u32 v21, v27;
	v35 =	vld.idx.msk [tilespmem:v56+s11+$0x0], $0xffff  }
0x158: {  	v34 =	vor.u32 v38, v22;
	[tilespmem:v41+s13+$0x0] =	vst.idx.msk $0xffff, v29;
	v32 =	vor.u32 v17, v60;
	v33 =	vld.idx.msk [tilespmem:v57+s11+$0x0], $0xffff  }
0x159: {  	s23 =	simm.s32 $0x60;
	s22 =	simm.s32 $0x4;
	v27 =	vld.idx.msk [tilespmem:v52+s11+$0x0], $0xffff;
	v31 =	vor.u32 v63, v19;
	v28 =	vshll.u32 v63, $0x9;
	[tilespmem:v62+s13+$0x0] =	vst.idx.msk $0xffff, v61  }
.LBB2_4:
0x15a: {  	s25 =	sand.u32 $0x60, s23;
	s22 =	sadd.s32 $0x2, s22;
	v29 =	vshll.u32 v38, $0x9;
	[tilespmem:v39+s13+$0x0] =	vst.idx.msk $0xffff, v37;
	v37 =	vor.u32 $0x80, v28;
	v38 =	vor.u32 s19, v12;
	v39 =	vld.idx.msk [tilespmem:v30+s11+$0x0], $0xffff  }
0x15b: {  	v41 =	vor.u32 s20, v7;
	s21 =	sadd.s32 $0x4, s21;
	s26 =	sor.u32 $0x10, s25;
	p0 =	slt.u32 s22, $0x3E;
	v29 =	vor.u32 $0x80, v29;
	v40 =	vld.idx.msk [tilespmem:v40+s11+$0x0], $0xffff;
	v42 =	vor.u32 v18, v37  }
0x15c: {  	s24 =	sand.u32 $0x70, s21;
	v30 =	vor.u32 s26, v0;
	[tilespmem:v36+s13+$0x0] =	vst.idx.msk $0xffff, v35;
	v35 =	vor.u32 v20, v29;
	v36 =	vor.u32 v38, v16  }
0x15d: {  	v45 =	vor.u32 v41, v23;
	v43 =	vor.u32 s24, v0;
	v44 =	vshll.u32 v30, $0x7;
	v34 =	vld.idx.msk [tilespmem:v34+s11+$0x0], $0xffff  }
0x15e: {  	v28 =	vor.u32 s25, v0;
	v47 =	vor.u32 v21, v29;
	v46 =	vor.u32 v43, v44;
	[tilespmem:v32+s13+$0x0] =	vst.idx.msk $0xffff, v33  }
0x15f: {  	v29 =	vshll.u32 v28, $0x7;
	v32 =	vor.u32 v41, v22;
	v33 =	vor.u32 v17, v37;
	v31 =	vld.idx.msk [tilespmem:v31+s11+$0x0], $0xffff  }
0x160: {  	v49 =	vor.u32 s19, v13;
	v48 =	vshll.u32 v38, $0x9;
	v37 =	vor.u32 v43, v29;
	[tilespmem:v42+s13+$0x0] =	vst.idx.msk $0xffff, v39  }
0x161: {  	v39 =	vshll.u32 v41, $0x9;
	v41 =	vor.u32 s20, v8;
	[tilespmem:v35+s13+$0x0] =	vst.idx.msk $0xffff, v40;
	v35 =	vor.u32 $0x80, v48;
	v36 =	vld.idx.msk [tilespmem:v36+s11+$0x0], $0xffff  }
0x162: {  	v40 =	vshll.u32 v43, $0x9;
	v39 =	vor.u32 $0x80, v39;
	v42 =	vld.idx.msk [tilespmem:v45+s11+$0x0], $0xffff;
	v43 =	vor.u32 v18, v35;
	[tilespmem:v26+s13+$0x0] =	vst.idx.msk $0xffff, v27  }
0x163: {  	v26 =	vor.u32 $0x80, v40;
	v45 =	vor.u32 v20, v39;
	v40 =	vld.idx.msk [tilespmem:v46+s11+$0x0], $0xffff;
	v46 =	vor.u32 v49, v16  }
0x164: {  	v48 =	vor.u32 s24, v1;
	v50 =	vor.u32 v30, v26;
	[tilespmem:v47+s13+$0x0] =	vst.idx.msk $0xffff, v34;
	v34 =	vor.u32 v41, v23  }
0x165: {  	v51 =	vor.u32 v48, v44;
	v26 =	vor.u32 v28, v26;
	v47 =	vor.u32 v48, v29;
	v37 =	vld.idx.msk [tilespmem:v37+s11+$0x0], $0xffff  }
0x166: {  	v52 =	vor.u32 v41, v22;
	v39 =	vor.u32 v21, v39;
	v32 =	vld.idx.msk [tilespmem:v32+s11+$0x0], $0xffff;
	[tilespmem:v33+s13+$0x0] =	vst.idx.msk $0xffff, v31  }
0x167: {  	v31 =	vor.u32 v38, v19;
	v33 =	vshll.u32 v49, $0x9;
	v38 =	vor.u32 s19, v14;
	[tilespmem:v43+s13+$0x0] =	vst.idx.msk $0xffff, v36;
	v27 =	vld.idx.msk [tilespmem:v25+s11+$0x0], $0xffff  }
0x168: {  	v25 =	vshll.u32 v41, $0x9;
	v36 =	vor.u32 s20, v6;
	v33 =	vor.u32 $0x80, v33;
	[tilespmem:v45+s13+$0x0] =	vst.idx.msk $0xffff, v42;
	v41 =	vld.idx.msk [tilespmem:v46+s11+$0x0], $0xffff  }
0x169: {  	v42 =	vshll.u32 v48, $0x9;
	v25 =	vor.u32 $0x80, v25;
	[tilespmem:v50+s13+$0x0] =	vst.idx.msk $0xffff, v40;
	v34 =	vld.idx.msk [tilespmem:v34+s11+$0x0], $0xffff;
	v40 =	vor.u32 v18, v33  }
0x16a: {  	v46 =	vor.u32 v38, v16;
	v42 =	vor.u32 $0x80, v42;
	v45 =	vor.u32 v20, v25;
	v43 =	vld.idx.msk [tilespmem:v51+s11+$0x0], $0xffff  }
0x16b: {  	v48 =	vor.u32 v36, v23;
	[tilespmem:v26+s13+$0x0] =	vst.idx.msk $0xffff, v37;
	v26 =	vor.u32 s24, v2;
	v37 =	vor.u32 v30, v42  }
0x16c: {  	v42 =	vor.u32 v28, v42;
	v47 =	vld.idx.msk [tilespmem:v47+s11+$0x0], $0xffff;
	v50 =	vor.u32 v26, v29;
	v51 =	vor.u32 v26, v44  }
0x16d: {  	v25 =	vor.u32 v21, v25;
	[tilespmem:v39+s13+$0x0] =	vst.idx.msk $0xffff, v32;
	v32 =	vor.u32 v36, v22;
	v31 =	vld.idx.msk [tilespmem:v31+s11+$0x0], $0xffff  }
0x16e: {  	v53 =	vor.u32 s19, v15;
	v35 =	vor.u32 v17, v35;
	s19 =	smov.u32 s20;
	s20 =	smov.u32 s24;
	v39 =	vld.idx.msk [tilespmem:v52+s11+$0x0], $0xffff;
	v52 =	vshll.u32 v38, $0x9;
	[tilespmem:v40+s13+$0x0] =	vst.idx.msk $0xffff, v41  }
0x16f: {  	v36 =	vshll.u32 v36, $0x9;
	v40 =	vor.u32 s19, v9;
	[tilespmem:v45+s13+$0x0] =	vst.idx.msk $0xffff, v34;
	v34 =	vor.u32 $0x80, v52;
	v41 =	vld.idx.msk [tilespmem:v46+s11+$0x0], $0xffff  }
0x170: {  	v26 =	vshll.u32 v26, $0x9;
	v36 =	vor.u32 $0x80, v36;
	[tilespmem:v37+s13+$0x0] =	vst.idx.msk $0xffff, v43;
	v37 =	vld.idx.msk [tilespmem:v48+s11+$0x0], $0xffff;
	v43 =	vor.u32 v18, v34  }
0x171: {  	v26 =	vor.u32 $0x80, v26;
	v46 =	vor.u32 v20, v36;
	v48 =	vor.u32 v53, v16;
	v16 =	vmovc v23;
	v45 =	vld.idx.msk [tilespmem:v51+s11+$0x0], $0xffff  }
0x172: {  	v51 =	vor.u32 v40, v16;
	[tilespmem:v42+s13+$0x0] =	vst.idx.msk $0xffff, v47;
	v42 =	vor.u32 s20, v3;
	v47 =	vor.u32 v30, v26  }
0x173: {  	v26 =	vor.u32 v28, v26;
	v50 =	vld.idx.msk [tilespmem:v50+s11+$0x0], $0xffff;
	v52 =	vor.u32 v42, v29;
	v54 =	vor.u32 v42, v44  }
0x174: {  	v23 =	vmov v44;
	[tilespmem:v25+s13+$0x0] =	vst.idx.msk $0xffff, v39;
	v25 =	vor.u32 v21, v36;
	v36 =	vor.u32 v40, v22  }
0x175: {  	v44 =	vshll.u32 v53, $0x9;
	v39 =	vor.u32 v49, v19;
	v32 =	vld.idx.msk [tilespmem:v32+s11+$0x0], $0xffff;
	[tilespmem:v43+s13+$0x0] =	vst.idx.msk $0xffff, v41  }
0x176: {  	v40 =	vshll.u32 v40, $0x9;
	v41 =	vor.u32 v17, v33;
	v33 =	vor.u32 $0x80, v44;
	[tilespmem:v46+s13+$0x0] =	vst.idx.msk $0xffff, v37;
	v37 =	vld.idx.msk [tilespmem:v48+s11+$0x0], $0xffff  }
0x177: {  	v42 =	vshll.u32 v42, $0x9;
	v40 =	vor.u32 $0x80, v40;
	v18 =	vor.u32 v18, v33;
	[tilespmem:v47+s13+$0x0] =	vst.idx.msk $0xffff, v45;
	v43 =	vld.idx.msk [tilespmem:v51+s11+$0x0], $0xffff  }
0x178: {  	v42 =	vor.u32 $0x80, v42;
	v46 =	vor.u32 v20, v40;
	v45 =	vor.u32 s19, v10;
	v44 =	vld.idx.msk [tilespmem:v54+s11+$0x0], $0xffff;
	[tilespmem:v35+s13+$0x0] =	vst.idx.msk $0xffff, v31  }
0x179: {  	v31 =	vor.u32 s20, v4;
	v35 =	vor.u32 v30, v42;
	v47 =	vor.u32 v45, v16;
	[tilespmem:v26+s13+$0x0] =	vst.idx.msk $0xffff, v50  }
0x17a: {  	v42 =	vor.u32 v28, v42;
	v49 =	vor.u32 v31, v29;
	v50 =	vor.u32 v31, v23;
	v48 =	vld.idx.msk [tilespmem:v52+s11+$0x0], $0xffff  }
0x17b: {  	v51 =	vor.u32 v45, v22;
	[tilespmem:v25+s13+$0x0] =	vst.idx.msk $0xffff, v32;
	v32 =	vor.u32 v21, v40;
	v52 =	vld.idx.msk [tilespmem:v39+s11+$0x0], $0xffff  }
0x17c: {  	v55 =	vor.u32 v38, v19;
	v26 =	vor.u32 v17, v34;
	v54 =	vld.idx.msk [tilespmem:v36+s11+$0x0], $0xffff;
	[tilespmem:v18+s13+$0x0] =	vst.idx.msk $0xffff, v37  }
0x17d: {  	v34 =	vshll.u32 v45, $0x9;
	v25 =	vor.u32 v53, v19;
	[tilespmem:v46+s13+$0x0] =	vst.idx.msk $0xffff, v43;
	v43 =	vor.u32 v17, v33  }
0x17e: {  	v19 =	vor.u32 $0x80, v34;
	v18 =	vmovc v20;
	v20 =	vmov v30;
	v17 =	vshll.u32 v31, $0x9;
	[tilespmem:v35+s13+$0x0] =	vst.idx.msk $0xffff, v44;
	v44 =	vld.idx.msk [tilespmem:v47+s11+$0x0], $0xffff  }
0x17f: {  	v45 =	vor.u32 s19, v11;
	v46 =	vor.u32 v18, v19;
	v17 =	vor.u32 $0x80, v17;
	v37 =	vld.idx.msk [tilespmem:v50+s11+$0x0], $0xffff;
	[tilespmem:v24+s13+$0x0] =	vst.idx.msk $0xffff, v27  }
.Ltmp1:
0x180: {  	v38 =	vor.u32 s20, v5;
	v30 =	vor.u32 v45, v16;
	v39 =	vor.u32 v20, v17;
	[tilespmem:v42+s13+$0x0] =	vst.idx.msk $0xffff, v48;
	(pc) =	sbr.rel @p0 .LBB2_4-.Ltmp1, $4  }
0x181: {  	v34 =	vor.u32 v38, v29;
	v40 =	vor.u32 v38, v23;
	v36 =	vor.u32 v28, v17;
	v35 =	vld.idx.msk [tilespmem:v49+s11+$0x0], $0xffff  }
0x182: {  	v31 =	vor.u32 v45, v22;
	v17 =	vmov v21;
	[tilespmem:v32+s13+$0x0] =	vst.idx.msk $0xffff, v54;
	v32 =	vor.u32 v21, v19  }
0x183: {  	v24 =	vmovc v43;
	v21 =	vmov v28;
	v19 =	vmov v22;
	v22 =	vmov v29;
	v33 =	vld.idx.msk [tilespmem:v51+s11+$0x0], $0xffff;
	[tilespmem:v41+s13+$0x0] =	vst.idx.msk $0xffff, v52  }
0x184: {  	s23 =	sadd.s32 $0x20, s23;
	v28 =	vshll.u32 v45, $0x9;
	[tilespmem:v46+s13+$0x0] =	vst.idx.msk $0xffff, v44;
	v27 =	vld.idx.msk [tilespmem:v55+s11+$0x0], $0xffff  }
0x185: {  	_ =	sdelay $0x2  }
0x186: {  	v29 =	vshll.u32 v38, $0x9  }
0x187: {  	[tilespmem:v39+s13+$0x0] =	vst.idx.msk $0xffff, v37;
	v29 =	vor.u32 $0x80, v29  }
0x188: {  	v42 =	vor.u32 s20, v7;
	v43 =	vld.idx.msk [tilespmem:v40+s11+$0x0], $0xffff;
	[tilespmem:v36+s13+$0x0] =	vst.idx.msk $0xffff, v35;
	v44 =	vor.u32 v20, v29  }
0x189: {  	v45 =	vor.u32 v42, v23;
	v34 =	vld.idx.msk [tilespmem:v34+s11+$0x0], $0xffff;
	v29 =	vor.u32 v21, v29  }
0x18a: {  	v46 =	vor.u32 v42, v22;
	_ =	sdelay $0x1  }
0x18b: {  	v37 =	vshll.u32 v42, $0x9  }
0x18c: {  	v37 =	vor.u32 $0x80, v37;
	[tilespmem:v44+s13+$0x0] =	vst.idx.msk $0xffff, v43  }
0x18d: {  	v47 =	vor.u32 s20, v8;
	v48 =	vor.u32 v20, v37;
	[tilespmem:v29+s13+$0x0] =	vst.idx.msk $0xffff, v34;
	v35 =	vld.idx.msk [tilespmem:v45+s11+$0x0], $0xffff  }
0x18e: {  	v49 =	vor.u32 v47, v23;
	v50 =	vor.u32 v21, v37;
	v34 =	vld.idx.msk [tilespmem:v46+s11+$0x0], $0xffff  }
0x18f: {  	v51 =	vor.u32 v47, v22;
	_ =	sdelay $0x1  }
0x190: {  	v38 =	vshll.u32 v47, $0x9  }
0x191: {  	v52 =	vor.u32 $0x80, v38;
	[tilespmem:v48+s13+$0x0] =	vst.idx.msk $0xffff, v35  }
0x192: {  	v53 =	vor.u32 s20, v6;
	v54 =	vor.u32 v20, v52;
	[tilespmem:v50+s13+$0x0] =	vst.idx.msk $0xffff, v34;
	v29 =	vld.idx.msk [tilespmem:v49+s11+$0x0], $0xffff  }
0x193: {  	v55 =	vor.u32 v53, v23;
	v56 =	vor.u32 v21, v52;
	v57 =	vld.idx.msk [tilespmem:v51+s11+$0x0], $0xffff  }
0x194: {  	v58 =	vor.u32 v53, v22;
	_ =	sdelay $0x1  }
0x195: {  	v59 =	vshll.u32 v53, $0x9  }
0x196: {  	v60 =	vor.u32 $0x80, v59;
	[tilespmem:v54+s13+$0x0] =	vst.idx.msk $0xffff, v29  }
0x197: {  	v61 =	vor.u32 s20, v9;
	v63 =	vor.u32 v20, v60;
	[tilespmem:v56+s13+$0x0] =	vst.idx.msk $0xffff, v57;
	v62 =	vld.idx.msk [tilespmem:v55+s11+$0x0], $0xffff  }
0x198: {  	v44 =	vor.u32 v61, v23;
	v29 =	vor.u32 v21, v60;
	v34 =	vld.idx.msk [tilespmem:v58+s11+$0x0], $0xffff  }
0x199: {  	v45 =	vor.u32 v61, v22;
	_ =	sdelay $0x1  }
0x19a: {  	v46 =	vshll.u32 v61, $0x9  }
0x19b: {  	v36 =	vor.u32 $0x80, v46;
	[tilespmem:v63+s13+$0x0] =	vst.idx.msk $0xffff, v62  }
0x19c: {  	v48 =	vor.u32 s20, v10;
	v49 =	vor.u32 v20, v36;
	[tilespmem:v29+s13+$0x0] =	vst.idx.msk $0xffff, v34;
	v47 =	vld.idx.msk [tilespmem:v44+s11+$0x0], $0xffff  }
0x19d: {  	v50 =	vor.u32 v48, v23;
	v51 =	vor.u32 v21, v36;
	v34 =	vld.idx.msk [tilespmem:v45+s11+$0x0], $0xffff  }
0x19e: {  	v52 =	vor.u32 v48, v22;
	_ =	sdelay $0x1  }
0x19f: {  	v53 =	vshll.u32 v48, $0x9  }
0x1a0: {  	v36 =	vor.u32 $0x80, v53;
	[tilespmem:v49+s13+$0x0] =	vst.idx.msk $0xffff, v47  }
0x1a1: {  	v54 =	vor.u32 s20, v11;
	v55 =	vor.u32 v20, v36;
	[tilespmem:v51+s13+$0x0] =	vst.idx.msk $0xffff, v34;
	v37 =	vld.idx.msk [tilespmem:v50+s11+$0x0], $0xffff  }
0x1a2: {  	v57 =	vor.u32 v21, v36;
	v56 =	vor.u32 v54, v23;
	v34 =	vld.idx.msk [tilespmem:v52+s11+$0x0], $0xffff  }
0x1a3: {  	v28 =	vor.u32 $0x80, v28;
	v58 =	vor.u32 v54, v22  }
0x1a4: {  	v41 =	vor.u32 v18, v28  }
0x1a5: {  	v30 =	vld.idx.msk [tilespmem:v30+s11+$0x0], $0xffff;
	v28 =	vor.u32 v17, v28;
	v59 =	vor.u32 s19, v12;
	[tilespmem:v32+s13+$0x0] =	vst.idx.msk $0xffff, v33;
	v38 =	vshll.u32 v54, $0x9  }
0x1a6: {  	v42 =	vor.u32 v59, v16;
	v31 =	vld.idx.msk [tilespmem:v31+s11+$0x0], $0xffff;
	v61 =	vor.u32 s20, v12;
	v60 =	vor.u32 $0x80, v38;
	[tilespmem:v55+s13+$0x0] =	vst.idx.msk $0xffff, v37  }
0x1a7: {  	v46 =	vor.u32 v59, v19;
	v38 =	vor.u32 v20, v60;
	[tilespmem:v57+s13+$0x0] =	vst.idx.msk $0xffff, v34;
	v62 =	vld.idx.msk [tilespmem:v56+s11+$0x0], $0xffff  }
0x1a8: {  	v63 =	vor.u32 v61, v23;
	v47 =	vor.u32 v21, v60;
	v35 =	vld.idx.msk [tilespmem:v58+s11+$0x0], $0xffff  }
0x1a9: {  	v32 =	vshll.u32 v61, $0x9;
	v48 =	vor.u32 v61, v22;
	v45 =	vshll.u32 v59, $0x9  }
0x1aa: {  	[tilespmem:v41+s13+$0x0] =	vst.idx.msk $0xffff, v30;
	v32 =	vor.u32 $0x80, v32;
	v29 =	vor.u32 $0x80, v45  }
0x1ab: {  	[tilespmem:v28+s13+$0x0] =	vst.idx.msk $0xffff, v31;
	v53 =	vor.u32 s20, v13;
	v49 =	vor.u32 s19, v13;
	v51 =	vor.u32 v18, v29;
	v50 =	vld.idx.msk [tilespmem:v42+s11+$0x0], $0xffff  }
0x1ac: {  	v29 =	vor.u32 v17, v29;
	v52 =	vor.u32 v49, v16;
	v34 =	vld.idx.msk [tilespmem:v46+s11+$0x0], $0xffff;
	[tilespmem:v38+s13+$0x0] =	vst.idx.msk $0xffff, v62  }
0x1ad: {  	v55 =	vor.u32 v20, v32;
	v58 =	vor.u32 v49, v19;
	[tilespmem:v47+s13+$0x0] =	vst.idx.msk $0xffff, v35;
	v54 =	vld.idx.msk [tilespmem:v63+s11+$0x0], $0xffff  }
0x1ae: {  	v28 =	vshll.u32 v53, $0x9;
	v32 =	vor.u32 v21, v32;
	v56 =	vor.u32 v53, v23;
	v30 =	vld.idx.msk [tilespmem:v48+s11+$0x0], $0xffff  }
0x1af: {  	v28 =	vor.u32 $0x80, v28;
	v59 =	vor.u32 v53, v22;
	v57 =	vshll.u32 v49, $0x9  }
0x1b0: {  	v44 =	vor.u32 v20, v28;
	[tilespmem:v51+s13+$0x0] =	vst.idx.msk $0xffff, v50;
	v35 =	vor.u32 $0x80, v57  }
0x1b1: {  	v60 =	vor.u32 s19, v14;
	v40 =	vld.idx.msk [tilespmem:v52+s11+$0x0], $0xffff;
	[tilespmem:v29+s13+$0x0] =	vst.idx.msk $0xffff, v34;
	v61 =	vor.u32 v18, v35  }
0x1b2: {  	v62 =	vor.u32 v60, v16;
	v46 =	vld.idx.msk [tilespmem:v58+s11+$0x0], $0xffff;
	v45 =	vor.u32 v17, v35;
	[tilespmem:v55+s13+$0x0] =	vst.idx.msk $0xffff, v54  }
0x1b3: {  	v49 =	vor.u32 v60, v19;
	v63 =	vor.u32 s20, v14;
	[tilespmem:v32+s13+$0x0] =	vst.idx.msk $0xffff, v30;
	v31 =	vld.idx.msk [tilespmem:v56+s11+$0x0], $0xffff  }
0x1b4: {  	v28 =	vor.u32 v21, v28;
	v47 =	vor.u32 v63, v23;
	v37 =	vld.idx.msk [tilespmem:v59+s11+$0x0], $0xffff  }
0x1b5: {  	v51 =	vor.u32 s19, v15;
	v48 =	vshll.u32 v60, $0x9;
	v50 =	vor.u32 v63, v22  }
0x1b6: {  	v16 =	vor.u32 v51, v16;
	[tilespmem:v61+s13+$0x0] =	vst.idx.msk $0xffff, v40;
	v30 =	vor.u32 $0x80, v48  }
0x1b7: {  	v29 =	vshll.u32 v63, $0x9;
	[tilespmem:v45+s13+$0x0] =	vst.idx.msk $0xffff, v46;
	v40 =	vld.idx.msk [tilespmem:v62+s11+$0x0], $0xffff;
	v52 =	vor.u32 v18, v30  }
0x1b8: {  	v53 =	vor.u32 s20, v15;
	v29 =	vor.u32 $0x80, v29;
	v30 =	vor.u32 v17, v30;
	v32 =	vld.idx.msk [tilespmem:v49+s11+$0x0], $0xffff;
	[tilespmem:v44+s13+$0x0] =	vst.idx.msk $0xffff, v31  }
0x1b9: {  	v57 =	vor.u32 v51, v19;
	v54 =	vor.u32 v20, v29;
	[tilespmem:v28+s13+$0x0] =	vst.idx.msk $0xffff, v37;
	v33 =	vld.idx.msk [tilespmem:v47+s11+$0x0], $0xffff  }
0x1ba: {  	v55 =	vor.u32 v53, v23;
	v29 =	vor.u32 v21, v29;
	v58 =	vld.idx.msk [tilespmem:v50+s11+$0x0], $0xffff  }
0x1bb: {  	[tilespmem:v26+s13+$0x0] =	vst.idx.msk $0xffff, v27;
	v56 =	vshll.u32 v51, $0x9;
	v59 =	vor.u32 v53, v22  }
0x1bc: {  	v25 =	vld.idx.msk [tilespmem:v25+s11+$0x0], $0xffff;
	[tilespmem:v52+s13+$0x0] =	vst.idx.msk $0xffff, v40;
	v28 =	vor.u32 $0x80, v56  }
0x1bd: {  	v61 =	vshll.u32 v53, $0x9;
	[tilespmem:v30+s13+$0x0] =	vst.idx.msk $0xffff, v32;
	v16 =	vld.idx.msk [tilespmem:v16+s11+$0x0], $0xffff;
	v60 =	vor.u32 v18, v28  }
0x1be: {  	v26 =	vor.u32 $0x80, v61;
	v17 =	vor.u32 v17, v28;
	v19 =	vld.idx.msk [tilespmem:v57+s11+$0x0], $0xffff;
	[tilespmem:v54+s13+$0x0] =	vst.idx.msk $0xffff, v33  }
0x1bf: {  	v62 =	vor.u32 v20, v26;
	[tilespmem:v29+s13+$0x0] =	vst.idx.msk $0xffff, v58;
	v23 =	vld.idx.msk [tilespmem:v55+s11+$0x0], $0xffff  }
0x1c0: {  	v63 =	vor.u32 v21, v26;
	v22 =	vld.idx.msk [tilespmem:v59+s11+$0x0], $0xffff  }
0x1c1: {  	[tilespmem:v24+s13+$0x0] =	vst.idx.msk $0xffff, v25  }
0x1c2: {  	[tilespmem:v60+s13+$0x0] =	vst.idx.msk $0xffff, v16  }
0x1c3: {  	[tilespmem:v17+s13+$0x0] =	vst.idx.msk $0xffff, v19  }
0x1c4: {  	[tilespmem:v62+s13+$0x0] =	vst.idx.msk $0xffff, v23  }
0x1c5: {  	s21 =	sadd.s32 $0x0, s4;
	s19 =	simm.s32 $0x800;
	s20 =	simm.s32 $0x8200;
	[tilespmem:v63+s13+$0x0] =	vst.idx.msk $0xffff, v22  }
0x1c6: {  	[tilespmem:s11], [sflag:$0x2] =	stream.indirect.gather [hbm4b:s0+s9], $0x80, s16, s9, $0xb8;
	[tilespmem:$0x18200] =	vst v63  }
.LBB2_6:
0x1c7: {  	[hbm4b:s21+s3] =	stream.linear.scatter [tilespmem:s20], [sflag:$0x3], $0x100, $0x38;
	[tilespmem:$0x18200] =	vst v63  }
0x1c8: {  	s21 =	smov.u32 s19;
	p0 =	sne.s32 s19, $0x3F800  }
.Ltmp2:
0x1c9: {  	s19 =	sadd.s32 $0x800, s19;
	(pc) =	sbr.rel @p0 .LBB2_6-.Ltmp2, $3  }
0x1ca: {  	_ =	sdelay $0x1  }
0x1cb: {  	s20 =	sshra.s32 s21, $0x2  }
0x1cc: {  	s21 =	sadd.s32 s21, s4;
	s20 =	sadd.s32 $0x8200, s20  }
0x1cd: {  	s19 =	simm.s32 $0x0  }
0x1ce: {  	s23 =	sand.u32 $0x60, s19  }
0x1cf: {  	s24 =	sor.u32 $0x10, s23  }
0x1d0: {  	s22 =	sand.u32 $0x70, s19;
	v26 =	vor.u32 s24, v0  }
0x1d1: {  	v16 =	vor.u32 s22, v0;
	v27 =	vshll.u32 v26, $0x7  }
0x1d2: {  	v17 =	vor.u32 v16, v27  }
0x1d3: {  	[hbm4b:s21+s3] =	stream.linear.scatter [tilespmem:s20], [sflag:$0x3], $0x100, $0x38;
	[tilespmem:$0x18200] =	vst v63  }
0x1d4: {  	_ =	swait.ge [sflag:s12], $0x4000;
	v24 =	vor.u32 s23, v0  }
0x1d5: {  	[sflag:s12] =	ssyncset.done $0x0;
	v25 =	vshll.u32 v24, $0x7;
	v18 =	vshll.u32 v16, $0x9  }
0x1d6: {  	[sflag:s12] =	ssyncadd.s32 $0xFFFFC000;
	v18 =	vor.u32 $0x100, v18;
	v16 =	vor.u32 v16, v25  }
0x1d7: {  	v19 =	vor.u32 s22, v1;
	v20 =	vor.u32 v26, v18;
	v17 =	vld.idx.msk [tilespmem:v17+s10+$0x0], $0xffff  }
0x1d8: {  	v21 =	vor.u32 v19, v27;
	_ =	sdelay $0x2  }
0x1d9: {  	v22 =	vshll.u32 v19, $0x9;
	v18 =	vor.u32 v24, v18;
	v16 =	vld.idx.msk [tilespmem:v16+s10+$0x0], $0xffff  }
0x1da: {  	v19 =	vor.u32 v19, v25;
	[tilespmem:v20+s13+$0x0] =	vst.idx.msk $0xffff, v17;
	v17 =	vor.u32 $0x100, v22  }
0x1db: {  	v20 =	vld.idx.msk [tilespmem:v21+s10+$0x0], $0xffff;
	v21 =	vor.u32 s22, v2;
	v22 =	vor.u32 v26, v17  }
0x1dc: {  	v23 =	vor.u32 v21, v27;
	_ =	sdelay $0x1  }
0x1dd: {  	[tilespmem:v18+s13+$0x0] =	vst.idx.msk $0xffff, v16  }
0x1de: {  	v16 =	vld.idx.msk [tilespmem:v19+s10+$0x0], $0xffff;
	v17 =	vor.u32 v24, v17;
	v18 =	vshll.u32 v21, $0x9  }
0x1df: {  	v19 =	vor.u32 v21, v25;
	v18 =	vor.u32 $0x100, v18;
	[tilespmem:v22+s13+$0x0] =	vst.idx.msk $0xffff, v20  }
0x1e0: {  	v21 =	vor.u32 s22, v3;
	v22 =	vor.u32 v26, v18;
	v20 =	vld.idx.msk [tilespmem:v23+s10+$0x0], $0xffff  }
0x1e1: {  	v23 =	vor.u32 v21, v27;
	_ =	sdelay $0x1  }
0x1e2: {  	[tilespmem:v17+s13+$0x0] =	vst.idx.msk $0xffff, v16  }
0x1e3: {  	v17 =	vor.u32 v24, v18;
	v18 =	vshll.u32 v21, $0x9;
	v16 =	vld.idx.msk [tilespmem:v19+s10+$0x0], $0xffff  }
0x1e4: {  	v19 =	vor.u32 v21, v25;
	v18 =	vor.u32 $0x100, v18;
	[tilespmem:v22+s13+$0x0] =	vst.idx.msk $0xffff, v20  }
0x1e5: {  	v21 =	vor.u32 s22, v4;
	v22 =	vor.u32 v26, v18;
	v20 =	vld.idx.msk [tilespmem:v23+s10+$0x0], $0xffff  }
0x1e6: {  	v23 =	vor.u32 v21, v27;
	_ =	sdelay $0x1  }
0x1e7: {  	[tilespmem:v17+s13+$0x0] =	vst.idx.msk $0xffff, v16  }
0x1e8: {  	v17 =	vor.u32 v24, v18;
	v18 =	vshll.u32 v21, $0x9;
	v16 =	vld.idx.msk [tilespmem:v19+s10+$0x0], $0xffff  }
0x1e9: {  	v19 =	vor.u32 v21, v25;
	v18 =	vor.u32 $0x100, v18;
	[tilespmem:v22+s13+$0x0] =	vst.idx.msk $0xffff, v20  }
0x1ea: {  	v21 =	vor.u32 s22, v5;
	v22 =	vor.u32 v26, v18;
	v20 =	vld.idx.msk [tilespmem:v23+s10+$0x0], $0xffff  }
0x1eb: {  	v23 =	vor.u32 v21, v27;
	_ =	sdelay $0x1  }
0x1ec: {  	s24 =	simm.s32 $0x20;
	[tilespmem:v17+s13+$0x0] =	vst.idx.msk $0xffff, v16  }
0x1ed: {  	s25 =	sand.u32 $0x60, s24;
	v29 =	vor.u32 v24, v18;
	v16 =	vshll.u32 v21, $0x9;
	v28 =	vld.idx.msk [tilespmem:v19+s10+$0x0], $0xffff  }
0x1ee: {  	s28 =	simm.s32 $0x4;
	s26 =	sor.u32 $0x10, s25;
	v21 =	vor.u32 v21, v25;
	[tilespmem:v22+s13+$0x0] =	vst.idx.msk $0xffff, v20;
	v20 =	vor.u32 $0x100, v16  }
0x1ef: {  	s19 =	sand.u32 $0x70, s28;
	v18 =	vor.u32 s26, v0;
	v22 =	vor.u32 s22, v7;
	v23 =	vld.idx.msk [tilespmem:v23+s10+$0x0], $0xffff;
	v30 =	vor.u32 v26, v20  }
0x1f0: {  	v31 =	vor.u32 s19, v0;
	v16 =	vshll.u32 v18, $0x7;
	v32 =	vor.u32 v22, v27  }
0x1f1: {  	v17 =	vor.u32 s25, v0;
	v33 =	vor.u32 v31, v16  }
0x1f2: {  	v19 =	vshll.u32 v17, $0x7;
	[tilespmem:v29+s13+$0x0] =	vst.idx.msk $0xffff, v28  }
0x1f3: {  	v28 =	vor.u32 v31, v19;
	v20 =	vor.u32 v24, v20;
	v29 =	vshll.u32 v22, $0x9;
	v21 =	vld.idx.msk [tilespmem:v21+s10+$0x0], $0xffff  }
0x1f4: {  	v22 =	vor.u32 v22, v25;
	v29 =	vor.u32 $0x100, v29;
	[tilespmem:v30+s13+$0x0] =	vst.idx.msk $0xffff, v23;
	v23 =	vshll.u32 v31, $0x9  }
0x1f5: {  	v54 =	vor.u32 v26, v29;
	v30 =	vor.u32 s22, v8;
	v31 =	vld.idx.msk [tilespmem:v32+s10+$0x0], $0xffff;
	v23 =	vor.u32 $0x100, v23  }
0x1f6: {  	v34 =	vor.u32 s19, v1;
	v33 =	vld.idx.msk [tilespmem:v33+s10+$0x0], $0xffff;
	v36 =	vor.u32 v30, v27;
	v35 =	vor.u32 v18, v23  }
0x1f7: {  	v37 =	vor.u32 v34, v16  }
0x1f8: {  	v28 =	vld.idx.msk [tilespmem:v28+s10+$0x0], $0xffff;
	[tilespmem:v20+s13+$0x0] =	vst.idx.msk $0xffff, v21;
	v23 =	vor.u32 v17, v23  }
0x1f9: {  	v20 =	vor.u32 v34, v19;
	v21 =	vor.u32 v24, v29;
	v29 =	vshll.u32 v30, $0x9;
	v22 =	vld.idx.msk [tilespmem:v22+s10+$0x0], $0xffff  }
0x1fa: {  	v30 =	vor.u32 v30, v25;
	v29 =	vor.u32 $0x100, v29;
	[tilespmem:v54+s13+$0x0] =	vst.idx.msk $0xffff, v31;
	v31 =	vshll.u32 v34, $0x9  }
0x1fb: {  	v55 =	vor.u32 s22, v6;
	v57 =	vor.u32 v26, v29;
	[tilespmem:v35+s13+$0x0] =	vst.idx.msk $0xffff, v33;
	v56 =	vld.idx.msk [tilespmem:v36+s10+$0x0], $0xffff;
	v31 =	vor.u32 $0x100, v31  }
0x1fc: {  	v58 =	vor.u32 s19, v2;
	v38 =	vor.u32 v55, v27;
	v35 =	vld.idx.msk [tilespmem:v37+s10+$0x0], $0xffff;
	v59 =	vor.u32 v18, v31  }
0x1fd: {  	[tilespmem:v23+s13+$0x0] =	vst.idx.msk $0xffff, v28;
	v23 =	vor.u32 v58, v16  }
0x1fe: {  	[tilespmem:v21+s13+$0x0] =	vst.idx.msk $0xffff, v22;
	v20 =	vld.idx.msk [tilespmem:v20+s10+$0x0], $0xffff;
	v28 =	vor.u32 v17, v31  }
0x1ff: {  	v21 =	vor.u32 v24, v29;
	v22 =	vshll.u32 v55, $0x9;
	v30 =	vld.idx.msk [tilespmem:v30+s10+$0x0], $0xffff;
	v31 =	vor.u32 v58, v19  }
0x200: {  	v60 =	vshll.u32 v58, $0x9;
	v29 =	vor.u32 v55, v25;
	v22 =	vor.u32 $0x100, v22;
	[tilespmem:v57+s13+$0x0] =	vst.idx.msk $0xffff, v56  }
0x201: {  	v61 =	vor.u32 s22, v9;
	v32 =	vor.u32 $0x100, v60;
	v62 =	vor.u32 v26, v22;
	[tilespmem:v59+s13+$0x0] =	vst.idx.msk $0xffff, v35;
	v34 =	vld.idx.msk [tilespmem:v38+s10+$0x0], $0xffff  }
0x202: {  	v63 =	vor.u32 s19, v3;
	v41 =	vor.u32 v61, v27;
	v40 =	vor.u32 v18, v32;
	v23 =	vld.idx.msk [tilespmem:v23+s10+$0x0], $0xffff  }
0x203: {  	[tilespmem:v28+s13+$0x0] =	vst.idx.msk $0xffff, v20;
	v20 =	vor.u32 v63, v16  }
0x204: {  	[tilespmem:v21+s13+$0x0] =	vst.idx.msk $0xffff, v30;
	v28 =	vld.idx.msk [tilespmem:v31+s10+$0x0], $0xffff;
	v31 =	vor.u32 v17, v32  }
0x205: {  	v42 =	vor.u32 v63, v19;
	v21 =	vor.u32 v24, v22;
	v22 =	vshll.u32 v61, $0x9;
	v29 =	vld.idx.msk [tilespmem:v29+s10+$0x0], $0xffff  }
0x206: {  	v43 =	vshll.u32 v63, $0x9;
	v30 =	vor.u32 v61, v25;
	v22 =	vor.u32 $0x100, v22;
	[tilespmem:v62+s13+$0x0] =	vst.idx.msk $0xffff, v34  }
0x207: {  	v44 =	vor.u32 s22, v10;
	v33 =	vor.u32 $0x100, v43;
	v45 =	vor.u32 v26, v22;
	[tilespmem:v40+s13+$0x0] =	vst.idx.msk $0xffff, v23;
	v23 =	vld.idx.msk [tilespmem:v41+s10+$0x0], $0xffff  }
0x208: {  	v46 =	vor.u32 s19, v4;
	v48 =	vor.u32 v44, v27;
	v47 =	vor.u32 v18, v33;
	v20 =	vld.idx.msk [tilespmem:v20+s10+$0x0], $0xffff  }
0x209: {  	[tilespmem:v31+s13+$0x0] =	vst.idx.msk $0xffff, v28;
	v28 =	vor.u32 v46, v16  }
0x20a: {  	v51 =	vor.u32 s22, v11;
	v53 =	vor.u32 s19, v5;
	v49 =	vor.u32 v17, v33;
	[tilespmem:v21+s13+$0x0] =	vst.idx.msk $0xffff, v29;
	v31 =	vld.idx.msk [tilespmem:v42+s10+$0x0], $0xffff  }
0x20b: {  	s21 =	simm.s32 $0x8;
	v50 =	vor.u32 v46, v19;
	v21 =	vor.u32 v24, v22;
	v22 =	vshll.u32 v44, $0x9;
	v30 =	vld.idx.msk [tilespmem:v30+s10+$0x0], $0xffff  }
0x20c: {  	s20 =	sand.u32 $0x70, s21;
	v29 =	vor.u32 v44, v25;
	v22 =	vor.u32 $0x100, v22;
	[tilespmem:v45+s13+$0x0] =	vst.idx.msk $0xffff, v23;
	v23 =	vshll.u32 v46, $0x9  }
0x20d: {  	v60 =	vor.u32 s20, v0;
	v52 =	vor.u32 v26, v22;
	[tilespmem:v47+s13+$0x0] =	vst.idx.msk $0xffff, v20;
	v20 =	vld.idx.msk [tilespmem:v48+s10+$0x0], $0xffff;
	v23 =	vor.u32 $0x100, v23  }
0x20e: {  	v55 =	vor.u32 v51, v27;
	v61 =	vor.u32 s19, v8;
	v28 =	vld.idx.msk [tilespmem:v28+s10+$0x0], $0xffff;
	v54 =	vor.u32 v18, v23  }
0x20f: {  	v58 =	vor.u32 s19, v7;
	v37 =	vshll.u32 v61, $0x9;
	[tilespmem:v49+s13+$0x0] =	vst.idx.msk $0xffff, v31;
	v31 =	vor.u32 v53, v16  }
0x210: {  	v56 =	vor.u32 v53, v19;
	v57 =	vor.u32 s22, v12;
	v37 =	vor.u32 $0x100, v37;
	[tilespmem:v21+s13+$0x0] =	vst.idx.msk $0xffff, v30  }
0x211: {  	v22 =	vor.u32 v24, v22;
	v30 =	vor.u32 v51, v25;
	v21 =	vshll.u32 v51, $0x9;
	v29 =	vld.idx.msk [tilespmem:v29+s10+$0x0], $0xffff  }
0x212: {  	v34 =	vor.u32 $0x100, v21;
	v32 =	vld.idx.msk [tilespmem:v50+s10+$0x0], $0xffff;
	v23 =	vor.u32 v17, v23;
	[tilespmem:v52+s13+$0x0] =	vst.idx.msk $0xffff, v20;
	v20 =	vshll.u32 v53, $0x9  }
0x213: {  	s29 =	simm.s32 $0x40;
	v44 =	vshll.u32 v57, $0x9;
	v59 =	vor.u32 v26, v34;
	[tilespmem:v54+s13+$0x0] =	vst.idx.msk $0xffff, v28;
	v28 =	vld.idx.msk [tilespmem:v55+s10+$0x0], $0xffff;
	v36 =	vor.u32 $0x100, v20  }
0x214: {  	s30 =	sand.u32 $0x60, s29;
	v40 =	vor.u32 v57, v27;
	v41 =	vor.u32 v58, v16;
	v31 =	vld.idx.msk [tilespmem:v31+s10+$0x0], $0xffff;
	v39 =	vor.u32 v18, v36  }
0x215: {  	s31 =	sor.u32 $0x10, s30;
	v45 =	vor.u32 s22, v13;
	v21 =	vor.u32 s30, v0;
	v34 =	vor.u32 v24, v34  }
0x216: {  	[tilespmem:v22+s13+$0x0] =	vst.idx.msk $0xffff, v29;
	v22 =	vshll.u32 v21, $0x7;
	v29 =	vor.u32 v58, v19;
	v20 =	vor.u32 s31, v0  }
0x217: {  	v46 =	vor.u32 s20, v1;
	[tilespmem:v23+s13+$0x0] =	vst.idx.msk $0xffff, v32;
	v30 =	vld.idx.msk [tilespmem:v30+s10+$0x0], $0xffff;
	v43 =	vor.u32 v60, v22;
	v23 =	vshll.u32 v20, $0x7  }
0x218: {  	v33 =	vld.idx.msk [tilespmem:v56+s10+$0x0], $0xffff;
	v36 =	vor.u32 v17, v36;
	v42 =	vor.u32 v60, v23;
	[tilespmem:v59+s13+$0x0] =	vst.idx.msk $0xffff, v28  }
0x219: {  	v53 =	vor.u32 v45, v27;
	v28 =	vshll.u32 v58, $0x9;
	[tilespmem:v39+s13+$0x0] =	vst.idx.msk $0xffff, v31;
	v31 =	vor.u32 $0x100, v44  }
0x21a: {  	v32 =	vshll.u32 v60, $0x9;
	v38 =	vld.idx.msk [tilespmem:v40+s10+$0x0], $0xffff;
	v28 =	vor.u32 $0x100, v28;
	v62 =	vor.u32 v26, v31  }
0x21b: {  	v54 =	vor.u32 v61, v16;
	v32 =	vor.u32 $0x100, v32;
	v39 =	vld.idx.msk [tilespmem:v41+s10+$0x0], $0xffff;
	v52 =	vor.u32 v18, v28  }
0x21c: {  	v47 =	vor.u32 v20, v32;
	v32 =	vor.u32 v21, v32;
	v43 =	vld.idx.msk [tilespmem:v43+s10+$0x0], $0xffff;
	[tilespmem:v34+s13+$0x0] =	vst.idx.msk $0xffff, v30  }
0x21d: {  	v49 =	vor.u32 v61, v19;
	v30 =	vor.u32 v57, v25;
	[tilespmem:v36+s13+$0x0] =	vst.idx.msk $0xffff, v33;
	v63 =	vld.idx.msk [tilespmem:v42+s10+$0x0], $0xffff  }
0x21e: {  	v48 =	vor.u32 v46, v23;
	v57 =	vshll.u32 v45, $0x9;
	v28 =	vor.u32 v17, v28;
	v29 =	vld.idx.msk [tilespmem:v29+s10+$0x0], $0xffff  }
0x21f: {  	v55 =	vor.u32 v46, v22;
	v61 =	vor.u32 v18, v37;
	v34 =	vor.u32 $0x100, v57;
	[tilespmem:v62+s13+$0x0] =	vst.idx.msk $0xffff, v38  }
0x220: {  	v35 =	vor.u32 s22, v14;
	v58 =	vshll.u32 v46, $0x9;
	v59 =	vor.u32 v26, v34;
	[tilespmem:v52+s13+$0x0] =	vst.idx.msk $0xffff, v39;
	v39 =	vld.idx.msk [tilespmem:v53+s10+$0x0], $0xffff  }
0x221: {  	v51 =	vor.u32 s22, v15;
	v40 =	vor.u32 $0x100, v58;
	v31 =	vor.u32 v24, v31;
	[tilespmem:v32+s13+$0x0] =	vst.idx.msk $0xffff, v43;
	v33 =	vld.idx.msk [tilespmem:v54+s10+$0x0], $0xffff  }
0x222: {  	v30 =	vld.idx.msk [tilespmem:v30+s10+$0x0], $0xffff;
	v38 =	vor.u32 s19, v6;
	[tilespmem:v47+s13+$0x0] =	vst.idx.msk $0xffff, v63;
	v62 =	vor.u32 v35, v27;
	v63 =	vor.u32 s20, v2  }
0x223: {  	[tilespmem:v28+s13+$0x0] =	vst.idx.msk $0xffff, v29;
	v60 =	vld.idx.msk [tilespmem:v48+s10+$0x0], $0xffff;
	v54 =	vor.u32 v20, v40;
	v56 =	vor.u32 v38, v16  }
0x224: {  	v36 =	vld.idx.msk [tilespmem:v55+s10+$0x0], $0xffff;
	v28 =	vor.u32 v17, v37;
	v40 =	vor.u32 v21, v40;
	v50 =	vor.u32 v63, v23  }
0x225: {  	v55 =	vshll.u32 v35, $0x9;
	v27 =	vor.u32 v51, v27;
	v57 =	vor.u32 v63, v22;
	[tilespmem:v59+s13+$0x0] =	vst.idx.msk $0xffff, v39  }
0x226: {  	v29 =	vor.u32 v38, v19;
	v58 =	vld.idx.msk [tilespmem:v49+s10+$0x0], $0xffff;
	v38 =	vshll.u32 v38, $0x9;
	[tilespmem:v61+s13+$0x0] =	vst.idx.msk $0xffff, v33;
	v33 =	vor.u32 $0x100, v55  }
0x227: {  	v32 =	vshll.u32 v63, $0x9;
	v38 =	vor.u32 $0x100, v38;
	v41 =	vld.idx.msk [tilespmem:v62+s10+$0x0], $0xffff;
	v59 =	vor.u32 v26, v33  }
0x228: {  	v32 =	vor.u32 $0x100, v32;
	[tilespmem:v54+s13+$0x0] =	vst.idx.msk $0xffff, v60;
	v61 =	vor.u32 v18, v38;
	v56 =	vld.idx.msk [tilespmem:v56+s10+$0x0], $0xffff  }
0x229: {  	v63 =	vor.u32 v20, v32;
	v39 =	vor.u32 s19, v9;
	[tilespmem:v40+s13+$0x0] =	vst.idx.msk $0xffff, v36;
	v60 =	vld.idx.msk [tilespmem:v50+s10+$0x0], $0xffff  }
0x22a: {  	v32 =	vor.u32 v21, v32;
	v62 =	vor.u32 s20, v3;
	v52 =	vor.u32 v39, v16;
	v48 =	vld.idx.msk [tilespmem:v57+s10+$0x0], $0xffff  }
0x22b: {  	[tilespmem:v28+s13+$0x0] =	vst.idx.msk $0xffff, v58;
	v28 =	vor.u32 v17, v38;
	v58 =	vshll.u32 v51, $0x9;
	v54 =	vor.u32 v62, v23  }
0x22c: {  	v55 =	vor.u32 v39, v19;
	v57 =	vor.u32 v45, v25;
	v39 =	vshll.u32 v39, $0x9;
	[tilespmem:v59+s13+$0x0] =	vst.idx.msk $0xffff, v41  }
0x22d: {  	v29 =	vld.idx.msk [tilespmem:v29+s10+$0x0], $0xffff;
	v53 =	vor.u32 v62, v22;
	v36 =	vshll.u32 v62, $0x9;
	v39 =	vor.u32 $0x100, v39;
	[tilespmem:v61+s13+$0x0] =	vst.idx.msk $0xffff, v56  }
0x22e: {  	v41 =	vor.u32 v24, v34;
	v34 =	vor.u32 $0x100, v58;
	[tilespmem:v63+s13+$0x0] =	vst.idx.msk $0xffff, v60;
	v60 =	vor.u32 v18, v39  }
0x22f: {  	v59 =	vor.u32 s19, v10;
	[tilespmem:v32+s13+$0x0] =	vst.idx.msk $0xffff, v48;
	v40 =	vld.idx.msk [tilespmem:v52+s10+$0x0], $0xffff;
	v42 =	vor.u32 v26, v34;
	v26 =	vor.u32 $0x100, v36  }
0x230: {  	v32 =	vor.u32 s20, v4;
	v36 =	vld.idx.msk [tilespmem:v54+s10+$0x0], $0xffff;
	v62 =	vor.u32 v59, v16;
	v61 =	vor.u32 v20, v26  }
0x231: {  	v27 =	vld.idx.msk [tilespmem:v27+s10+$0x0], $0xffff;
	v63 =	vor.u32 v32, v23  }
0x232: {  	[tilespmem:v31+s13+$0x0] =	vst.idx.msk $0xffff, v30;
	v30 =	vld.idx.msk [tilespmem:v53+s10+$0x0], $0xffff;
	v31 =	vor.u32 v21, v26  }
0x233: {  	[tilespmem:v28+s13+$0x0] =	vst.idx.msk $0xffff, v29;
	v28 =	vor.u32 v17, v39;
	v29 =	vld.idx.msk [tilespmem:v57+s10+$0x0], $0xffff;
	v56 =	vor.u32 v32, v22  }
0x234: {  	v57 =	vor.u32 v59, v19;
	v58 =	vld.idx.msk [tilespmem:v55+s10+$0x0], $0xffff;
	v59 =	vshll.u32 v59, $0x9;
	[tilespmem:v60+s13+$0x0] =	vst.idx.msk $0xffff, v40  }
0x235: {  	v52 =	vor.u32 v35, v25;
	v32 =	vshll.u32 v32, $0x9;
	v60 =	vor.u32 $0x100, v59;
	[tilespmem:v61+s13+$0x0] =	vst.idx.msk $0xffff, v36;
	v61 =	vld.idx.msk [tilespmem:v62+s10+$0x0], $0xffff  }
0x236: {  	[tilespmem:v42+s13+$0x0] =	vst.idx.msk $0xffff, v27;
	v27 =	vor.u32 $0x100, v32;
	v62 =	vor.u32 v18, v60;
	v37 =	vld.idx.msk [tilespmem:v63+s10+$0x0], $0xffff;
	v63 =	vor.u32 s19, v11  }
0x237: {  	v38 =	vor.u32 s20, v5;
	[tilespmem:v31+s13+$0x0] =	vst.idx.msk $0xffff, v30;
	v39 =	vor.u32 v20, v27;
	v30 =	vor.u32 v63, v16  }
0x238: {  	v25 =	vor.u32 v51, v25;
	v26 =	vor.u32 v24, v33;
	v40 =	vor.u32 v38, v23  }
0x239: {  	v24 =	vor.u32 v24, v34;
	[tilespmem:v28+s13+$0x0] =	vst.idx.msk $0xffff, v58;
	v36 =	vor.u32 v21, v27;
	v35 =	vld.idx.msk [tilespmem:v56+s10+$0x0], $0xffff  }
0x23a: {  	v34 =	vor.u32 v38, v22;
	[tilespmem:v41+s13+$0x0] =	vst.idx.msk $0xffff, v29;
	v32 =	vor.u32 v17, v60;
	v33 =	vld.idx.msk [tilespmem:v57+s10+$0x0], $0xffff  }
0x23b: {  	s23 =	simm.s32 $0x60;
	s22 =	simm.s32 $0x4;
	v27 =	vld.idx.msk [tilespmem:v52+s10+$0x0], $0xffff;
	v31 =	vor.u32 v63, v19;
	v28 =	vshll.u32 v63, $0x9;
	[tilespmem:v62+s13+$0x0] =	vst.idx.msk $0xffff, v61  }
.LBB2_8:
0x23c: {  	s25 =	sand.u32 $0x60, s23;
	s22 =	sadd.s32 $0x2, s22;
	v29 =	vshll.u32 v38, $0x9;
	[tilespmem:v39+s13+$0x0] =	vst.idx.msk $0xffff, v37;
	v37 =	vor.u32 $0x100, v28;
	v38 =	vor.u32 s19, v12;
	v39 =	vld.idx.msk [tilespmem:v30+s10+$0x0], $0xffff  }
0x23d: {  	v41 =	vor.u32 s20, v7;
	s21 =	sadd.s32 $0x4, s21;
	s26 =	sor.u32 $0x10, s25;
	p0 =	slt.u32 s22, $0x3E;
	v29 =	vor.u32 $0x100, v29;
	v40 =	vld.idx.msk [tilespmem:v40+s10+$0x0], $0xffff;
	v42 =	vor.u32 v18, v37  }
0x23e: {  	s24 =	sand.u32 $0x70, s21;
	v30 =	vor.u32 s26, v0;
	[tilespmem:v36+s13+$0x0] =	vst.idx.msk $0xffff, v35;
	v35 =	vor.u32 v20, v29;
	v36 =	vor.u32 v38, v16  }
0x23f: {  	v45 =	vor.u32 v41, v23;
	v43 =	vor.u32 s24, v0;
	v44 =	vshll.u32 v30, $0x7;
	v34 =	vld.idx.msk [tilespmem:v34+s10+$0x0], $0xffff  }
0x240: {  	v28 =	vor.u32 s25, v0;
	v47 =	vor.u32 v21, v29;
	v46 =	vor.u32 v43, v44;
	[tilespmem:v32+s13+$0x0] =	vst.idx.msk $0xffff, v33  }
0x241: {  	v29 =	vshll.u32 v28, $0x7;
	v32 =	vor.u32 v41, v22;
	v33 =	vor.u32 v17, v37;
	v31 =	vld.idx.msk [tilespmem:v31+s10+$0x0], $0xffff  }
0x242: {  	v49 =	vor.u32 s19, v13;
	v48 =	vshll.u32 v38, $0x9;
	v37 =	vor.u32 v43, v29;
	[tilespmem:v42+s13+$0x0] =	vst.idx.msk $0xffff, v39  }
0x243: {  	v39 =	vshll.u32 v41, $0x9;
	v41 =	vor.u32 s20, v8;
	[tilespmem:v35+s13+$0x0] =	vst.idx.msk $0xffff, v40;
	v35 =	vor.u32 $0x100, v48;
	v36 =	vld.idx.msk [tilespmem:v36+s10+$0x0], $0xffff  }
0x244: {  	v40 =	vshll.u32 v43, $0x9;
	v39 =	vor.u32 $0x100, v39;
	v42 =	vld.idx.msk [tilespmem:v45+s10+$0x0], $0xffff;
	v43 =	vor.u32 v18, v35;
	[tilespmem:v26+s13+$0x0] =	vst.idx.msk $0xffff, v27  }
0x245: {  	v26 =	vor.u32 $0x100, v40;
	v45 =	vor.u32 v20, v39;
	v40 =	vld.idx.msk [tilespmem:v46+s10+$0x0], $0xffff;
	v46 =	vor.u32 v49, v16  }
0x246: {  	v48 =	vor.u32 s24, v1;
	v50 =	vor.u32 v30, v26;
	[tilespmem:v47+s13+$0x0] =	vst.idx.msk $0xffff, v34;
	v34 =	vor.u32 v41, v23  }
0x247: {  	v51 =	vor.u32 v48, v44;
	v26 =	vor.u32 v28, v26;
	v47 =	vor.u32 v48, v29;
	v37 =	vld.idx.msk [tilespmem:v37+s10+$0x0], $0xffff  }
0x248: {  	v52 =	vor.u32 v41, v22;
	v39 =	vor.u32 v21, v39;
	v32 =	vld.idx.msk [tilespmem:v32+s10+$0x0], $0xffff;
	[tilespmem:v33+s13+$0x0] =	vst.idx.msk $0xffff, v31  }
0x249: {  	v31 =	vor.u32 v38, v19;
	v33 =	vshll.u32 v49, $0x9;
	v38 =	vor.u32 s19, v14;
	[tilespmem:v43+s13+$0x0] =	vst.idx.msk $0xffff, v36;
	v27 =	vld.idx.msk [tilespmem:v25+s10+$0x0], $0xffff  }
0x24a: {  	v25 =	vshll.u32 v41, $0x9;
	v36 =	vor.u32 s20, v6;
	v33 =	vor.u32 $0x100, v33;
	[tilespmem:v45+s13+$0x0] =	vst.idx.msk $0xffff, v42;
	v41 =	vld.idx.msk [tilespmem:v46+s10+$0x0], $0xffff  }
0x24b: {  	v42 =	vshll.u32 v48, $0x9;
	v25 =	vor.u32 $0x100, v25;
	[tilespmem:v50+s13+$0x0] =	vst.idx.msk $0xffff, v40;
	v34 =	vld.idx.msk [tilespmem:v34+s10+$0x0], $0xffff;
	v40 =	vor.u32 v18, v33  }
0x24c: {  	v46 =	vor.u32 v38, v16;
	v42 =	vor.u32 $0x100, v42;
	v45 =	vor.u32 v20, v25;
	v43 =	vld.idx.msk [tilespmem:v51+s10+$0x0], $0xffff  }
0x24d: {  	v48 =	vor.u32 v36, v23;
	[tilespmem:v26+s13+$0x0] =	vst.idx.msk $0xffff, v37;
	v26 =	vor.u32 s24, v2;
	v37 =	vor.u32 v30, v42  }
0x24e: {  	v42 =	vor.u32 v28, v42;
	v47 =	vld.idx.msk [tilespmem:v47+s10+$0x0], $0xffff;
	v50 =	vor.u32 v26, v29;
	v51 =	vor.u32 v26, v44  }
0x24f: {  	v25 =	vor.u32 v21, v25;
	[tilespmem:v39+s13+$0x0] =	vst.idx.msk $0xffff, v32;
	v32 =	vor.u32 v36, v22;
	v31 =	vld.idx.msk [tilespmem:v31+s10+$0x0], $0xffff  }
0x250: {  	v53 =	vor.u32 s19, v15;
	v35 =	vor.u32 v17, v35;
	s19 =	smov.u32 s20;
	s20 =	smov.u32 s24;
	v39 =	vld.idx.msk [tilespmem:v52+s10+$0x0], $0xffff;
	v52 =	vshll.u32 v38, $0x9;
	[tilespmem:v40+s13+$0x0] =	vst.idx.msk $0xffff, v41  }
0x251: {  	v36 =	vshll.u32 v36, $0x9;
	v40 =	vor.u32 s19, v9;
	[tilespmem:v45+s13+$0x0] =	vst.idx.msk $0xffff, v34;
	v34 =	vor.u32 $0x100, v52;
	v41 =	vld.idx.msk [tilespmem:v46+s10+$0x0], $0xffff  }
0x252: {  	v26 =	vshll.u32 v26, $0x9;
	v36 =	vor.u32 $0x100, v36;
	[tilespmem:v37+s13+$0x0] =	vst.idx.msk $0xffff, v43;
	v37 =	vld.idx.msk [tilespmem:v48+s10+$0x0], $0xffff;
	v43 =	vor.u32 v18, v34  }
0x253: {  	v26 =	vor.u32 $0x100, v26;
	v46 =	vor.u32 v20, v36;
	v48 =	vor.u32 v53, v16;
	v16 =	vmovc v23;
	v45 =	vld.idx.msk [tilespmem:v51+s10+$0x0], $0xffff  }
0x254: {  	v51 =	vor.u32 v40, v16;
	[tilespmem:v42+s13+$0x0] =	vst.idx.msk $0xffff, v47;
	v42 =	vor.u32 s20, v3;
	v47 =	vor.u32 v30, v26  }
0x255: {  	v26 =	vor.u32 v28, v26;
	v50 =	vld.idx.msk [tilespmem:v50+s10+$0x0], $0xffff;
	v52 =	vor.u32 v42, v29;
	v54 =	vor.u32 v42, v44  }
0x256: {  	v23 =	vmov v44;
	[tilespmem:v25+s13+$0x0] =	vst.idx.msk $0xffff, v39;
	v25 =	vor.u32 v21, v36;
	v36 =	vor.u32 v40, v22  }
0x257: {  	v44 =	vshll.u32 v53, $0x9;
	v39 =	vor.u32 v49, v19;
	v32 =	vld.idx.msk [tilespmem:v32+s10+$0x0], $0xffff;
	[tilespmem:v43+s13+$0x0] =	vst.idx.msk $0xffff, v41  }
0x258: {  	v40 =	vshll.u32 v40, $0x9;
	v41 =	vor.u32 v17, v33;
	v33 =	vor.u32 $0x100, v44;
	[tilespmem:v46+s13+$0x0] =	vst.idx.msk $0xffff, v37;
	v37 =	vld.idx.msk [tilespmem:v48+s10+$0x0], $0xffff  }
0x259: {  	v42 =	vshll.u32 v42, $0x9;
	v40 =	vor.u32 $0x100, v40;
	v18 =	vor.u32 v18, v33;
	[tilespmem:v47+s13+$0x0] =	vst.idx.msk $0xffff, v45;
	v43 =	vld.idx.msk [tilespmem:v51+s10+$0x0], $0xffff  }
0x25a: {  	v42 =	vor.u32 $0x100, v42;
	v46 =	vor.u32 v20, v40;
	v45 =	vor.u32 s19, v10;
	v44 =	vld.idx.msk [tilespmem:v54+s10+$0x0], $0xffff;
	[tilespmem:v35+s13+$0x0] =	vst.idx.msk $0xffff, v31  }
0x25b: {  	v31 =	vor.u32 s20, v4;
	v35 =	vor.u32 v30, v42;
	v47 =	vor.u32 v45, v16;
	[tilespmem:v26+s13+$0x0] =	vst.idx.msk $0xffff, v50  }
0x25c: {  	v42 =	vor.u32 v28, v42;
	v49 =	vor.u32 v31, v29;
	v50 =	vor.u32 v31, v23;
	v48 =	vld.idx.msk [tilespmem:v52+s10+$0x0], $0xffff  }
0x25d: {  	v51 =	vor.u32 v45, v22;
	[tilespmem:v25+s13+$0x0] =	vst.idx.msk $0xffff, v32;
	v32 =	vor.u32 v21, v40;
	v52 =	vld.idx.msk [tilespmem:v39+s10+$0x0], $0xffff  }
0x25e: {  	v55 =	vor.u32 v38, v19;
	v26 =	vor.u32 v17, v34;
	v54 =	vld.idx.msk [tilespmem:v36+s10+$0x0], $0xffff;
	[tilespmem:v18+s13+$0x0] =	vst.idx.msk $0xffff, v37  }
0x25f: {  	v34 =	vshll.u32 v45, $0x9;
	v25 =	vor.u32 v53, v19;
	[tilespmem:v46+s13+$0x0] =	vst.idx.msk $0xffff, v43;
	v43 =	vor.u32 v17, v33  }
0x260: {  	v19 =	vor.u32 $0x100, v34;
	v18 =	vmovc v20;
	v20 =	vmov v30;
	v17 =	vshll.u32 v31, $0x9;
	[tilespmem:v35+s13+$0x0] =	vst.idx.msk $0xffff, v44;
	v44 =	vld.idx.msk [tilespmem:v47+s10+$0x0], $0xffff  }
0x261: {  	v45 =	vor.u32 s19, v11;
	v46 =	vor.u32 v18, v19;
	v17 =	vor.u32 $0x100, v17;
	v37 =	vld.idx.msk [tilespmem:v50+s10+$0x0], $0xffff;
	[tilespmem:v24+s13+$0x0] =	vst.idx.msk $0xffff, v27  }
.Ltmp3:
0x262: {  	v38 =	vor.u32 s20, v5;
	v30 =	vor.u32 v45, v16;
	v39 =	vor.u32 v20, v17;
	[tilespmem:v42+s13+$0x0] =	vst.idx.msk $0xffff, v48;
	(pc) =	sbr.rel @p0 .LBB2_8-.Ltmp3, $4  }
0x263: {  	v34 =	vor.u32 v38, v29;
	v40 =	vor.u32 v38, v23;
	v36 =	vor.u32 v28, v17;
	v35 =	vld.idx.msk [tilespmem:v49+s10+$0x0], $0xffff  }
0x264: {  	v31 =	vor.u32 v45, v22;
	v17 =	vmov v21;
	[tilespmem:v32+s13+$0x0] =	vst.idx.msk $0xffff, v54;
	v32 =	vor.u32 v21, v19  }
0x265: {  	v24 =	vmovc v43;
	v21 =	vmov v28;
	v19 =	vmov v22;
	v22 =	vmov v29;
	v33 =	vld.idx.msk [tilespmem:v51+s10+$0x0], $0xffff;
	[tilespmem:v41+s13+$0x0] =	vst.idx.msk $0xffff, v52  }
0x266: {  	s23 =	sadd.s32 $0x20, s23;
	v28 =	vshll.u32 v45, $0x9;
	[tilespmem:v46+s13+$0x0] =	vst.idx.msk $0xffff, v44;
	v27 =	vld.idx.msk [tilespmem:v55+s10+$0x0], $0xffff  }
0x267: {  	_ =	sdelay $0x2  }
0x268: {  	v29 =	vshll.u32 v38, $0x9  }
0x269: {  	[tilespmem:v39+s13+$0x0] =	vst.idx.msk $0xffff, v37;
	v29 =	vor.u32 $0x100, v29  }
0x26a: {  	v43 =	vor.u32 s20, v7;
	v44 =	vld.idx.msk [tilespmem:v40+s10+$0x0], $0xffff;
	[tilespmem:v36+s13+$0x0] =	vst.idx.msk $0xffff, v35;
	v45 =	vor.u32 v20, v29  }
0x26b: {  	v46 =	vor.u32 v43, v23;
	v34 =	vld.idx.msk [tilespmem:v34+s10+$0x0], $0xffff;
	v29 =	vor.u32 v21, v29  }
0x26c: {  	v47 =	vor.u32 v43, v22;
	_ =	sdelay $0x1  }
0x26d: {  	v37 =	vshll.u32 v43, $0x9  }
0x26e: {  	v37 =	vor.u32 $0x100, v37;
	[tilespmem:v45+s13+$0x0] =	vst.idx.msk $0xffff, v44  }
0x26f: {  	v48 =	vor.u32 s20, v8;
	v49 =	vor.u32 v20, v37;
	[tilespmem:v29+s13+$0x0] =	vst.idx.msk $0xffff, v34;
	v35 =	vld.idx.msk [tilespmem:v46+s10+$0x0], $0xffff  }
0x270: {  	v50 =	vor.u32 v21, v37;
	v29 =	vor.u32 v48, v23;
	v34 =	vld.idx.msk [tilespmem:v47+s10+$0x0], $0xffff  }
0x271: {  	v51 =	vor.u32 v48, v22;
	_ =	sdelay $0x1  }
0x272: {  	v38 =	vshll.u32 v48, $0x9  }
0x273: {  	v52 =	vor.u32 $0x100, v38;
	[tilespmem:v49+s13+$0x0] =	vst.idx.msk $0xffff, v35  }
0x274: {  	v53 =	vor.u32 s20, v6;
	v54 =	vor.u32 v20, v52;
	[tilespmem:v50+s13+$0x0] =	vst.idx.msk $0xffff, v34;
	v29 =	vld.idx.msk [tilespmem:v29+s10+$0x0], $0xffff  }
0x275: {  	v55 =	vor.u32 v53, v23;
	v56 =	vor.u32 v21, v52;
	v57 =	vld.idx.msk [tilespmem:v51+s10+$0x0], $0xffff  }
0x276: {  	v58 =	vor.u32 v53, v22;
	_ =	sdelay $0x1  }
0x277: {  	v59 =	vshll.u32 v53, $0x9  }
0x278: {  	[tilespmem:v54+s13+$0x0] =	vst.idx.msk $0xffff, v29;
	v29 =	vor.u32 $0x100, v59  }
0x279: {  	v60 =	vor.u32 s20, v9;
	[tilespmem:v56+s13+$0x0] =	vst.idx.msk $0xffff, v57;
	v61 =	vld.idx.msk [tilespmem:v55+s10+$0x0], $0xffff;
	v62 =	vor.u32 v20, v29  }
0x27a: {  	v63 =	vor.u32 v60, v23;
	v29 =	vor.u32 v21, v29;
	v34 =	vld.idx.msk [tilespmem:v58+s10+$0x0], $0xffff  }
0x27b: {  	v44 =	vor.u32 v60, v22;
	_ =	sdelay $0x1  }
0x27c: {  	v45 =	vshll.u32 v60, $0x9  }
0x27d: {  	v36 =	vor.u32 $0x100, v45;
	[tilespmem:v62+s13+$0x0] =	vst.idx.msk $0xffff, v61  }
0x27e: {  	v47 =	vor.u32 s20, v10;
	v48 =	vor.u32 v20, v36;
	[tilespmem:v29+s13+$0x0] =	vst.idx.msk $0xffff, v34;
	v46 =	vld.idx.msk [tilespmem:v63+s10+$0x0], $0xffff  }
0x27f: {  	v49 =	vor.u32 v47, v23;
	v29 =	vor.u32 v21, v36;
	v34 =	vld.idx.msk [tilespmem:v44+s10+$0x0], $0xffff  }
0x280: {  	v50 =	vor.u32 v47, v22;
	_ =	sdelay $0x1  }
0x281: {  	v51 =	vshll.u32 v47, $0x9  }
0x282: {  	v36 =	vor.u32 $0x100, v51;
	[tilespmem:v48+s13+$0x0] =	vst.idx.msk $0xffff, v46  }
0x283: {  	v52 =	vor.u32 s20, v11;
	v53 =	vor.u32 v20, v36;
	[tilespmem:v29+s13+$0x0] =	vst.idx.msk $0xffff, v34;
	v37 =	vld.idx.msk [tilespmem:v49+s10+$0x0], $0xffff  }
0x284: {  	v54 =	vor.u32 v52, v23;
	v29 =	vor.u32 v21, v36;
	v34 =	vld.idx.msk [tilespmem:v50+s10+$0x0], $0xffff  }
0x285: {  	v28 =	vor.u32 $0x100, v28;
	v55 =	vor.u32 v52, v22  }
0x286: {  	v30 =	vld.idx.msk [tilespmem:v30+s10+$0x0], $0xffff;
	v41 =	vor.u32 v18, v28;
	[tilespmem:v32+s13+$0x0] =	vst.idx.msk $0xffff, v33  }
0x287: {  	v28 =	vor.u32 v17, v28;
	v38 =	vshll.u32 v52, $0x9;
	v31 =	vld.idx.msk [tilespmem:v31+s10+$0x0], $0xffff;
	v56 =	vor.u32 s19, v12  }
0x288: {  	v57 =	vor.u32 $0x100, v38;
	v42 =	vor.u32 v56, v16;
	v58 =	vor.u32 s20, v12;
	[tilespmem:v53+s13+$0x0] =	vst.idx.msk $0xffff, v37  }
0x289: {  	v38 =	vor.u32 v20, v57;
	v61 =	vor.u32 v56, v19;
	[tilespmem:v29+s13+$0x0] =	vst.idx.msk $0xffff, v34;
	v59 =	vld.idx.msk [tilespmem:v54+s10+$0x0], $0xffff  }
0x28a: {  	v60 =	vor.u32 v58, v23;
	v62 =	vor.u32 v21, v57;
	v35 =	vld.idx.msk [tilespmem:v55+s10+$0x0], $0xffff  }
0x28b: {  	[tilespmem:v41+s13+$0x0] =	vst.idx.msk $0xffff, v30;
	v30 =	vor.u32 v58, v22;
	v29 =	vshll.u32 v56, $0x9  }
0x28c: {  	[tilespmem:v28+s13+$0x0] =	vst.idx.msk $0xffff, v31;
	v28 =	vor.u32 s20, v13;
	v32 =	vshll.u32 v58, $0x9;
	v29 =	vor.u32 $0x100, v29  }
0x28d: {  	v32 =	vor.u32 $0x100, v32;
	v45 =	vld.idx.msk [tilespmem:v42+s10+$0x0], $0xffff;
	v63 =	vor.u32 s19, v13;
	v46 =	vor.u32 v18, v29  }
0x28e: {  	v47 =	vor.u32 v63, v16;
	v34 =	vld.idx.msk [tilespmem:v61+s10+$0x0], $0xffff;
	v29 =	vor.u32 v17, v29;
	[tilespmem:v38+s13+$0x0] =	vst.idx.msk $0xffff, v59  }
0x28f: {  	v51 =	vor.u32 v63, v19;
	v48 =	vor.u32 v20, v32;
	[tilespmem:v62+s13+$0x0] =	vst.idx.msk $0xffff, v35;
	v31 =	vld.idx.msk [tilespmem:v60+s10+$0x0], $0xffff  }
0x290: {  	v32 =	vor.u32 v21, v32;
	v49 =	vor.u32 v28, v23;
	v30 =	vld.idx.msk [tilespmem:v30+s10+$0x0], $0xffff  }
0x291: {  	v52 =	vor.u32 v28, v22;
	v50 =	vshll.u32 v63, $0x9;
	v28 =	vshll.u32 v28, $0x9  }
0x292: {  	v28 =	vor.u32 $0x100, v28;
	v53 =	vor.u32 s19, v14;
	v35 =	vor.u32 $0x100, v50;
	[tilespmem:v46+s13+$0x0] =	vst.idx.msk $0xffff, v45  }
0x293: {  	v56 =	vor.u32 v20, v28;
	v54 =	vor.u32 v18, v35;
	[tilespmem:v29+s13+$0x0] =	vst.idx.msk $0xffff, v34;
	v40 =	vld.idx.msk [tilespmem:v47+s10+$0x0], $0xffff  }
0x294: {  	v55 =	vor.u32 v53, v16;
	v57 =	vor.u32 v17, v35;
	v58 =	vld.idx.msk [tilespmem:v51+s10+$0x0], $0xffff;
	[tilespmem:v48+s13+$0x0] =	vst.idx.msk $0xffff, v31  }
0x295: {  	v29 =	vor.u32 s20, v14;
	v60 =	vor.u32 v53, v19;
	[tilespmem:v32+s13+$0x0] =	vst.idx.msk $0xffff, v30;
	v31 =	vld.idx.msk [tilespmem:v49+s10+$0x0], $0xffff  }
0x296: {  	v28 =	vor.u32 v21, v28;
	v59 =	vor.u32 v29, v23;
	v37 =	vld.idx.msk [tilespmem:v52+s10+$0x0], $0xffff  }
0x297: {  	v62 =	vor.u32 s19, v15;
	v61 =	vor.u32 v29, v22;
	v30 =	vshll.u32 v53, $0x9  }
0x298: {  	v16 =	vor.u32 v62, v16;
	v19 =	vor.u32 v62, v19;
	[tilespmem:v54+s13+$0x0] =	vst.idx.msk $0xffff, v40;
	v30 =	vor.u32 $0x100, v30  }
0x299: {  	v29 =	vshll.u32 v29, $0x9;
	[tilespmem:v57+s13+$0x0] =	vst.idx.msk $0xffff, v58;
	v40 =	vld.idx.msk [tilespmem:v55+s10+$0x0], $0xffff;
	v63 =	vor.u32 v18, v30  }
0x29a: {  	v29 =	vor.u32 $0x100, v29;
	v30 =	vor.u32 v17, v30;
	v32 =	vld.idx.msk [tilespmem:v60+s10+$0x0], $0xffff;
	[tilespmem:v56+s13+$0x0] =	vst.idx.msk $0xffff, v31  }
0x29b: {  	v42 =	vor.u32 v20, v29;
	v31 =	vor.u32 s20, v15;
	[tilespmem:v28+s13+$0x0] =	vst.idx.msk $0xffff, v37;
	v33 =	vld.idx.msk [tilespmem:v59+s10+$0x0], $0xffff  }
0x29c: {  	v29 =	vor.u32 v21, v29;
	v23 =	vor.u32 v31, v23;
	v43 =	vld.idx.msk [tilespmem:v61+s10+$0x0], $0xffff  }
0x29d: {  	[tilespmem:v26+s13+$0x0] =	vst.idx.msk $0xffff, v27;
	v28 =	vshll.u32 v62, $0x9;
	v22 =	vor.u32 v31, v22  }
0x29e: {  	v25 =	vld.idx.msk [tilespmem:v25+s10+$0x0], $0xffff;
	[tilespmem:v63+s13+$0x0] =	vst.idx.msk $0xffff, v40;
	v28 =	vor.u32 $0x100, v28  }
0x29f: {  	v26 =	vshll.u32 v31, $0x9;
	[tilespmem:v30+s13+$0x0] =	vst.idx.msk $0xffff, v32;
	v16 =	vld.idx.msk [tilespmem:v16+s10+$0x0], $0xffff;
	v18 =	vor.u32 v18, v28  }
0x2a0: {  	v26 =	vor.u32 $0x100, v26;
	v17 =	vor.u32 v17, v28;
	v19 =	vld.idx.msk [tilespmem:v19+s10+$0x0], $0xffff;
	[tilespmem:v42+s13+$0x0] =	vst.idx.msk $0xffff, v33  }
0x2a1: {  	s24 =	simm.s32 $0x0;
	v20 =	vor.u32 v20, v26;
	[tilespmem:v29+s13+$0x0] =	vst.idx.msk $0xffff, v43;
	v23 =	vld.idx.msk [tilespmem:v23+s10+$0x0], $0xffff  }
0x2a2: {  	s25 =	sand.u32 $0x60, s24;
	v21 =	vor.u32 v21, v26;
	v22 =	vld.idx.msk [tilespmem:v22+s10+$0x0], $0xffff  }
0x2a3: {  	s21 =	sor.u32 $0x10, s25;
	[tilespmem:v24+s13+$0x0] =	vst.idx.msk $0xffff, v25  }
0x2a4: {  	s22 =	sand.u32 $0x70, s24;
	v26 =	vor.u32 s21, v0;
	[tilespmem:v18+s13+$0x0] =	vst.idx.msk $0xffff, v16  }
0x2a5: {  	v27 =	vshll.u32 v26, $0x7;
	v16 =	vor.u32 s22, v0;
	[tilespmem:v17+s13+$0x0] =	vst.idx.msk $0xffff, v19  }
0x2a6: {  	v24 =	vor.u32 s25, v0;
	v17 =	vor.u32 v16, v27;
	[tilespmem:v20+s13+$0x0] =	vst.idx.msk $0xffff, v23  }
0x2a7: {  	v25 =	vshll.u32 v24, $0x7;
	[tilespmem:v21+s13+$0x0] =	vst.idx.msk $0xffff, v22  }
0x2a8: {  	v18 =	vshll.u32 v16, $0x9;
	v16 =	vor.u32 v16, v25;
	_ =	swait.ge [sflag:s15], $0x4000  }
0x2a9: {  	[sflag:s15] =	ssyncset.done $0x0  }
0x2aa: {  	v18 =	vor.u32 $0x180, v18;
	[sflag:s15] =	ssyncadd.s32 $0xFFFFC000  }
0x2ab: {  	v19 =	vor.u32 s22, v1;
	v20 =	vor.u32 v26, v18;
	v17 =	vld.idx.msk [tilespmem:v17+s11+$0x0], $0xffff  }
0x2ac: {  	v21 =	vor.u32 v19, v27  }
0x2ad: {  	v18 =	vor.u32 v24, v18;
	v16 =	vld.idx.msk [tilespmem:v16+s11+$0x0], $0xffff  }
0x2ae: {  	v22 =	vshll.u32 v19, $0x9;
	v19 =	vor.u32 v19, v25;
	_ =	sdelay $0x1  }
0x2af: {  	[tilespmem:v20+s13+$0x0] =	vst.idx.msk $0xffff, v17;
	v17 =	vor.u32 $0x180, v22  }
0x2b0: {  	v20 =	vld.idx.msk [tilespmem:v21+s11+$0x0], $0xffff;
	v21 =	vor.u32 s22, v2;
	v22 =	vor.u32 v26, v17  }
0x2b1: {  	[tilespmem:v18+s13+$0x0] =	vst.idx.msk $0xffff, v16;
	v23 =	vor.u32 v21, v27  }
0x2b2: {  	v16 =	vld.idx.msk [tilespmem:v19+s11+$0x0], $0xffff;
	v17 =	vor.u32 v24, v17  }
0x2b3: {  	v19 =	vor.u32 v21, v25  }
0x2b4: {  	v18 =	vshll.u32 v21, $0x9  }
0x2b5: {  	v18 =	vor.u32 $0x180, v18;
	[tilespmem:v22+s13+$0x0] =	vst.idx.msk $0xffff, v20  }
0x2b6: {  	v21 =	vor.u32 s22, v3;
	v22 =	vor.u32 v26, v18;
	v20 =	vld.idx.msk [tilespmem:v23+s11+$0x0], $0xffff  }
0x2b7: {  	[tilespmem:v17+s13+$0x0] =	vst.idx.msk $0xffff, v16;
	v23 =	vor.u32 v21, v27  }
0x2b8: {  	v17 =	vor.u32 v24, v18;
	v16 =	vld.idx.msk [tilespmem:v19+s11+$0x0], $0xffff  }
0x2b9: {  	v19 =	vor.u32 v21, v25  }
0x2ba: {  	v18 =	vshll.u32 v21, $0x9  }
0x2bb: {  	v18 =	vor.u32 $0x180, v18;
	[tilespmem:v22+s13+$0x0] =	vst.idx.msk $0xffff, v20  }
0x2bc: {  	v21 =	vor.u32 s22, v4;
	v22 =	vor.u32 v26, v18;
	v20 =	vld.idx.msk [tilespmem:v23+s11+$0x0], $0xffff  }
0x2bd: {  	[tilespmem:v17+s13+$0x0] =	vst.idx.msk $0xffff, v16;
	v23 =	vor.u32 v21, v27  }
0x2be: {  	v17 =	vor.u32 v24, v18;
	v16 =	vld.idx.msk [tilespmem:v19+s11+$0x0], $0xffff  }
0x2bf: {  	v19 =	vor.u32 v21, v25  }
0x2c0: {  	v18 =	vshll.u32 v21, $0x9  }
0x2c1: {  	v18 =	vor.u32 $0x180, v18;
	[tilespmem:v22+s13+$0x0] =	vst.idx.msk $0xffff, v20  }
0x2c2: {  	v21 =	vor.u32 s22, v5;
	v22 =	vor.u32 v26, v18;
	v20 =	vld.idx.msk [tilespmem:v23+s11+$0x0], $0xffff  }
0x2c3: {  	[tilespmem:v17+s13+$0x0] =	vst.idx.msk $0xffff, v16;
	v23 =	vor.u32 v21, v27  }
0x2c4: {  	v29 =	vor.u32 v24, v18;
	v28 =	vld.idx.msk [tilespmem:v19+s11+$0x0], $0xffff  }
0x2c5: {  	s26 =	simm.s32 $0x20;
	v16 =	vshll.u32 v21, $0x9;
	v21 =	vor.u32 v21, v25  }
0x2c6: {  	s28 =	sand.u32 $0x60, s26  }
0x2c7: {  	s30 =	simm.s32 $0x4;
	s29 =	sor.u32 $0x10, s28;
	[tilespmem:v22+s13+$0x0] =	vst.idx.msk $0xffff, v20;
	v20 =	vor.u32 $0x180, v16  }
0x2c8: {  	s19 =	sand.u32 $0x70, s30;
	v18 =	vor.u32 s29, v0;
	v22 =	vor.u32 s22, v7;
	v23 =	vld.idx.msk [tilespmem:v23+s11+$0x0], $0xffff;
	v30 =	vor.u32 v26, v20  }
0x2c9: {  	v31 =	vor.u32 s19, v0;
	v16 =	vshll.u32 v18, $0x7;
	[tilespmem:v29+s13+$0x0] =	vst.idx.msk $0xffff, v28;
	v44 =	vor.u32 v22, v27  }
0x2ca: {  	v17 =	vor.u32 s28, v0;
	v45 =	vor.u32 v31, v16;
	v20 =	vor.u32 v24, v20;
	v21 =	vld.idx.msk [tilespmem:v21+s11+$0x0], $0xffff  }
0x2cb: {  	v19 =	vshll.u32 v17, $0x7;
	v29 =	vshll.u32 v22, $0x9;
	v22 =	vor.u32 v22, v25  }
0x2cc: {  	v28 =	vor.u32 v31, v19  }
0x2cd: {  	v47 =	vor.u32 s19, v1;
	v29 =	vor.u32 $0x180, v29;
	[tilespmem:v30+s13+$0x0] =	vst.idx.msk $0xffff, v23;
	v23 =	vshll.u32 v31, $0x9  }
0x2ce: {  	v46 =	vor.u32 v26, v29;
	v30 =	vor.u32 s22, v8;
	v31 =	vld.idx.msk [tilespmem:v44+s11+$0x0], $0xffff;
	v23 =	vor.u32 $0x180, v23  }
0x2cf: {  	v33 =	vld.idx.msk [tilespmem:v45+s11+$0x0], $0xffff;
	[tilespmem:v20+s13+$0x0] =	vst.idx.msk $0xffff, v21;
	v49 =	vor.u32 v30, v27;
	v48 =	vor.u32 v18, v23  }
0x2d0: {  	v50 =	vor.u32 v47, v16;
	v21 =	vor.u32 v24, v29;
	v22 =	vld.idx.msk [tilespmem:v22+s11+$0x0], $0xffff  }
0x2d1: {  	v28 =	vld.idx.msk [tilespmem:v28+s11+$0x0], $0xffff;
	v29 =	vshll.u32 v30, $0x9;
	v30 =	vor.u32 v30, v25;
	v23 =	vor.u32 v17, v23  }
0x2d2: {  	v20 =	vor.u32 v47, v19  }
0x2d3: {  	v51 =	vor.u32 s22, v6;
	v29 =	vor.u32 $0x180, v29;
	[tilespmem:v46+s13+$0x0] =	vst.idx.msk $0xffff, v31;
	v31 =	vshll.u32 v47, $0x9  }
0x2d4: {  	v54 =	vor.u32 s19, v2;
	v53 =	vor.u32 v26, v29;
	[tilespmem:v48+s13+$0x0] =	vst.idx.msk $0xffff, v33;
	v52 =	vld.idx.msk [tilespmem:v49+s11+$0x0], $0xffff;
	v31 =	vor.u32 $0x180, v31  }
0x2d5: {  	v56 =	vor.u32 v51, v27;
	[tilespmem:v21+s13+$0x0] =	vst.idx.msk $0xffff, v22;
	v35 =	vld.idx.msk [tilespmem:v50+s11+$0x0], $0xffff;
	v55 =	vor.u32 v18, v31  }
0x2d6: {  	v21 =	vor.u32 v24, v29;
	[tilespmem:v23+s13+$0x0] =	vst.idx.msk $0xffff, v28;
	v23 =	vor.u32 v54, v16;
	v30 =	vld.idx.msk [tilespmem:v30+s11+$0x0], $0xffff  }
0x2d7: {  	v29 =	vor.u32 v51, v25;
	v20 =	vld.idx.msk [tilespmem:v20+s11+$0x0], $0xffff;
	v28 =	vor.u32 v17, v31  }
0x2d8: {  	v22 =	vshll.u32 v51, $0x9;
	v31 =	vor.u32 v54, v19  }
0x2d9: {  	v58 =	vor.u32 s22, v9;
	v57 =	vshll.u32 v54, $0x9;
	v22 =	vor.u32 $0x180, v22;
	[tilespmem:v53+s13+$0x0] =	vst.idx.msk $0xffff, v52  }
0x2da: {  	v60 =	vor.u32 s19, v3;
	v32 =	vor.u32 $0x180, v57;
	v59 =	vor.u32 v26, v22;
	[tilespmem:v55+s13+$0x0] =	vst.idx.msk $0xffff, v35;
	v34 =	vld.idx.msk [tilespmem:v56+s11+$0x0], $0xffff  }
0x2db: {  	v62 =	vor.u32 v58, v27;
	v61 =	vor.u32 v18, v32;
	[tilespmem:v21+s13+$0x0] =	vst.idx.msk $0xffff, v30;
	v23 =	vld.idx.msk [tilespmem:v23+s11+$0x0], $0xffff  }
0x2dc: {  	v21 =	vor.u32 v24, v22;
	[tilespmem:v28+s13+$0x0] =	vst.idx.msk $0xffff, v20;
	v20 =	vor.u32 v60, v16;
	v29 =	vld.idx.msk [tilespmem:v29+s11+$0x0], $0xffff  }
0x2dd: {  	v30 =	vor.u32 v58, v25;
	v28 =	vld.idx.msk [tilespmem:v31+s11+$0x0], $0xffff;
	v31 =	vor.u32 v17, v32  }
0x2de: {  	v63 =	vor.u32 v60, v19;
	v22 =	vshll.u32 v58, $0x9  }
0x2df: {  	v41 =	vor.u32 s22, v10;
	v40 =	vshll.u32 v60, $0x9;
	v22 =	vor.u32 $0x180, v22;
	[tilespmem:v59+s13+$0x0] =	vst.idx.msk $0xffff, v34  }
0x2e0: {  	v43 =	vor.u32 s19, v4;
	v33 =	vor.u32 $0x180, v40;
	v42 =	vor.u32 v26, v22;
	[tilespmem:v61+s13+$0x0] =	vst.idx.msk $0xffff, v23;
	v23 =	vld.idx.msk [tilespmem:v62+s11+$0x0], $0xffff  }
0x2e1: {  	v45 =	vor.u32 v41, v27;
	v44 =	vor.u32 v18, v33;
	[tilespmem:v21+s13+$0x0] =	vst.idx.msk $0xffff, v29;
	v20 =	vld.idx.msk [tilespmem:v20+s11+$0x0], $0xffff  }
0x2e2: {  	v21 =	vor.u32 v24, v22;
	[tilespmem:v31+s13+$0x0] =	vst.idx.msk $0xffff, v28;
	v28 =	vor.u32 v43, v16;
	v30 =	vld.idx.msk [tilespmem:v30+s11+$0x0], $0xffff  }
0x2e3: {  	v47 =	vor.u32 v43, v19;
	v48 =	vor.u32 s22, v11;
	v46 =	vor.u32 v17, v33;
	v31 =	vld.idx.msk [tilespmem:v63+s11+$0x0], $0xffff  }
0x2e4: {  	v50 =	vor.u32 s19, v5;
	v22 =	vshll.u32 v41, $0x9;
	v29 =	vor.u32 v41, v25  }
0x2e5: {  	v52 =	vor.u32 v48, v27;
	v22 =	vor.u32 $0x180, v22;
	[tilespmem:v42+s13+$0x0] =	vst.idx.msk $0xffff, v23;
	v23 =	vshll.u32 v43, $0x9  }
0x2e6: {  	s21 =	simm.s32 $0x8;
	v54 =	vor.u32 s19, v7;
	v49 =	vor.u32 v26, v22;
	[tilespmem:v44+s13+$0x0] =	vst.idx.msk $0xffff, v20;
	v20 =	vld.idx.msk [tilespmem:v45+s11+$0x0], $0xffff;
	v23 =	vor.u32 $0x180, v23  }
0x2e7: {  	s20 =	sand.u32 $0x70, s21;
	v53 =	vor.u32 v50, v19;
	[tilespmem:v21+s13+$0x0] =	vst.idx.msk $0xffff, v30;
	v28 =	vld.idx.msk [tilespmem:v28+s11+$0x0], $0xffff;
	v51 =	vor.u32 v18, v23  }
0x2e8: {  	v58 =	vor.u32 s20, v0;
	v35 =	vor.u32 s22, v12;
	[tilespmem:v46+s13+$0x0] =	vst.idx.msk $0xffff, v31;
	v31 =	vor.u32 v50, v16  }
0x2e9: {  	v57 =	vor.u32 v35, v27;
	v59 =	vor.u32 v54, v16;
	v22 =	vor.u32 v24, v22;
	v29 =	vld.idx.msk [tilespmem:v29+s11+$0x0], $0xffff  }
0x2ea: {  	v61 =	vor.u32 s19, v8;
	v30 =	vor.u32 v48, v25;
	v21 =	vshll.u32 v48, $0x9  }
0x2eb: {  	s31 =	simm.s32 $0x40;
	v34 =	vor.u32 $0x180, v21;
	v32 =	vld.idx.msk [tilespmem:v47+s11+$0x0], $0xffff;
	v23 =	vor.u32 v17, v23;
	[tilespmem:v49+s13+$0x0] =	vst.idx.msk $0xffff, v20;
	v20 =	vshll.u32 v50, $0x9  }
0x2ec: {  	s23 =	sand.u32 $0x60, s31;
	v37 =	vshll.u32 v61, $0x9;
	v55 =	vor.u32 v26, v34;
	[tilespmem:v51+s13+$0x0] =	vst.idx.msk $0xffff, v28;
	v28 =	vld.idx.msk [tilespmem:v52+s11+$0x0], $0xffff;
	v36 =	vor.u32 $0x180, v20  }
0x2ed: {  	v37 =	vor.u32 $0x180, v37;
	v21 =	vor.u32 s23, v0;
	v31 =	vld.idx.msk [tilespmem:v31+s11+$0x0], $0xffff;
	v56 =	vor.u32 v18, v36  }
0x2ee: {  	s24 =	sor.u32 $0x10, s23;
	v44 =	vshll.u32 v35, $0x9;
	v34 =	vor.u32 v24, v34;
	[tilespmem:v22+s13+$0x0] =	vst.idx.msk $0xffff, v29;
	v22 =	vshll.u32 v21, $0x7  }
0x2ef: {  	v29 =	vor.u32 v54, v19;
	v49 =	vor.u32 v61, v19;
	v20 =	vor.u32 s24, v0  }
0x2f0: {  	v45 =	vor.u32 s22, v13;
	[tilespmem:v23+s13+$0x0] =	vst.idx.msk $0xffff, v32;
	v30 =	vld.idx.msk [tilespmem:v30+s11+$0x0], $0xffff;
	v43 =	vor.u32 v58, v22;
	v23 =	vshll.u32 v20, $0x7  }
0x2f1: {  	v33 =	vld.idx.msk [tilespmem:v53+s11+$0x0], $0xffff;
	v36 =	vor.u32 v17, v36;
	v60 =	vor.u32 v58, v23;
	[tilespmem:v55+s13+$0x0] =	vst.idx.msk $0xffff, v28  }
0x2f2: {  	v32 =	vshll.u32 v58, $0x9;
	v28 =	vshll.u32 v54, $0x9;
	[tilespmem:v56+s13+$0x0] =	vst.idx.msk $0xffff, v31;
	v31 =	vor.u32 $0x180, v44  }
0x2f3: {  	v32 =	vor.u32 $0x180, v32;
	v38 =	vld.idx.msk [tilespmem:v57+s11+$0x0], $0xffff;
	v28 =	vor.u32 $0x180, v28;
	v62 =	vor.u32 v26, v31  }
0x2f4: {  	v53 =	vor.u32 v45, v27;
	v47 =	vor.u32 v20, v32;
	v39 =	vld.idx.msk [tilespmem:v59+s11+$0x0], $0xffff;
	v52 =	vor.u32 v18, v28  }
0x2f5: {  	v32 =	vor.u32 v21, v32;
	v54 =	vor.u32 v61, v16;
	v43 =	vld.idx.msk [tilespmem:v43+s11+$0x0], $0xffff;
	[tilespmem:v34+s13+$0x0] =	vst.idx.msk $0xffff, v30  }
0x2f6: {  	v46 =	vor.u32 s20, v1;
	v51 =	vor.u32 s22, v15;
	v30 =	vor.u32 v35, v25;
	[tilespmem:v36+s13+$0x0] =	vst.idx.msk $0xffff, v33;
	v63 =	vld.idx.msk [tilespmem:v60+s11+$0x0], $0xffff  }
0x2f7: {  	v48 =	vor.u32 v46, v23;
	v57 =	vshll.u32 v45, $0x9;
	v28 =	vor.u32 v17, v28;
	v29 =	vld.idx.msk [tilespmem:v29+s11+$0x0], $0xffff  }
0x2f8: {  	v58 =	vshll.u32 v46, $0x9;
	v55 =	vor.u32 v46, v22;
	v34 =	vor.u32 $0x180, v57;
	[tilespmem:v62+s13+$0x0] =	vst.idx.msk $0xffff, v38  }
0x2f9: {  	v40 =	vor.u32 $0x180, v58;
	v35 =	vor.u32 s22, v14;
	v59 =	vor.u32 v26, v34;
	[tilespmem:v52+s13+$0x0] =	vst.idx.msk $0xffff, v39;
	v39 =	vld.idx.msk [tilespmem:v53+s11+$0x0], $0xffff  }
0x2fa: {  	v61 =	vor.u32 v18, v37;
	v31 =	vor.u32 v24, v31;
	[tilespmem:v32+s13+$0x0] =	vst.idx.msk $0xffff, v43;
	v33 =	vld.idx.msk [tilespmem:v54+s11+$0x0], $0xffff  }
0x2fb: {  	v30 =	vld.idx.msk [tilespmem:v30+s11+$0x0], $0xffff;
	v38 =	vor.u32 s19, v6;
	[tilespmem:v47+s13+$0x0] =	vst.idx.msk $0xffff, v63;
	v62 =	vor.u32 v35, v27;
	v63 =	vor.u32 s20, v2  }
0x2fc: {  	[tilespmem:v28+s13+$0x0] =	vst.idx.msk $0xffff, v29;
	v60 =	vld.idx.msk [tilespmem:v48+s11+$0x0], $0xffff;
	v54 =	vor.u32 v20, v40;
	v56 =	vor.u32 v38, v16  }
0x2fd: {  	v36 =	vld.idx.msk [tilespmem:v55+s11+$0x0], $0xffff;
	v28 =	vor.u32 v17, v37;
	v40 =	vor.u32 v21, v40;
	v50 =	vor.u32 v63, v23  }
0x2fe: {  	v55 =	vshll.u32 v35, $0x9;
	v27 =	vor.u32 v51, v27;
	v57 =	vor.u32 v63, v22;
	[tilespmem:v59+s13+$0x0] =	vst.idx.msk $0xffff, v39  }
0x2ff: {  	v29 =	vor.u32 v38, v19;
	v58 =	vld.idx.msk [tilespmem:v49+s11+$0x0], $0xffff;
	v38 =	vshll.u32 v38, $0x9;
	[tilespmem:v61+s13+$0x0] =	vst.idx.msk $0xffff, v33;
	v33 =	vor.u32 $0x180, v55  }
0x300: {  	v32 =	vshll.u32 v63, $0x9;
	v38 =	vor.u32 $0x180, v38;
	v41 =	vld.idx.msk [tilespmem:v62+s11+$0x0], $0xffff;
	v59 =	vor.u32 v26, v33  }
0x301: {  	v32 =	vor.u32 $0x180, v32;
	[tilespmem:v54+s13+$0x0] =	vst.idx.msk $0xffff, v60;
	v61 =	vor.u32 v18, v38;
	v56 =	vld.idx.msk [tilespmem:v56+s11+$0x0], $0xffff  }
0x302: {  	v63 =	vor.u32 v20, v32;
	v39 =	vor.u32 s19, v9;
	[tilespmem:v40+s13+$0x0] =	vst.idx.msk $0xffff, v36;
	v60 =	vld.idx.msk [tilespmem:v50+s11+$0x0], $0xffff  }
0x303: {  	v32 =	vor.u32 v21, v32;
	v62 =	vor.u32 s20, v3;
	v52 =	vor.u32 v39, v16;
	v48 =	vld.idx.msk [tilespmem:v57+s11+$0x0], $0xffff  }
0x304: {  	[tilespmem:v28+s13+$0x0] =	vst.idx.msk $0xffff, v58;
	v28 =	vor.u32 v17, v38;
	v58 =	vshll.u32 v51, $0x9;
	v54 =	vor.u32 v62, v23  }
0x305: {  	v55 =	vor.u32 v39, v19;
	v57 =	vor.u32 v45, v25;
	v39 =	vshll.u32 v39, $0x9;
	[tilespmem:v59+s13+$0x0] =	vst.idx.msk $0xffff, v41  }
0x306: {  	v29 =	vld.idx.msk [tilespmem:v29+s11+$0x0], $0xffff;
	v53 =	vor.u32 v62, v22;
	v36 =	vshll.u32 v62, $0x9;
	v39 =	vor.u32 $0x180, v39;
	[tilespmem:v61+s13+$0x0] =	vst.idx.msk $0xffff, v56  }
0x307: {  	v41 =	vor.u32 v24, v34;
	v34 =	vor.u32 $0x180, v58;
	[tilespmem:v63+s13+$0x0] =	vst.idx.msk $0xffff, v60;
	v60 =	vor.u32 v18, v39  }
0x308: {  	v59 =	vor.u32 s19, v10;
	[tilespmem:v32+s13+$0x0] =	vst.idx.msk $0xffff, v48;
	v40 =	vld.idx.msk [tilespmem:v52+s11+$0x0], $0xffff;
	v42 =	vor.u32 v26, v34;
	v26 =	vor.u32 $0x180, v36  }
0x309: {  	v32 =	vor.u32 s20, v4;
	v36 =	vld.idx.msk [tilespmem:v54+s11+$0x0], $0xffff;
	v62 =	vor.u32 v59, v16;
	v61 =	vor.u32 v20, v26  }
0x30a: {  	v27 =	vld.idx.msk [tilespmem:v27+s11+$0x0], $0xffff;
	v63 =	vor.u32 v32, v23  }
0x30b: {  	[tilespmem:v31+s13+$0x0] =	vst.idx.msk $0xffff, v30;
	v30 =	vld.idx.msk [tilespmem:v53+s11+$0x0], $0xffff;
	v31 =	vor.u32 v21, v26  }
0x30c: {  	[tilespmem:v28+s13+$0x0] =	vst.idx.msk $0xffff, v29;
	v28 =	vor.u32 v17, v39;
	v29 =	vld.idx.msk [tilespmem:v57+s11+$0x0], $0xffff;
	v56 =	vor.u32 v32, v22  }
0x30d: {  	v57 =	vor.u32 v59, v19;
	v58 =	vld.idx.msk [tilespmem:v55+s11+$0x0], $0xffff;
	v59 =	vshll.u32 v59, $0x9;
	[tilespmem:v60+s13+$0x0] =	vst.idx.msk $0xffff, v40  }
0x30e: {  	v52 =	vor.u32 v35, v25;
	v32 =	vshll.u32 v32, $0x9;
	v60 =	vor.u32 $0x180, v59;
	[tilespmem:v61+s13+$0x0] =	vst.idx.msk $0xffff, v36;
	v61 =	vld.idx.msk [tilespmem:v62+s11+$0x0], $0xffff  }
0x30f: {  	[tilespmem:v42+s13+$0x0] =	vst.idx.msk $0xffff, v27;
	v27 =	vor.u32 $0x180, v32;
	v62 =	vor.u32 v18, v60;
	v37 =	vld.idx.msk [tilespmem:v63+s11+$0x0], $0xffff;
	v63 =	vor.u32 s19, v11  }
0x310: {  	v38 =	vor.u32 s20, v5;
	[tilespmem:v31+s13+$0x0] =	vst.idx.msk $0xffff, v30;
	v39 =	vor.u32 v20, v27;
	v30 =	vor.u32 v63, v16  }
0x311: {  	v25 =	vor.u32 v51, v25;
	v26 =	vor.u32 v24, v33;
	v40 =	vor.u32 v38, v23  }
0x312: {  	v24 =	vor.u32 v24, v34;
	[tilespmem:v28+s13+$0x0] =	vst.idx.msk $0xffff, v58;
	v36 =	vor.u32 v21, v27;
	v35 =	vld.idx.msk [tilespmem:v56+s11+$0x0], $0xffff  }
0x313: {  	v34 =	vor.u32 v38, v22;
	[tilespmem:v41+s13+$0x0] =	vst.idx.msk $0xffff, v29;
	v32 =	vor.u32 v17, v60;
	v33 =	vld.idx.msk [tilespmem:v57+s11+$0x0], $0xffff  }
0x314: {  	s23 =	simm.s32 $0x60;
	s22 =	simm.s32 $0x4;
	v27 =	vld.idx.msk [tilespmem:v52+s11+$0x0], $0xffff;
	v31 =	vor.u32 v63, v19;
	v28 =	vshll.u32 v63, $0x9;
	[tilespmem:v62+s13+$0x0] =	vst.idx.msk $0xffff, v61  }
.LBB2_10:
0x315: {  	s25 =	sand.u32 $0x60, s23;
	s22 =	sadd.s32 $0x2, s22;
	v29 =	vshll.u32 v38, $0x9;
	[tilespmem:v39+s13+$0x0] =	vst.idx.msk $0xffff, v37;
	v37 =	vor.u32 $0x180, v28;
	v38 =	vor.u32 s19, v12;
	v39 =	vld.idx.msk [tilespmem:v30+s11+$0x0], $0xffff  }
0x316: {  	v41 =	vor.u32 s20, v7;
	s21 =	sadd.s32 $0x4, s21;
	s26 =	sor.u32 $0x10, s25;
	p0 =	slt.u32 s22, $0x3E;
	v29 =	vor.u32 $0x180, v29;
	v40 =	vld.idx.msk [tilespmem:v40+s11+$0x0], $0xffff;
	v42 =	vor.u32 v18, v37  }
0x317: {  	s24 =	sand.u32 $0x70, s21;
	v30 =	vor.u32 s26, v0;
	[tilespmem:v36+s13+$0x0] =	vst.idx.msk $0xffff, v35;
	v35 =	vor.u32 v20, v29;
	v36 =	vor.u32 v38, v16  }
0x318: {  	v45 =	vor.u32 v41, v23;
	v43 =	vor.u32 s24, v0;
	v44 =	vshll.u32 v30, $0x7;
	v34 =	vld.idx.msk [tilespmem:v34+s11+$0x0], $0xffff  }
0x319: {  	v28 =	vor.u32 s25, v0;
	v47 =	vor.u32 v21, v29;
	v46 =	vor.u32 v43, v44;
	[tilespmem:v32+s13+$0x0] =	vst.idx.msk $0xffff, v33  }
0x31a: {  	v29 =	vshll.u32 v28, $0x7;
	v32 =	vor.u32 v41, v22;
	v33 =	vor.u32 v17, v37;
	v31 =	vld.idx.msk [tilespmem:v31+s11+$0x0], $0xffff  }
0x31b: {  	v49 =	vor.u32 s19, v13;
	v48 =	vshll.u32 v38, $0x9;
	v37 =	vor.u32 v43, v29;
	[tilespmem:v42+s13+$0x0] =	vst.idx.msk $0xffff, v39  }
0x31c: {  	v39 =	vshll.u32 v41, $0x9;
	v41 =	vor.u32 s20, v8;
	[tilespmem:v35+s13+$0x0] =	vst.idx.msk $0xffff, v40;
	v35 =	vor.u32 $0x180, v48;
	v36 =	vld.idx.msk [tilespmem:v36+s11+$0x0], $0xffff  }
0x31d: {  	v40 =	vshll.u32 v43, $0x9;
	v39 =	vor.u32 $0x180, v39;
	v42 =	vld.idx.msk [tilespmem:v45+s11+$0x0], $0xffff;
	v43 =	vor.u32 v18, v35;
	[tilespmem:v26+s13+$0x0] =	vst.idx.msk $0xffff, v27  }
0x31e: {  	v26 =	vor.u32 $0x180, v40;
	v45 =	vor.u32 v20, v39;
	v40 =	vld.idx.msk [tilespmem:v46+s11+$0x0], $0xffff;
	v46 =	vor.u32 v49, v16  }
0x31f: {  	v48 =	vor.u32 s24, v1;
	v50 =	vor.u32 v30, v26;
	[tilespmem:v47+s13+$0x0] =	vst.idx.msk $0xffff, v34;
	v34 =	vor.u32 v41, v23  }
0x320: {  	v51 =	vor.u32 v48, v44;
	v26 =	vor.u32 v28, v26;
	v47 =	vor.u32 v48, v29;
	v37 =	vld.idx.msk [tilespmem:v37+s11+$0x0], $0xffff  }
0x321: {  	v52 =	vor.u32 v41, v22;
	v39 =	vor.u32 v21, v39;
	v32 =	vld.idx.msk [tilespmem:v32+s11+$0x0], $0xffff;
	[tilespmem:v33+s13+$0x0] =	vst.idx.msk $0xffff, v31  }
0x322: {  	v31 =	vor.u32 v38, v19;
	v33 =	vshll.u32 v49, $0x9;
	v38 =	vor.u32 s19, v14;
	[tilespmem:v43+s13+$0x0] =	vst.idx.msk $0xffff, v36;
	v27 =	vld.idx.msk [tilespmem:v25+s11+$0x0], $0xffff  }
0x323: {  	v25 =	vshll.u32 v41, $0x9;
	v36 =	vor.u32 s20, v6;
	v33 =	vor.u32 $0x180, v33;
	[tilespmem:v45+s13+$0x0] =	vst.idx.msk $0xffff, v42;
	v41 =	vld.idx.msk [tilespmem:v46+s11+$0x0], $0xffff  }
0x324: {  	v42 =	vshll.u32 v48, $0x9;
	v25 =	vor.u32 $0x180, v25;
	[tilespmem:v50+s13+$0x0] =	vst.idx.msk $0xffff, v40;
	v34 =	vld.idx.msk [tilespmem:v34+s11+$0x0], $0xffff;
	v40 =	vor.u32 v18, v33  }
0x325: {  	v46 =	vor.u32 v38, v16;
	v42 =	vor.u32 $0x180, v42;
	v45 =	vor.u32 v20, v25;
	v43 =	vld.idx.msk [tilespmem:v51+s11+$0x0], $0xffff  }
0x326: {  	v48 =	vor.u32 v36, v23;
	[tilespmem:v26+s13+$0x0] =	vst.idx.msk $0xffff, v37;
	v26 =	vor.u32 s24, v2;
	v37 =	vor.u32 v30, v42  }
0x327: {  	v42 =	vor.u32 v28, v42;
	v47 =	vld.idx.msk [tilespmem:v47+s11+$0x0], $0xffff;
	v50 =	vor.u32 v26, v29;
	v51 =	vor.u32 v26, v44  }
0x328: {  	v25 =	vor.u32 v21, v25;
	[tilespmem:v39+s13+$0x0] =	vst.idx.msk $0xffff, v32;
	v32 =	vor.u32 v36, v22;
	v31 =	vld.idx.msk [tilespmem:v31+s11+$0x0], $0xffff  }
0x329: {  	v53 =	vor.u32 s19, v15;
	v35 =	vor.u32 v17, v35;
	s19 =	smov.u32 s20;
	s20 =	smov.u32 s24;
	v39 =	vld.idx.msk [tilespmem:v52+s11+$0x0], $0xffff;
	v52 =	vshll.u32 v38, $0x9;
	[tilespmem:v40+s13+$0x0] =	vst.idx.msk $0xffff, v41  }
0x32a: {  	v36 =	vshll.u32 v36, $0x9;
	v40 =	vor.u32 s19, v9;
	[tilespmem:v45+s13+$0x0] =	vst.idx.msk $0xffff, v34;
	v34 =	vor.u32 $0x180, v52;
	v41 =	vld.idx.msk [tilespmem:v46+s11+$0x0], $0xffff  }
0x32b: {  	v26 =	vshll.u32 v26, $0x9;
	v36 =	vor.u32 $0x180, v36;
	[tilespmem:v37+s13+$0x0] =	vst.idx.msk $0xffff, v43;
	v37 =	vld.idx.msk [tilespmem:v48+s11+$0x0], $0xffff;
	v43 =	vor.u32 v18, v34  }
0x32c: {  	v26 =	vor.u32 $0x180, v26;
	v46 =	vor.u32 v20, v36;
	v48 =	vor.u32 v53, v16;
	v16 =	vmovc v23;
	v45 =	vld.idx.msk [tilespmem:v51+s11+$0x0], $0xffff  }
0x32d: {  	v51 =	vor.u32 v40, v16;
	[tilespmem:v42+s13+$0x0] =	vst.idx.msk $0xffff, v47;
	v42 =	vor.u32 s20, v3;
	v47 =	vor.u32 v30, v26  }
0x32e: {  	v26 =	vor.u32 v28, v26;
	v50 =	vld.idx.msk [tilespmem:v50+s11+$0x0], $0xffff;
	v52 =	vor.u32 v42, v29;
	v54 =	vor.u32 v42, v44  }
0x32f: {  	v23 =	vmov v44;
	[tilespmem:v25+s13+$0x0] =	vst.idx.msk $0xffff, v39;
	v25 =	vor.u32 v21, v36;
	v36 =	vor.u32 v40, v22  }
0x330: {  	v44 =	vshll.u32 v53, $0x9;
	v39 =	vor.u32 v49, v19;
	v32 =	vld.idx.msk [tilespmem:v32+s11+$0x0], $0xffff;
	[tilespmem:v43+s13+$0x0] =	vst.idx.msk $0xffff, v41  }
0x331: {  	v40 =	vshll.u32 v40, $0x9;
	v41 =	vor.u32 v17, v33;
	v33 =	vor.u32 $0x180, v44;
	[tilespmem:v46+s13+$0x0] =	vst.idx.msk $0xffff, v37;
	v37 =	vld.idx.msk [tilespmem:v48+s11+$0x0], $0xffff  }
0x332: {  	v42 =	vshll.u32 v42, $0x9;
	v40 =	vor.u32 $0x180, v40;
	v18 =	vor.u32 v18, v33;
	[tilespmem:v47+s13+$0x0] =	vst.idx.msk $0xffff, v45;
	v43 =	vld.idx.msk [tilespmem:v51+s11+$0x0], $0xffff  }
0x333: {  	v42 =	vor.u32 $0x180, v42;
	v46 =	vor.u32 v20, v40;
	v45 =	vor.u32 s19, v10;
	v44 =	vld.idx.msk [tilespmem:v54+s11+$0x0], $0xffff;
	[tilespmem:v35+s13+$0x0] =	vst.idx.msk $0xffff, v31  }
0x334: {  	v31 =	vor.u32 s20, v4;
	v35 =	vor.u32 v30, v42;
	v47 =	vor.u32 v45, v16;
	[tilespmem:v26+s13+$0x0] =	vst.idx.msk $0xffff, v50  }
0x335: {  	v42 =	vor.u32 v28, v42;
	v49 =	vor.u32 v31, v29;
	v50 =	vor.u32 v31, v23;
	v48 =	vld.idx.msk [tilespmem:v52+s11+$0x0], $0xffff  }
0x336: {  	v51 =	vor.u32 v45, v22;
	[tilespmem:v25+s13+$0x0] =	vst.idx.msk $0xffff, v32;
	v32 =	vor.u32 v21, v40;
	v52 =	vld.idx.msk [tilespmem:v39+s11+$0x0], $0xffff  }
0x337: {  	v55 =	vor.u32 v38, v19;
	v26 =	vor.u32 v17, v34;
	v54 =	vld.idx.msk [tilespmem:v36+s11+$0x0], $0xffff;
	[tilespmem:v18+s13+$0x0] =	vst.idx.msk $0xffff, v37  }
0x338: {  	v34 =	vshll.u32 v45, $0x9;
	v25 =	vor.u32 v53, v19;
	[tilespmem:v46+s13+$0x0] =	vst.idx.msk $0xffff, v43;
	v43 =	vor.u32 v17, v33  }
0x339: {  	v19 =	vor.u32 $0x180, v34;
	v18 =	vmovc v20;
	v20 =	vmov v30;
	v17 =	vshll.u32 v31, $0x9;
	[tilespmem:v35+s13+$0x0] =	vst.idx.msk $0xffff, v44;
	v44 =	vld.idx.msk [tilespmem:v47+s11+$0x0], $0xffff  }
0x33a: {  	v45 =	vor.u32 s19, v11;
	v46 =	vor.u32 v18, v19;
	v17 =	vor.u32 $0x180, v17;
	v37 =	vld.idx.msk [tilespmem:v50+s11+$0x0], $0xffff;
	[tilespmem:v24+s13+$0x0] =	vst.idx.msk $0xffff, v27  }
.Ltmp4:
0x33b: {  	v38 =	vor.u32 s20, v5;
	v30 =	vor.u32 v45, v16;
	v39 =	vor.u32 v20, v17;
	[tilespmem:v42+s13+$0x0] =	vst.idx.msk $0xffff, v48;
	(pc) =	sbr.rel @p0 .LBB2_10-.Ltmp4, $4  }
0x33c: {  	v34 =	vor.u32 v38, v29;
	v40 =	vor.u32 v38, v23;
	v36 =	vor.u32 v28, v17;
	v35 =	vld.idx.msk [tilespmem:v49+s11+$0x0], $0xffff  }
0x33d: {  	v31 =	vor.u32 v45, v22;
	v17 =	vmov v21;
	[tilespmem:v32+s13+$0x0] =	vst.idx.msk $0xffff, v54;
	v32 =	vor.u32 v21, v19  }
0x33e: {  	v24 =	vmovc v43;
	v21 =	vmov v28;
	v19 =	vmov v22;
	v22 =	vmov v29;
	v33 =	vld.idx.msk [tilespmem:v51+s11+$0x0], $0xffff;
	[tilespmem:v41+s13+$0x0] =	vst.idx.msk $0xffff, v52  }
0x33f: {  	s23 =	sadd.s32 $0x20, s23;
	v28 =	vshll.u32 v45, $0x9;
	[tilespmem:v46+s13+$0x0] =	vst.idx.msk $0xffff, v44;
	v27 =	vld.idx.msk [tilespmem:v55+s11+$0x0], $0xffff  }
0x340: {  	_ =	sdelay $0x2  }
0x341: {  	v29 =	vshll.u32 v38, $0x9  }
0x342: {  	[tilespmem:v39+s13+$0x0] =	vst.idx.msk $0xffff, v37;
	v29 =	vor.u32 $0x180, v29  }
0x343: {  	v42 =	vor.u32 s20, v7;
	v43 =	vld.idx.msk [tilespmem:v40+s11+$0x0], $0xffff;
	[tilespmem:v36+s13+$0x0] =	vst.idx.msk $0xffff, v35;
	v44 =	vor.u32 v20, v29  }
0x344: {  	v45 =	vor.u32 v42, v23;
	v34 =	vld.idx.msk [tilespmem:v34+s11+$0x0], $0xffff;
	v29 =	vor.u32 v21, v29  }
0x345: {  	v46 =	vor.u32 v42, v22;
	_ =	sdelay $0x1  }
0x346: {  	v37 =	vshll.u32 v42, $0x9  }
0x347: {  	v37 =	vor.u32 $0x180, v37;
	[tilespmem:v44+s13+$0x0] =	vst.idx.msk $0xffff, v43  }
0x348: {  	v47 =	vor.u32 s20, v8;
	v48 =	vor.u32 v20, v37;
	[tilespmem:v29+s13+$0x0] =	vst.idx.msk $0xffff, v34;
	v35 =	vld.idx.msk [tilespmem:v45+s11+$0x0], $0xffff  }
0x349: {  	v49 =	vor.u32 v47, v23;
	v50 =	vor.u32 v21, v37;
	v34 =	vld.idx.msk [tilespmem:v46+s11+$0x0], $0xffff  }
0x34a: {  	v51 =	vor.u32 v47, v22;
	_ =	sdelay $0x1  }
0x34b: {  	v38 =	vshll.u32 v47, $0x9  }
0x34c: {  	v52 =	vor.u32 $0x180, v38;
	[tilespmem:v48+s13+$0x0] =	vst.idx.msk $0xffff, v35  }
0x34d: {  	v53 =	vor.u32 s20, v6;
	v54 =	vor.u32 v20, v52;
	[tilespmem:v50+s13+$0x0] =	vst.idx.msk $0xffff, v34;
	v29 =	vld.idx.msk [tilespmem:v49+s11+$0x0], $0xffff  }
0x34e: {  	v55 =	vor.u32 v53, v23;
	v56 =	vor.u32 v21, v52;
	v57 =	vld.idx.msk [tilespmem:v51+s11+$0x0], $0xffff  }
0x34f: {  	v58 =	vor.u32 v53, v22;
	_ =	sdelay $0x1  }
0x350: {  	v59 =	vshll.u32 v53, $0x9  }
0x351: {  	v60 =	vor.u32 $0x180, v59;
	[tilespmem:v54+s13+$0x0] =	vst.idx.msk $0xffff, v29  }
0x352: {  	v61 =	vor.u32 s20, v9;
	v63 =	vor.u32 v20, v60;
	[tilespmem:v56+s13+$0x0] =	vst.idx.msk $0xffff, v57;
	v62 =	vld.idx.msk [tilespmem:v55+s11+$0x0], $0xffff  }
0x353: {  	v44 =	vor.u32 v61, v23;
	v29 =	vor.u32 v21, v60;
	v34 =	vld.idx.msk [tilespmem:v58+s11+$0x0], $0xffff  }
0x354: {  	v45 =	vor.u32 v61, v22;
	_ =	sdelay $0x1  }
0x355: {  	v46 =	vshll.u32 v61, $0x9  }
0x356: {  	v36 =	vor.u32 $0x180, v46;
	[tilespmem:v63+s13+$0x0] =	vst.idx.msk $0xffff, v62  }
0x357: {  	v48 =	vor.u32 s20, v10;
	v49 =	vor.u32 v20, v36;
	[tilespmem:v29+s13+$0x0] =	vst.idx.msk $0xffff, v34;
	v47 =	vld.idx.msk [tilespmem:v44+s11+$0x0], $0xffff  }
0x358: {  	v50 =	vor.u32 v48, v23;
	v51 =	vor.u32 v21, v36;
	v34 =	vld.idx.msk [tilespmem:v45+s11+$0x0], $0xffff  }
0x359: {  	v52 =	vor.u32 v48, v22;
	_ =	sdelay $0x1  }
0x35a: {  	v53 =	vshll.u32 v48, $0x9  }
0x35b: {  	v36 =	vor.u32 $0x180, v53;
	[tilespmem:v49+s13+$0x0] =	vst.idx.msk $0xffff, v47  }
0x35c: {  	v54 =	vor.u32 s20, v11;
	v55 =	vor.u32 v20, v36;
	[tilespmem:v51+s13+$0x0] =	vst.idx.msk $0xffff, v34;
	v37 =	vld.idx.msk [tilespmem:v50+s11+$0x0], $0xffff  }
0x35d: {  	v57 =	vor.u32 v21, v36;
	v56 =	vor.u32 v54, v23;
	v34 =	vld.idx.msk [tilespmem:v52+s11+$0x0], $0xffff  }
0x35e: {  	v28 =	vor.u32 $0x180, v28;
	v58 =	vor.u32 v54, v22  }
0x35f: {  	v41 =	vor.u32 v18, v28  }
0x360: {  	v30 =	vld.idx.msk [tilespmem:v30+s11+$0x0], $0xffff;
	v28 =	vor.u32 v17, v28;
	v59 =	vor.u32 s19, v12;
	[tilespmem:v32+s13+$0x0] =	vst.idx.msk $0xffff, v33;
	v38 =	vshll.u32 v54, $0x9  }
0x361: {  	v42 =	vor.u32 v59, v16;
	v31 =	vld.idx.msk [tilespmem:v31+s11+$0x0], $0xffff;
	v61 =	vor.u32 s20, v12;
	v60 =	vor.u32 $0x180, v38;
	[tilespmem:v55+s13+$0x0] =	vst.idx.msk $0xffff, v37  }
0x362: {  	v46 =	vor.u32 v59, v19;
	v38 =	vor.u32 v20, v60;
	[tilespmem:v57+s13+$0x0] =	vst.idx.msk $0xffff, v34;
	v62 =	vld.idx.msk [tilespmem:v56+s11+$0x0], $0xffff  }
0x363: {  	v63 =	vor.u32 v61, v23;
	v47 =	vor.u32 v21, v60;
	v35 =	vld.idx.msk [tilespmem:v58+s11+$0x0], $0xffff  }
0x364: {  	v32 =	vshll.u32 v61, $0x9;
	v48 =	vor.u32 v61, v22;
	v45 =	vshll.u32 v59, $0x9  }
0x365: {  	[tilespmem:v41+s13+$0x0] =	vst.idx.msk $0xffff, v30;
	v32 =	vor.u32 $0x180, v32;
	v29 =	vor.u32 $0x180, v45  }
0x366: {  	[tilespmem:v28+s13+$0x0] =	vst.idx.msk $0xffff, v31;
	v53 =	vor.u32 s20, v13;
	v49 =	vor.u32 s19, v13;
	v51 =	vor.u32 v18, v29;
	v50 =	vld.idx.msk [tilespmem:v42+s11+$0x0], $0xffff  }
0x367: {  	v29 =	vor.u32 v17, v29;
	v52 =	vor.u32 v49, v16;
	v34 =	vld.idx.msk [tilespmem:v46+s11+$0x0], $0xffff;
	[tilespmem:v38+s13+$0x0] =	vst.idx.msk $0xffff, v62  }
0x368: {  	v55 =	vor.u32 v20, v32;
	v58 =	vor.u32 v49, v19;
	[tilespmem:v47+s13+$0x0] =	vst.idx.msk $0xffff, v35;
	v54 =	vld.idx.msk [tilespmem:v63+s11+$0x0], $0xffff  }
0x369: {  	v28 =	vshll.u32 v53, $0x9;
	v32 =	vor.u32 v21, v32;
	v56 =	vor.u32 v53, v23;
	v30 =	vld.idx.msk [tilespmem:v48+s11+$0x0], $0xffff  }
0x36a: {  	v28 =	vor.u32 $0x180, v28;
	v59 =	vor.u32 v53, v22;
	v57 =	vshll.u32 v49, $0x9  }
0x36b: {  	v44 =	vor.u32 v20, v28;
	[tilespmem:v51+s13+$0x0] =	vst.idx.msk $0xffff, v50;
	v35 =	vor.u32 $0x180, v57  }
0x36c: {  	v60 =	vor.u32 s19, v14;
	v40 =	vld.idx.msk [tilespmem:v52+s11+$0x0], $0xffff;
	[tilespmem:v29+s13+$0x0] =	vst.idx.msk $0xffff, v34;
	v61 =	vor.u32 v18, v35  }
0x36d: {  	v62 =	vor.u32 v60, v16;
	v46 =	vld.idx.msk [tilespmem:v58+s11+$0x0], $0xffff;
	v45 =	vor.u32 v17, v35;
	[tilespmem:v55+s13+$0x0] =	vst.idx.msk $0xffff, v54  }
0x36e: {  	v49 =	vor.u32 v60, v19;
	v63 =	vor.u32 s20, v14;
	[tilespmem:v32+s13+$0x0] =	vst.idx.msk $0xffff, v30;
	v31 =	vld.idx.msk [tilespmem:v56+s11+$0x0], $0xffff  }
0x36f: {  	v28 =	vor.u32 v21, v28;
	v47 =	vor.u32 v63, v23;
	v37 =	vld.idx.msk [tilespmem:v59+s11+$0x0], $0xffff  }
0x370: {  	v51 =	vor.u32 s19, v15;
	v48 =	vshll.u32 v60, $0x9;
	v50 =	vor.u32 v63, v22  }
0x371: {  	v16 =	vor.u32 v51, v16;
	[tilespmem:v61+s13+$0x0] =	vst.idx.msk $0xffff, v40;
	v30 =	vor.u32 $0x180, v48  }
0x372: {  	v29 =	vshll.u32 v63, $0x9;
	[tilespmem:v45+s13+$0x0] =	vst.idx.msk $0xffff, v46;
	v40 =	vld.idx.msk [tilespmem:v62+s11+$0x0], $0xffff;
	v52 =	vor.u32 v18, v30  }
0x373: {  	v53 =	vor.u32 s20, v15;
	v29 =	vor.u32 $0x180, v29;
	v30 =	vor.u32 v17, v30;
	v32 =	vld.idx.msk [tilespmem:v49+s11+$0x0], $0xffff;
	[tilespmem:v44+s13+$0x0] =	vst.idx.msk $0xffff, v31  }
0x374: {  	v57 =	vor.u32 v51, v19;
	v54 =	vor.u32 v20, v29;
	[tilespmem:v28+s13+$0x0] =	vst.idx.msk $0xffff, v37;
	v33 =	vld.idx.msk [tilespmem:v47+s11+$0x0], $0xffff  }
0x375: {  	v55 =	vor.u32 v53, v23;
	v29 =	vor.u32 v21, v29;
	v58 =	vld.idx.msk [tilespmem:v50+s11+$0x0], $0xffff  }
0x376: {  	[tilespmem:v26+s13+$0x0] =	vst.idx.msk $0xffff, v27;
	v56 =	vshll.u32 v51, $0x9;
	v59 =	vor.u32 v53, v22  }
0x377: {  	v25 =	vld.idx.msk [tilespmem:v25+s11+$0x0], $0xffff;
	[tilespmem:v52+s13+$0x0] =	vst.idx.msk $0xffff, v40;
	v28 =	vor.u32 $0x180, v56  }
0x378: {  	v61 =	vshll.u32 v53, $0x9;
	[tilespmem:v30+s13+$0x0] =	vst.idx.msk $0xffff, v32;
	v16 =	vld.idx.msk [tilespmem:v16+s11+$0x0], $0xffff;
	v60 =	vor.u32 v18, v28  }
0x379: {  	v26 =	vor.u32 $0x180, v61;
	v17 =	vor.u32 v17, v28;
	v19 =	vld.idx.msk [tilespmem:v57+s11+$0x0], $0xffff;
	[tilespmem:v54+s13+$0x0] =	vst.idx.msk $0xffff, v33  }
0x37a: {  	v62 =	vor.u32 v20, v26;
	[tilespmem:v29+s13+$0x0] =	vst.idx.msk $0xffff, v58;
	v23 =	vld.idx.msk [tilespmem:v55+s11+$0x0], $0xffff  }
0x37b: {  	v63 =	vor.u32 v21, v26;
	v22 =	vld.idx.msk [tilespmem:v59+s11+$0x0], $0xffff  }
0x37c: {  	[tilespmem:v24+s13+$0x0] =	vst.idx.msk $0xffff, v25  }
0x37d: {  	[tilespmem:v60+s13+$0x0] =	vst.idx.msk $0xffff, v16  }
0x37e: {  	[tilespmem:v17+s13+$0x0] =	vst.idx.msk $0xffff, v19  }
0x37f: {  	[tilespmem:v62+s13+$0x0] =	vst.idx.msk $0xffff, v23  }
0x380: {  	s21 =	sadd.s32 $0x0, s6;
	s19 =	simm.s32 $0x800;
	s20 =	simm.s32 $0x8300;
	[tilespmem:v63+s13+$0x0] =	vst.idx.msk $0xffff, v22  }
.LBB2_12:
0x381: {  	[hbm4b:s21+s3] =	stream.linear.scatter [tilespmem:s20], [sflag:$0x3], $0x100, $0x38;
	[tilespmem:$0x18200] =	vst v63  }
0x382: {  	s21 =	smov.u32 s19;
	p0 =	sne.s32 s19, $0x3F800  }
.Ltmp5:
0x383: {  	s19 =	sadd.s32 $0x800, s19;
	(pc) =	sbr.rel @p0 .LBB2_12-.Ltmp5, $3  }
0x384: {  	_ =	sdelay $0x1  }
0x385: {  	s20 =	sshra.s32 s21, $0x2  }
0x386: {  	s21 =	sadd.s32 s21, s6;
	s20 =	sadd.s32 $0x8300, s20  }
0x387: {  	[hbm4b:s21+s3] =	stream.linear.scatter [tilespmem:s20], [sflag:$0x3], $0x100, $0x38;
	[tilespmem:$0x18200] =	vst v63  }
0x388: {  	s18 =	sadd.s32 $0x1, s18  }
0x389: {  	_ =	swait.ge [sflag:s17], $0x8000;
	p0 =	sne.s32 s18, s7  }
.Ltmp6:
0x38a: {  	[sflag:s17] =	ssyncset.done $0x0;
	(pc) =	sbr.rel @p0 .LBB2_1-.Ltmp6, $4  }
0x38b: {  	[sflag:s17] =	ssyncadd.s32 $0xFFFF8000  }
0x38c: {  	_ =	swait.ge [sflag:s17], $0x8000  }
0x38d: {  	[sflag:s17] =	ssyncset.done $0x0  }
0x38e: {  	[sflag:s17] =	ssyncadd.s32 $0xFFFF8000  }
0x38f: {  	_ =	sfence.sel $0x180000  }
0x390: {  	[bflag:$0x0] =	sbarrier.arrive $0xFFFF  }
0x391: {  	p0 =	sne.s32 s2, $0x0;
	_ =	strace $0x90000047  }
0x392: {  	s0 =	sadd.s32 @!p0 $0x100000, s1;
	[bflag:$0x2] =	sbarrier.arrive $0xFFFF  }
0x393: {  	[sflag:s0] =	ssyncadd.tile.s32 @!p0 $0x1;
	_ =	shalt  }
.Lfunc_end2:
_tile_overlayer_lowered:
.L_overlay_start_2:
0x394: {  	(tag) =	ssettag $0x2  }
0x395: {  	s0 =	rddreg [dreg:$0x0];
	s2 =	stileid.u32  }
0x396: {  	s1 =	rddreg [dreg:$0x1];
	p0 =	sne.s32 s2, $0x0  }
0x397: {  	s3 =	rddreg [dreg:$0x2];
	[bflag:$0x3] =	sbarrier.arrive $0xFFFF;
	s2 =	simm.s32 @!p0 $0x1C04  }
0x398: {  	[timem:s3], [sflag:s2] =	dma.local @!p0 [hbm:s0], s1  }
0x399: {  	s0 =	simm.s32 @!p0 $0x4  }
0x39a: {  	_ =	swait.ge @!p0 [sflag:s0], s1  }
0x39b: {  	s1 =	ssub.s32 @!p0 $0x0, s1;
	[sflag:s0] =	ssyncset.done @!p0 $0x0  }
0x39c: {  	[sflag:s0] =	ssyncadd.s32 @!p0 s1  }
0x39d: {  	[bflag:$0x3] =	sbarrier.arrive $0xFFFF  }
0x39e: {  	_ =	shalt  }

</sc_bundles>
